<compile_context>
chip_gen: v7x
topology: tpu7x:2x2x1
jax: 0.10.2.dev20260603
libtpu: 0.0.44.dev20260713+nightly
codegen_flags: <defaults>
</compile_context>

<pallas_src>
import functools

import jax
import jax.numpy as jnp
from jax import lax
from jax.experimental import pallas as pl
from jax.experimental.pallas import tpu as pltpu
from jax.experimental.pallas import tpu_sc as plsc

N = 10000
E = 320000
D = 128
GAMMA = 1.0

NC = 2
NS = 16

PAD_N = 10240
HIST_SLICE = PAD_N // NS
ROWS_PER_TILE = PAD_N // NS
LAST_ROWS = N - (NS - 1) * ROWS_PER_TILE

E_PER_TILE = E // NS
K = 80
CHUNKS = E_PER_TILE // K
SEG = 50
SEG_E = SEG * K
HK = 128
H_FULL = E_PER_TILE // HK
H_TAIL = E_PER_TILE - H_FULL * HK

_mesh = plsc.VectorSubcoreMesh(
    core_axis_name="c", subcore_axis_name="s", num_cores=NC, num_subcores=NS)


def _copy_idx_chunk(big, small, base):
  for i in range(K // 16):
    small[pl.ds(i * 16, 16)] = big[pl.ds(base + i * 16, 16)]


@functools.partial(
    pl.kernel,
    out_type=jax.ShapeDtypeStruct((2 * PAD_N,), jnp.float32),
    mesh=_mesh,
    scratch_types=[
        pltpu.VMEM((E_PER_TILE,), jnp.int32),
        pltpu.VMEM((HK,), jnp.int32),
        pltpu.VMEM((HK,), jnp.int32),
        pltpu.VMEM((HK,), jnp.int32),
        pltpu.VMEM((H_TAIL,), jnp.int32),
        pltpu.VMEM((HK,), jnp.float32),
        pltpu.VMEM((HIST_SLICE,), jnp.float32),
        pltpu.VMEM_SHARED((PAD_N,), jnp.float32),
        pltpu.SemaphoreType.DMA,
        pltpu.SemaphoreType.DMA,
        pltpu.SemaphoreType.DMA,
    ],
)
def _deg_kernel(edges_flat, deg_out, idx_big, idx0, idx1, idx2, idx_tail,
                ones_v, zeros_v, hist_sh, sem0, sem1, sem2):
  c = lax.axis_index("c")
  s = lax.axis_index("s")
  idx_small = (idx0, idx1, idx2)
  sems = (sem0, sem1, sem2)

  for i in range(HK // 16):
    ones_v[pl.ds(i * 16, 16)] = jnp.full((16,), 1.0, jnp.float32)
  for i in range(HIST_SLICE // 16):
    zeros_v[pl.ds(i * 16, 16)] = jnp.full((16,), 0.0, jnp.float32)
  pltpu.sync_copy(zeros_v, hist_sh.at[pl.ds(s * HIST_SLICE, HIST_SLICE)])
  pltpu.sync_copy(edges_flat.at[pl.ds(c * E + s * E_PER_TILE, E_PER_TILE)],
                  idx_big)
  plsc.subcore_barrier()

  def copy_chunk(b, base):
    for i in range(HK // 16):
      idx_small[b][pl.ds(i * 16, 16)] = idx_big[pl.ds(base + i * 16, 16)]

  def fire(b):
    pltpu.async_copy(ones_v, hist_sh.at[idx_small[b]], sems[b], add=True)

  def drain(b):
    pltpu.make_async_copy(ones_v, hist_sh.at[idx_small[b]], sems[b]).wait()

  for b in range(3):
    copy_chunk(b, b * HK)
    fire(b)

  def outer(o, carry):
    for b in range(3):
      k = o * 3 + b
      drain(b)
      kn = k + 3

      @pl.when(kn < H_FULL)
      def _():
        copy_chunk(b, kn * HK)
        fire(b)

    return carry

  lax.fori_loop(0, H_FULL // 3, outer, 0)
  for i in range(H_TAIL // 16):
    idx_tail[pl.ds(i * 16, 16)] = idx_big[pl.ds(H_FULL * HK + i * 16, 16)]
  pltpu.sync_copy(ones_v.at[pl.ds(0, H_TAIL)], hist_sh.at[idx_tail], add=True)
  plsc.subcore_barrier()
  pltpu.sync_copy(hist_sh.at[pl.ds(s * HIST_SLICE, HIST_SLICE)],
                  deg_out.at[pl.ds(c * PAD_N + s * HIST_SLICE, HIST_SLICE)])


BLK = 2048
GRID_M = PAD_N // BLK
DEG_R = BLK // D


def _dense_body(feat_ref, wm_ref, wv_ref, deg_ref, gm_ref, gv_ref):
  x = feat_ref[...]
  mean = jnp.maximum(jnp.dot(x, wm_ref[...],
                             preferred_element_type=jnp.float32), 0.0)
  var = jnp.maximum(jnp.dot(x, wv_ref[...],
                            preferred_element_type=jnp.float32), 0.0)
  att = jnp.exp(-GAMMA * var)
  a = lax.rsqrt(deg_ref[0] + 1.0)
  a3 = lax.broadcast_in_dim(a, (DEG_R, D, D), (0, 1))
  gm3 = a3 * (mean * att).reshape(DEG_R, D, D)
  gv3 = (a3 * a3) * (var * att * att).reshape(DEG_R, D, D)
  gm_ref[...] = gm3.reshape(BLK, D)
  gv_ref[...] = gv3.reshape(BLK, D)


_dense_call = pl.pallas_call(
    _dense_body,
    grid=(GRID_M,),
    in_specs=[
        pl.BlockSpec((BLK, D), lambda i: (i, 0)),
        pl.BlockSpec((D, D), lambda i: (0, 0)),
        pl.BlockSpec((D, D), lambda i: (0, 0)),
        pl.BlockSpec((1, DEG_R, D), lambda i: (0, i, 0)),
    ],
    out_specs=[
        pl.BlockSpec((BLK, D), lambda i: (i, 0)),
        pl.BlockSpec((BLK, D), lambda i: (i, 0)),
    ],
    out_shape=[
        jax.ShapeDtypeStruct((N, D), jnp.float32),
        jax.ShapeDtypeStruct((N, D), jnp.float32),
    ],
)


@functools.partial(
    pl.kernel,
    out_type=jax.ShapeDtypeStruct((2, PAD_N, D), jnp.float32),
    mesh=_mesh,
    scratch_types=[
        pltpu.VMEM((SEG_E,), jnp.int32),
        pltpu.VMEM((SEG_E,), jnp.int32),
        pltpu.VMEM((K,), jnp.int32),
        pltpu.VMEM((K,), jnp.int32),
        pltpu.VMEM((K,), jnp.int32),
        pltpu.VMEM((K,), jnp.int32),
        pltpu.VMEM((K,), jnp.int32),
        pltpu.VMEM((K,), jnp.int32),
        pltpu.VMEM((K, D), jnp.float32),
        pltpu.VMEM((K, D), jnp.float32),
        pltpu.VMEM((K, D), jnp.float32),
        pltpu.VMEM_SHARED((N, D), jnp.float32),
        pltpu.SemaphoreType.DMA,
        pltpu.SemaphoreType.DMA,
        pltpu.SemaphoreType.DMA,
        pltpu.SemaphoreType.DMA,
        pltpu.SemaphoreType.DMA,
        pltpu.SemaphoreType.DMA,
    ],
)
def _agg_kernel(src_hbm, dst_hbm, gm, gv, acc_out, src_seg, dst_seg,
                sidx0, sidx1, sidx2, didx0, didx1, didx2,
                rows0, rows1, rows2,
                acc_sh, gsem0, gsem1, gsem2, ssem0, ssem1, ssem2):
  c = lax.axis_index("c")
  s = lax.axis_index("s")
  sidx = (sidx0, sidx1, sidx2)
  didx = (didx0, didx1, didx2)
  rows = (rows0, rows1, rows2)
  gsems = (gsem0, gsem1, gsem2)
  ssems = (ssem0, ssem1, ssem2)

  rsl = pl.ds(s * ROWS_PER_TILE, ROWS_PER_TILE)
  lsl = pl.ds((NS - 1) * ROWS_PER_TILE, LAST_ROWS)

  def init_acc():
    @pl.when(jnp.logical_and(c == 0, s < NS - 1))
    def _():
      pltpu.sync_copy(gm.at[rsl], acc_sh.at[rsl])

    @pl.when(jnp.logical_and(c == 0, s == NS - 1))
    def _():
      pltpu.sync_copy(gm.at[lsl], acc_sh.at[lsl])

    @pl.when(jnp.logical_and(c == 1, s < NS - 1))
    def _():
      pltpu.sync_copy(gv.at[rsl], acc_sh.at[rsl])

    @pl.when(jnp.logical_and(c == 1, s == NS - 1))
    def _():
      pltpu.sync_copy(gv.at[lsl], acc_sh.at[lsl])

  def refill(seg_i):
    ssl = pl.ds(s * E_PER_TILE + seg_i * SEG_E, SEG_E)
    pltpu.sync_copy(src_hbm.at[ssl], src_seg)
    pltpu.sync_copy(dst_hbm.at[ssl], dst_seg)

  def stage(b, k):
    base = (k % SEG) * K
    _copy_idx_chunk(src_seg, sidx[b], base)
    _copy_idx_chunk(dst_seg, didx[b], base)

  def gather_start(b):
    @pl.when(c == 0)
    def _():
      pltpu.async_copy(gm.at[sidx[b]], rows[b], gsems[b])

    @pl.when(c == 1)
    def _():
      pltpu.async_copy(gv.at[sidx[b]], rows[b], gsems[b])

  def gather_wait(b):
    pltpu.make_async_copy(gm.at[sidx[b]], rows[b], gsems[b]).wait()

  def scatter_start(b):
    pltpu.async_copy(rows[b], acc_sh.at[didx[b]], ssems[b], add=True)

  def scatter_wait(b):
    pltpu.make_async_copy(rows[b], acc_sh.at[didx[b]], ssems[b]).wait()

  refill(0)
  for b in range(2):
    stage(b, b)
    gather_start(b)
  init_acc()
  plsc.subcore_barrier()

  def chunk_body(k, q):
    qn = (q + 2) % 3
    gather_wait(q)

    @pl.when(k >= 1)
    def _():
      scatter_wait(qn)

    scatter_start(q)
    kn = k + 2

    @pl.when(kn < CHUNKS)
    def _():
      @pl.when(kn % SEG == 0)
      def _():
        refill(kn // SEG)

      stage(qn, kn)
      gather_start(qn)

  def outer(o, carry):
    for b in range(3):
      chunk_body(o * 3 + b, b)
    return carry

  lax.fori_loop(0, CHUNKS // 3, outer, 0)
  chunk_body(CHUNKS - 1, 0)
  scatter_wait(0)
  plsc.subcore_barrier()

  @pl.when(s < NS - 1)
  def _():
    pltpu.sync_copy(acc_sh.at[rsl], acc_out.at[c, rsl])

  @pl.when(s == NS - 1)
  def _():
    pltpu.sync_copy(acc_sh.at[lsl], acc_out.at[c, lsl])


def _final_body(acc_ref, deg_ref, om_ref, ov_ref):
  b = lax.rsqrt(deg_ref[0] + 1.0)
  b3 = lax.broadcast_in_dim(b, (DEG_R, D, D), (0, 1))
  om_ref[...] = (b3 * acc_ref[0].reshape(DEG_R, D, D)).reshape(BLK, D)
  ov_ref[...] = (b3 * b3 * acc_ref[1].reshape(DEG_R, D, D)).reshape(BLK, D)


_final_call = pl.pallas_call(
    _final_body,
    grid=(GRID_M,),
    in_specs=[
        pl.BlockSpec((2, BLK, D), lambda i: (0, i, 0)),
        pl.BlockSpec((1, DEG_R, D), lambda i: (1, i, 0)),
    ],
    out_specs=[
        pl.BlockSpec((BLK, D), lambda i: (i, 0)),
        pl.BlockSpec((BLK, D), lambda i: (i, 0)),
    ],
    out_shape=[
        jax.ShapeDtypeStruct((N, D), jnp.float32),
        jax.ShapeDtypeStruct((N, D), jnp.float32),
    ],
)


def kernel(feat, edge_index, weight_mean, weight_var):
  src = edge_index[0]
  dst = edge_index[1]
  deg = _deg_kernel(edge_index.reshape(-1))
  deg3 = deg.reshape(2, PAD_N // D, D)
  g_mean, g_var = _dense_call(feat, weight_mean, weight_var, deg3)
  acc = _agg_kernel(src, dst, g_mean, g_var)
  out_mean, out_var = _final_call(acc, deg3)
  return (out_mean, out_var)

# --- scband reference (transcript-rebuilt; emitter-appended) ---
"""Pipeline reference for scband-robust-conv-56719338111765 (READ-ONLY COPY).

The authoritative reference and input builder live on the scoring server;
editing this copy changes nothing except your own understanding.
"""

import jax, jax.numpy as jnp
import numpy as np

N = 10000
E = 320000
D_IN = 128
D_OUT = 128
GAMMA = 1.0


def setup_inputs(seed: int = 0) -> dict:
    key = jax.random.key(seed)
    k1, k2, k3, k4 = jax.random.split(key, 4)
    feat = jax.random.normal(k1, (N, D_IN), dtype=jnp.float32)
    edge_index = jax.random.randint(k2, (2, E), 0, N, dtype=jnp.int32)
    limit = float(np.sqrt(6.0 / (D_IN + D_OUT)))
    weight_mean = jax.random.uniform(k3, (D_IN, D_OUT), minval=-limit, maxval=limit, dtype=jnp.float32)
    weight_var = jax.random.uniform(k4, (D_IN, D_OUT), minval=-limit, maxval=limit, dtype=jnp.float32)
    return {"feat": feat, "edge_index": edge_index, "weight_mean": weight_mean, "weight_var": weight_var}


def reference(feat, edge_index, weight_mean, weight_var):
    n = feat.shape[0]
    # dense transforms (expand_as_pair(feat) -> (feat, feat))
    mean = jax.nn.relu(feat @ weight_mean)
    var = jax.nn.relu(feat @ weight_var)
    attention = jnp.exp(-GAMMA * var)
    # add self loops
    loops = jnp.arange(n, dtype=edge_index.dtype)
    src = jnp.concatenate([edge_index[0], loops])
    dst = jnp.concatenate([edge_index[1], loops])
    # dgl_normalize with norm='both', edge_weight=None:
    # per-edge norm1 = out_deg(src)^-1/2 * in_deg(dst)^-1/2 (degrees >= 1 due to self loops)
    ones = jnp.ones(src.shape[0], dtype=feat.dtype)
    deg_out = jax.ops.segment_sum(ones, src, num_segments=n)
    deg_in = jax.ops.segment_sum(ones, dst, num_segments=n)
    inv_sqrt_out = jax.lax.rsqrt(deg_out)
    inv_sqrt_in = jax.lax.rsqrt(deg_in)
    norm1 = inv_sqrt_out[src] * inv_sqrt_in[dst]
    norm2 = norm1 * norm1
    # node data scaled by attention
    h_mean = mean * attention
    h_var = var * attention * attention
    # message passing: u_mul_e + sum over dst
    out_mean = jax.ops.segment_sum(h_mean[src] * norm1[:, None], dst, num_segments=n)
    out_var = jax.ops.segment_sum(h_var[src] * norm2[:, None], dst, num_segments=n)
    return (out_mean, out_var)

if __name__ == "__main__":
    import jax
    _d = setup_inputs()
    print(jax.jit(kernel)(*tuple(_d.values())))

</pallas_src>

<mosaic_0001>
#map = affine_map<(d0, d1) -> (0)>
module attributes {stable_mosaic.version = 14 : i64} {
  func.func @_deg_kernel(%arg0: i32, %arg1: i32, %arg2: memref<640000xi32, #tpu.memory_space<hbm>>, %arg3: memref<20480xf32, #tpu.memory_space<hbm>>, %arg4: memref<20000xi32, #tpu.memory_space<vmem>>, %arg5: memref<128xi32, #tpu.memory_space<vmem>>, %arg6: memref<128xi32, #tpu.memory_space<vmem>>, %arg7: memref<128xi32, #tpu.memory_space<vmem>>, %arg8: memref<32xi32, #tpu.memory_space<vmem>>, %arg9: memref<128xf32, #tpu.memory_space<vmem>>, %arg10: memref<640xf32, #tpu.memory_space<vmem>>, %arg11: memref<10240xf32, #tpu.memory_space<vmem_shared>>, %arg12: memref<!tpu.dma_semaphore, #tpu.memory_space<semaphore_mem>>, %arg13: memref<!tpu.dma_semaphore, #tpu.memory_space<semaphore_mem>>, %arg14: memref<!tpu.dma_semaphore, #tpu.memory_space<semaphore_mem>>) attributes {dimension_semantics = [#tpu.dimension_semantics<core_parallel>, #tpu.dimension_semantics<subcore_parallel>], iteration_bounds = array<i64: 2, 16>, scalar_prefetch = 0 : i64, scratch_operands = 11 : i64, tpu.core_type = #tpu.core_type<sc_vector_subcore>, window_params = [{transform_indices = #map}, {transform_indices = #map}]} {
    %broadcast_in_dim3A = arith.constant 1.000000e+00 : f32
    %broadcast_in_dim3A_0 = vector.broadcast %broadcast_in_dim3A : f32 to vector<16xf32>
    %swap3A = arith.constant 0 : index
    %swap3A_1 = tpu.vector_load %arg9[%swap3A] {strides = array<i32>} : memref<128xf32, #tpu.memory_space<vmem>>, vector<16xf32>,
    %swap3A_2 = vector.shape_cast %swap3A_1 : vector<16xf32> to vector<16xf32>
    %swap3A_3 = vector.shape_cast %broadcast_in_dim3A_0 : vector<16xf32> to vector<16xf32>
    tpu.vector_store %arg9[%swap3A], %swap3A_3 {strides = array<i32>} : memref<128xf32, #tpu.memory_space<vmem>>, vector<16xf32>,
    %broadcast_in_dim3A_4 = arith.constant 1.000000e+00 : f32
    %broadcast_in_dim3A_5 = vector.broadcast %broadcast_in_dim3A_4 : f32 to vector<16xf32>
    %swap3A_6 = arith.constant 16 : index
    %swap3A_7 = tpu.vector_load %arg9[%swap3A_6] {strides = array<i32>} : memref<128xf32, #tpu.memory_space<vmem>>, vector<16xf32>,
    %swap3A_8 = vector.shape_cast %swap3A_7 : vector<16xf32> to vector<16xf32>
    %swap3A_9 = vector.shape_cast %broadcast_in_dim3A_5 : vector<16xf32> to vector<16xf32>
    tpu.vector_store %arg9[%swap3A_6], %swap3A_9 {strides = array<i32>} : memref<128xf32, #tpu.memory_space<vmem>>, vector<16xf32>,
    %broadcast_in_dim3A_10 = arith.constant 1.000000e+00 : f32
    %broadcast_in_dim3A_11 = vector.broadcast %broadcast_in_dim3A_10 : f32 to vector<16xf32>
    %swap3A_12 = arith.constant 32 : index
    %swap3A_13 = tpu.vector_load %arg9[%swap3A_12] {strides = array<i32>} : memref<128xf32, #tpu.memory_space<vmem>>, vector<16xf32>,
    %swap3A_14 = vector.shape_cast %swap3A_13 : vector<16xf32> to vector<16xf32>
    %swap3A_15 = vector.shape_cast %broadcast_in_dim3A_11 : vector<16xf32> to vector<16xf32>
    tpu.vector_store %arg9[%swap3A_12], %swap3A_15 {strides = array<i32>} : memref<128xf32, #tpu.memory_space<vmem>>, vector<16xf32>,
    %broadcast_in_dim3A_16 = arith.constant 1.000000e+00 : f32
    %broadcast_in_dim3A_17 = vector.broadcast %broadcast_in_dim3A_16 : f32 to vector<16xf32>
    %swap3A_18 = arith.constant 48 : index
    %swap3A_19 = tpu.vector_load %arg9[%swap3A_18] {strides = array<i32>} : memref<128xf32, #tpu.memory_space<vmem>>, vector<16xf32>,
    %swap3A_20 = vector.shape_cast %swap3A_19 : vector<16xf32> to vector<16xf32>
    %swap3A_21 = vector.shape_cast %broadcast_in_dim3A_17 : vector<16xf32> to vector<16xf32>
    tpu.vector_store %arg9[%swap3A_18], %swap3A_21 {strides = array<i32>} : memref<128xf32, #tpu.memory_space<vmem>>, vector<16xf32>,
    %broadcast_in_dim3A_22 = arith.constant 1.000000e+00 : f32
    %broadcast_in_dim3A_23 = vector.broadcast %broadcast_in_dim3A_22 : f32 to vector<16xf32>
    %swap3A_24 = arith.constant 64 : index
    %swap3A_25 = tpu.vector_load %arg9[%swap3A_24] {strides = array<i32>} : memref<128xf32, #tpu.memory_space<vmem>>, vector<16xf32>,
    %swap3A_26 = vector.shape_cast %swap3A_25 : vector<16xf32> to vector<16xf32>
    %swap3A_27 = vector.shape_cast %broadcast_in_dim3A_23 : vector<16xf32> to vector<16xf32>
    tpu.vector_store %arg9[%swap3A_24], %swap3A_27 {strides = array<i32>} : memref<128xf32, #tpu.memory_space<vmem>>, vector<16xf32>,
    %broadcast_in_dim3A_28 = arith.constant 1.000000e+00 : f32
    %broadcast_in_dim3A_29 = vector.broadcast %broadcast_in_dim3A_28 : f32 to vector<16xf32>
    %swap3A_30 = arith.constant 80 : index
    %swap3A_31 = tpu.vector_load %arg9[%swap3A_30] {strides = array<i32>} : memref<128xf32, #tpu.memory_space<vmem>>, vector<16xf32>,
    %swap3A_32 = vector.shape_cast %swap3A_31 : vector<16xf32> to vector<16xf32>
    %swap3A_33 = vector.shape_cast %broadcast_in_dim3A_29 : vector<16xf32> to vector<16xf32>
    tpu.vector_store %arg9[%swap3A_30], %swap3A_33 {strides = array<i32>} : memref<128xf32, #tpu.memory_space<vmem>>, vector<16xf32>,
    %broadcast_in_dim3A_34 = arith.constant 1.000000e+00 : f32
    %broadcast_in_dim3A_35 = vector.broadcast %broadcast_in_dim3A_34 : f32 to vector<16xf32>
    %swap3A_36 = arith.constant 96 : index
    %swap3A_37 = tpu.vector_load %arg9[%swap3A_36] {strides = array<i32>} : memref<128xf32, #tpu.memory_space<vmem>>, vector<16xf32>,
    %swap3A_38 = vector.shape_cast %swap3A_37 : vector<16xf32> to vector<16xf32>
    %swap3A_39 = vector.shape_cast %broadcast_in_dim3A_35 : vector<16xf32> to vector<16xf32>
    tpu.vector_store %arg9[%swap3A_36], %swap3A_39 {strides = array<i32>} : memref<128xf32, #tpu.memory_space<vmem>>, vector<16xf32>,
    %broadcast_in_dim3A_40 = arith.constant 1.000000e+00 : f32
    %broadcast_in_dim3A_41 = vector.broadcast %broadcast_in_dim3A_40 : f32 to vector<16xf32>
    %swap3A_42 = arith.constant 112 : index
    %swap3A_43 = tpu.vector_load %arg9[%swap3A_42] {strides = array<i32>} : memref<128xf32, #tpu.memory_space<vmem>>, vector<16xf32>,
    %swap3A_44 = vector.shape_cast %swap3A_43 : vector<16xf32> to vector<16xf32>
    %swap3A_45 = vector.shape_cast %broadcast_in_dim3A_41 : vector<16xf32> to vector<16xf32>
    tpu.vector_store %arg9[%swap3A_42], %swap3A_45 {strides = array<i32>} : memref<128xf32, #tpu.memory_space<vmem>>, vector<16xf32>,
    %broadcast_in_dim3A_46 = arith.constant 0.000000e+00 : f32
    %broadcast_in_dim3A_47 = vector.broadcast %broadcast_in_dim3A_46 : f32 to vector<16xf32>
    %swap3A_48 = arith.constant 0 : index
    %swap3A_49 = tpu.vector_load %arg10[%swap3A_48] {strides = array<i32>} : memref<640xf32, #tpu.memory_space<vmem>>, vector<16xf32>,
    %swap3A_50 = vector.shape_cast %swap3A_49 : vector<16xf32> to vector<16xf32>
    %swap3A_51 = vector.shape_cast %broadcast_in_dim3A_47 : vector<16xf32> to vector<16xf32>
    tpu.vector_store %arg10[%swap3A_48], %swap3A_51 {strides = array<i32>} : memref<640xf32, #tpu.memory_space<vmem>>, vector<16xf32>,
    %broadcast_in_dim3A_52 = arith.constant 0.000000e+00 : f32
    %broadcast_in_dim3A_53 = vector.broadcast %broadcast_in_dim3A_52 : f32 to vector<16xf32>
    %swap3A_54 = arith.constant 16 : index
    %swap3A_55 = tpu.vector_load %arg10[%swap3A_54] {strides = array<i32>} : memref<640xf32, #tpu.memory_space<vmem>>, vector<16xf32>,
    %swap3A_56 = vector.shape_cast %swap3A_55 : vector<16xf32> to vector<16xf32>
    %swap3A_57 = vector.shape_cast %broadcast_in_dim3A_53 : vector<16xf32> to vector<16xf32>
    tpu.vector_store %arg10[%swap3A_54], %swap3A_57 {strides = array<i32>} : memref<640xf32, #tpu.memory_space<vmem>>, vector<16xf32>,
    %broadcast_in_dim3A_58 = arith.constant 0.000000e+00 : f32
    %broadcast_in_dim3A_59 = vector.broadcast %broadcast_in_dim3A_58 : f32 to vector<16xf32>
    %swap3A_60 = arith.constant 32 : index
    %swap3A_61 = tpu.vector_load %arg10[%swap3A_60] {strides = array<i32>} : memref<640xf32, #tpu.memory_space<vmem>>, vector<16xf32>,
    %swap3A_62 = vector.shape_cast %swap3A_61 : vector<16xf32> to vector<16xf32>
    %swap3A_63 = vector.shape_cast %broadcast_in_dim3A_59 : vector<16xf32> to vector<16xf32>
    tpu.vector_store %arg10[%swap3A_60], %swap3A_63 {strides = array<i32>} : memref<640xf32, #tpu.memory_space<vmem>>, vector<16xf32>,
    %broadcast_in_dim3A_64 = arith.constant 0.000000e+00 : f32
    %broadcast_in_dim3A_65 = vector.broadcast %broadcast_in_dim3A_64 : f32 to vector<16xf32>
    %swap3A_66 = arith.constant 48 : index
    %swap3A_67 = tpu.vector_load %arg10[%swap3A_66] {strides = array<i32>} : memref<640xf32, #tpu.memory_space<vmem>>, vector<16xf32>,
    %swap3A_68 = vector.shape_cast %swap3A_67 : vector<16xf32> to vector<16xf32>
    %swap3A_69 = vector.shape_cast %broadcast_in_dim3A_65 : vector<16xf32> to vector<16xf32>
    tpu.vector_store %arg10[%swap3A_66], %swap3A_69 {strides = array<i32>} : memref<640xf32, #tpu.memory_space<vmem>>, vector<16xf32>,
    %broadcast_in_dim3A_70 = arith.constant 0.000000e+00 : f32
    %broadcast_in_dim3A_71 = vector.broadcast %broadcast_in_dim3A_70 : f32 to vector<16xf32>
    %swap3A_72 = arith.constant 64 : index
    %swap3A_73 = tpu.vector_load %arg10[%swap3A_72] {strides = array<i32>} : memref<640xf32, #tpu.memory_space<vmem>>, vector<16xf32>,
    %swap3A_74 = vector.shape_cast %swap3A_73 : vector<16xf32> to vector<16xf32>
    %swap3A_75 = vector.shape_cast %broadcast_in_dim3A_71 : vector<16xf32> to vector<16xf32>
    tpu.vector_store %arg10[%swap3A_72], %swap3A_75 {strides = array<i32>} : memref<640xf32, #tpu.memory_space<vmem>>, vector<16xf32>,
    %broadcast_in_dim3A_76 = arith.constant 0.000000e+00 : f32
    %broadcast_in_dim3A_77 = vector.broadcast %broadcast_in_dim3A_76 : f32 to vector<16xf32>
    %swap3A_78 = arith.constant 80 : index
    %swap3A_79 = tpu.vector_load %arg10[%swap3A_78] {strides = array<i32>} : memref<640xf32, #tpu.memory_space<vmem>>, vector<16xf32>,
    %swap3A_80 = vector.shape_cast %swap3A_79 : vector<16xf32> to vector<16xf32>
    %swap3A_81 = vector.shape_cast %broadcast_in_dim3A_77 : vector<16xf32> to vector<16xf32>
    tpu.vector_store %arg10[%swap3A_78], %swap3A_81 {strides = array<i32>} : memref<640xf32, #tpu.memory_space<vmem>>, vector<16xf32>,
    %broadcast_in_dim3A_82 = arith.constant 0.000000e+00 : f32
    %broadcast_in_dim3A_83 = vector.broadcast %broadcast_in_dim3A_82 : f32 to vector<16xf32>
    %swap3A_84 = arith.constant 96 : index
    %swap3A_85 = tpu.vector_load %arg10[%swap3A_84] {strides = array<i32>} : memref<640xf32, #tpu.memory_space<vmem>>, vector<16xf32>,
    %swap3A_86 = vector.shape_cast %swap3A_85 : vector<16xf32> to vector<16xf32>
    %swap3A_87 = vector.shape_cast %broadcast_in_dim3A_83 : vector<16xf32> to vector<16xf32>
    tpu.vector_store %arg10[%swap3A_84], %swap3A_87 {strides = array<i32>} : memref<640xf32, #tpu.memory_space<vmem>>, vector<16xf32>,
    %broadcast_in_dim3A_88 = arith.constant 0.000000e+00 : f32
    %broadcast_in_dim3A_89 = vector.broadcast %broadcast_in_dim3A_88 : f32 to vector<16xf32>
    %swap3A_90 = arith.constant 112 : index
    %swap3A_91 = tpu.vector_load %arg10[%swap3A_90] {strides = array<i32>} : memref<640xf32, #tpu.memory_space<vmem>>, vector<16xf32>,
    %swap3A_92 = vector.shape_cast %swap3A_91 : vector<16xf32> to vector<16xf32>
    %swap3A_93 = vector.shape_cast %broadcast_in_dim3A_89 : vector<16xf32> to vector<16xf32>
    tpu.vector_store %arg10[%swap3A_90], %swap3A_93 {strides = array<i32>} : memref<640xf32, #tpu.memory_space<vmem>>, vector<16xf32>,
    %broadcast_in_dim3A_94 = arith.constant 0.000000e+00 : f32
    %broadcast_in_dim3A_95 = vector.broadcast %broadcast_in_dim3A_94 : f32 to vector<16xf32>
    %swap3A_96 = arith.constant 128 : index
    %swap3A_97 = tpu.vector_load %arg10[%swap3A_96] {strides = array<i32>} : memref<640xf32, #tpu.memory_space<vmem>>, vector<16xf32>,
    %swap3A_98 = vector.shape_cast %swap3A_97 : vector<16xf32> to vector<16xf32>
    %swap3A_99 = vector.shape_cast %broadcast_in_dim3A_95 : vector<16xf32> to vector<16xf32>
    tpu.vector_store %arg10[%swap3A_96], %swap3A_99 {strides = array<i32>} : memref<640xf32, #tpu.memory_space<vmem>>, vector<16xf32>,
    %broadcast_in_dim3A_100 = arith.constant 0.000000e+00 : f32
    %broadcast_in_dim3A_101 = vector.broadcast %broadcast_in_dim3A_100 : f32 to vector<16xf32>
    %swap3A_102 = arith.constant 144 : index
    %swap3A_103 = tpu.vector_load %arg10[%swap3A_102] {strides = array<i32>} : memref<640xf32, #tpu.memory_space<vmem>>, vector<16xf32>,
    %swap3A_104 = vector.shape_cast %swap3A_103 : vector<16xf32> to vector<16xf32>
    %swap3A_105 = vector.shape_cast %broadcast_in_dim3A_101 : vector<16xf32> to vector<16xf32>
    tpu.vector_store %arg10[%swap3A_102], %swap3A_105 {strides = array<i32>} : memref<640xf32, #tpu.memory_space<vmem>>, vector<16xf32>,
    %broadcast_in_dim3A_106 = arith.constant 0.000000e+00 : f32
    %broadcast_in_dim3A_107 = vector.broadcast %broadcast_in_dim3A_106 : f32 to vector<16xf32>
    %swap3A_108 = arith.constant 160 : index
    %swap3A_109 = tpu.vector_load %arg10[%swap3A_108] {strides = array<i32>} : memref<640xf32, #tpu.memory_space<vmem>>, vector<16xf32>,
    %swap3A_110 = vector.shape_cast %swap3A_109 : vector<16xf32> to vector<16xf32>
    %swap3A_111 = vector.shape_cast %broadcast_in_dim3A_107 : vector<16xf32> to vector<16xf32>
    tpu.vector_store %arg10[%swap3A_108], %swap3A_111 {strides = array<i32>} : memref<640xf32, #tpu.memory_space<vmem>>, vector<16xf32>,
    %broadcast_in_dim3A_112 = arith.constant 0.000000e+00 : f32
    %broadcast_in_dim3A_113 = vector.broadcast %broadcast_in_dim3A_112 : f32 to vector<16xf32>
    %swap3A_114 = arith.constant 176 : index
    %swap3A_115 = tpu.vector_load %arg10[%swap3A_114] {strides = array<i32>} : memref<640xf32, #tpu.memory_space<vmem>>, vector<16xf32>,
    %swap3A_116 = vector.shape_cast %swap3A_115 : vector<16xf32> to vector<16xf32>
    %swap3A_117 = vector.shape_cast %broadcast_in_dim3A_113 : vector<16xf32> to vector<16xf32>
    tpu.vector_store %arg10[%swap3A_114], %swap3A_117 {strides = array<i32>} : memref<640xf32, #tpu.memory_space<vmem>>, vector<16xf32>,
    %broadcast_in_dim3A_118 = arith.constant 0.000000e+00 : f32
    %broadcast_in_dim3A_119 = vector.broadcast %broadcast_in_dim3A_118 : f32 to vector<16xf32>
    %swap3A_120 = arith.constant 192 : index
    %swap3A_121 = tpu.vector_load %arg10[%swap3A_120] {strides = array<i32>} : memref<640xf32, #tpu.memory_space<vmem>>, vector<16xf32>,
    %swap3A_122 = vector.shape_cast %swap3A_121 : vector<16xf32> to vector<16xf32>
    %swap3A_123 = vector.shape_cast %broadcast_in_dim3A_119 : vector<16xf32> to vector<16xf32>
    tpu.vector_store %arg10[%swap3A_120], %swap3A_123 {strides = array<i32>} : memref<640xf32, #tpu.memory_space<vmem>>, vector<16xf32>,
    %broadcast_in_dim3A_124 = arith.constant 0.000000e+00 : f32
    %broadcast_in_dim3A_125 = vector.broadcast %broadcast_in_dim3A_124 : f32 to vector<16xf32>
    %swap3A_126 = arith.constant 208 : index
    %swap3A_127 = tpu.vector_load %arg10[%swap3A_126] {strides = array<i32>} : memref<640xf32, #tpu.memory_space<vmem>>, vector<16xf32>,
    %swap3A_128 = vector.shape_cast %swap3A_127 : vector<16xf32> to vector<16xf32>
    %swap3A_129 = vector.shape_cast %broadcast_in_dim3A_125 : vector<16xf32> to vector<16xf32>
    tpu.vector_store %arg10[%swap3A_126], %swap3A_129 {strides = array<i32>} : memref<640xf32, #tpu.memory_space<vmem>>, vector<16xf32>,
    %broadcast_in_dim3A_130 = arith.constant 0.000000e+00 : f32
    %broadcast_in_dim3A_131 = vector.broadcast %broadcast_in_dim3A_130 : f32 to vector<16xf32>
    %swap3A_132 = arith.constant 224 : index
    %swap3A_133 = tpu.vector_load %arg10[%swap3A_132] {strides = array<i32>} : memref<640xf32, #tpu.memory_space<vmem>>, vector<16xf32>,
    %swap3A_134 = vector.shape_cast %swap3A_133 : vector<16xf32> to vector<16xf32>
    %swap3A_135 = vector.shape_cast %broadcast_in_dim3A_131 : vector<16xf32> to vector<16xf32>
    tpu.vector_store %arg10[%swap3A_132], %swap3A_135 {strides = array<i32>} : memref<640xf32, #tpu.memory_space<vmem>>, vector<16xf32>,
    %broadcast_in_dim3A_136 = arith.constant 0.000000e+00 : f32
    %broadcast_in_dim3A_137 = vector.broadcast %broadcast_in_dim3A_136 : f32 to vector<16xf32>
    %swap3A_138 = arith.constant 240 : index
    %swap3A_139 = tpu.vector_load %arg10[%swap3A_138] {strides = array<i32>} : memref<640xf32, #tpu.memory_space<vmem>>, vector<16xf32>,
    %swap3A_140 = vector.shape_cast %swap3A_139 : vector<16xf32> to vector<16xf32>
    %swap3A_141 = vector.shape_cast %broadcast_in_dim3A_137 : vector<16xf32> to vector<16xf32>
    tpu.vector_store %arg10[%swap3A_138], %swap3A_141 {strides = array<i32>} : memref<640xf32, #tpu.memory_space<vmem>>, vector<16xf32>,
    %broadcast_in_dim3A_142 = arith.constant 0.000000e+00 : f32
    %broadcast_in_dim3A_143 = vector.broadcast %broadcast_in_dim3A_142 : f32 to vector<16xf32>
    %swap3A_144 = arith.constant 256 : index
    %swap3A_145 = tpu.vector_load %arg10[%swap3A_144] {strides = array<i32>} : memref<640xf32, #tpu.memory_space<vmem>>, vector<16xf32>,
    %swap3A_146 = vector.shape_cast %swap3A_145 : vector<16xf32> to vector<16xf32>
    %swap3A_147 = vector.shape_cast %broadcast_in_dim3A_143 : vector<16xf32> to vector<16xf32>
    tpu.vector_store %arg10[%swap3A_144], %swap3A_147 {strides = array<i32>} : memref<640xf32, #tpu.memory_space<vmem>>, vector<16xf32>,
    %broadcast_in_dim3A_148 = arith.constant 0.000000e+00 : f32
    %broadcast_in_dim3A_149 = vector.broadcast %broadcast_in_dim3A_148 : f32 to vector<16xf32>
    %swap3A_150 = arith.constant 272 : index
    %swap3A_151 = tpu.vector_load %arg10[%swap3A_150] {strides = array<i32>} : memref<640xf32, #tpu.memory_space<vmem>>, vector<16xf32>,
    %swap3A_152 = vector.shape_cast %swap3A_151 : vector<16xf32> to vector<16xf32>
    %swap3A_153 = vector.shape_cast %broadcast_in_dim3A_149 : vector<16xf32> to vector<16xf32>
    tpu.vector_store %arg10[%swap3A_150], %swap3A_153 {strides = array<i32>} : memref<640xf32, #tpu.memory_space<vmem>>, vector<16xf32>,
    %broadcast_in_dim3A_154 = arith.constant 0.000000e+00 : f32
    %broadcast_in_dim3A_155 = vector.broadcast %broadcast_in_dim3A_154 : f32 to vector<16xf32>
    %swap3A_156 = arith.constant 288 : index
    %swap3A_157 = tpu.vector_load %arg10[%swap3A_156] {strides = array<i32>} : memref<640xf32, #tpu.memory_space<vmem>>, vector<16xf32>,
    %swap3A_158 = vector.shape_cast %swap3A_157 : vector<16xf32> to vector<16xf32>
    %swap3A_159 = vector.shape_cast %broadcast_in_dim3A_155 : vector<16xf32> to vector<16xf32>
    tpu.vector_store %arg10[%swap3A_156], %swap3A_159 {strides = array<i32>} : memref<640xf32, #tpu.memory_space<vmem>>, vector<16xf32>,
    %broadcast_in_dim3A_160 = arith.constant 0.000000e+00 : f32
    %broadcast_in_dim3A_161 = vector.broadcast %broadcast_in_dim3A_160 : f32 to vector<16xf32>
    %swap3A_162 = arith.constant 304 : index
    %swap3A_163 = tpu.vector_load %arg10[%swap3A_162] {strides = array<i32>} : memref<640xf32, #tpu.memory_space<vmem>>, vector<16xf32>,
    %swap3A_164 = vector.shape_cast %swap3A_163 : vector<16xf32> to vector<16xf32>
    %swap3A_165 = vector.shape_cast %broadcast_in_dim3A_161 : vector<16xf32> to vector<16xf32>
    tpu.vector_store %arg10[%swap3A_162], %swap3A_165 {strides = array<i32>} : memref<640xf32, #tpu.memory_space<vmem>>, vector<16xf32>,
    %broadcast_in_dim3A_166 = arith.constant 0.000000e+00 : f32
    %broadcast_in_dim3A_167 = vector.broadcast %broadcast_in_dim3A_166 : f32 to vector<16xf32>
    %swap3A_168 = arith.constant 320 : index
    %swap3A_169 = tpu.vector_load %arg10[%swap3A_168] {strides = array<i32>} : memref<640xf32, #tpu.memory_space<vmem>>, vector<16xf32>,
    %swap3A_170 = vector.shape_cast %swap3A_169 : vector<16xf32> to vector<16xf32>
    %swap3A_171 = vector.shape_cast %broadcast_in_dim3A_167 : vector<16xf32> to vector<16xf32>
    tpu.vector_store %arg10[%swap3A_168], %swap3A_171 {strides = array<i32>} : memref<640xf32, #tpu.memory_space<vmem>>, vector<16xf32>,
    %broadcast_in_dim3A_172 = arith.constant 0.000000e+00 : f32
    %broadcast_in_dim3A_173 = vector.broadcast %broadcast_in_dim3A_172 : f32 to vector<16xf32>
    %swap3A_174 = arith.constant 336 : index
    %swap3A_175 = tpu.vector_load %arg10[%swap3A_174] {strides = array<i32>} : memref<640xf32, #tpu.memory_space<vmem>>, vector<16xf32>,
    %swap3A_176 = vector.shape_cast %swap3A_175 : vector<16xf32> to vector<16xf32>
    %swap3A_177 = vector.shape_cast %broadcast_in_dim3A_173 : vector<16xf32> to vector<16xf32>
    tpu.vector_store %arg10[%swap3A_174], %swap3A_177 {strides = array<i32>} : memref<640xf32, #tpu.memory_space<vmem>>, vector<16xf32>,
    %broadcast_in_dim3A_178 = arith.constant 0.000000e+00 : f32
    %broadcast_in_dim3A_179 = vector.broadcast %broadcast_in_dim3A_178 : f32 to vector<16xf32>
    %swap3A_180 = arith.constant 352 : index
    %swap3A_181 = tpu.vector_load %arg10[%swap3A_180] {strides = array<i32>} : memref<640xf32, #tpu.memory_space<vmem>>, vector<16xf32>,
    %swap3A_182 = vector.shape_cast %swap3A_181 : vector<16xf32> to vector<16xf32>
    %swap3A_183 = vector.shape_cast %broadcast_in_dim3A_179 : vector<16xf32> to vector<16xf32>
    tpu.vector_store %arg10[%swap3A_180], %swap3A_183 {strides = array<i32>} : memref<640xf32, #tpu.memory_space<vmem>>, vector<16xf32>,
    %broadcast_in_dim3A_184 = arith.constant 0.000000e+00 : f32
    %broadcast_in_dim3A_185 = vector.broadcast %broadcast_in_dim3A_184 : f32 to vector<16xf32>
    %swap3A_186 = arith.constant 368 : index
    %swap3A_187 = tpu.vector_load %arg10[%swap3A_186] {strides = array<i32>} : memref<640xf32, #tpu.memory_space<vmem>>, vector<16xf32>,
    %swap3A_188 = vector.shape_cast %swap3A_187 : vector<16xf32> to vector<16xf32>
    %swap3A_189 = vector.shape_cast %broadcast_in_dim3A_185 : vector<16xf32> to vector<16xf32>
    tpu.vector_store %arg10[%swap3A_186], %swap3A_189 {strides = array<i32>} : memref<640xf32, #tpu.memory_space<vmem>>, vector<16xf32>,
    %broadcast_in_dim3A_190 = arith.constant 0.000000e+00 : f32
    %broadcast_in_dim3A_191 = vector.broadcast %broadcast_in_dim3A_190 : f32 to vector<16xf32>
    %swap3A_192 = arith.constant 384 : index
    %swap3A_193 = tpu.vector_load %arg10[%swap3A_192] {strides = array<i32>} : memref<640xf32, #tpu.memory_space<vmem>>, vector<16xf32>,
    %swap3A_194 = vector.shape_cast %swap3A_193 : vector<16xf32> to vector<16xf32>
    %swap3A_195 = vector.shape_cast %broadcast_in_dim3A_191 : vector<16xf32> to vector<16xf32>
    tpu.vector_store %arg10[%swap3A_192], %swap3A_195 {strides = array<i32>} : memref<640xf32, #tpu.memory_space<vmem>>, vector<16xf32>,
    %broadcast_in_dim3A_196 = arith.constant 0.000000e+00 : f32
    %broadcast_in_dim3A_197 = vector.broadcast %broadcast_in_dim3A_196 : f32 to vector<16xf32>
    %swap3A_198 = arith.constant 400 : index
    %swap3A_199 = tpu.vector_load %arg10[%swap3A_198] {strides = array<i32>} : memref<640xf32, #tpu.memory_space<vmem>>, vector<16xf32>,
    %swap3A_200 = vector.shape_cast %swap3A_199 : vector<16xf32> to vector<16xf32>
    %swap3A_201 = vector.shape_cast %broadcast_in_dim3A_197 : vector<16xf32> to vector<16xf32>
    tpu.vector_store %arg10[%swap3A_198], %swap3A_201 {strides = array<i32>} : memref<640xf32, #tpu.memory_space<vmem>>, vector<16xf32>,
    %broadcast_in_dim3A_202 = arith.constant 0.000000e+00 : f32
    %broadcast_in_dim3A_203 = vector.broadcast %broadcast_in_dim3A_202 : f32 to vector<16xf32>
    %swap3A_204 = arith.constant 416 : index
    %swap3A_205 = tpu.vector_load %arg10[%swap3A_204] {strides = array<i32>} : memref<640xf32, #tpu.memory_space<vmem>>, vector<16xf32>,
    %swap3A_206 = vector.shape_cast %swap3A_205 : vector<16xf32> to vector<16xf32>
    %swap3A_207 = vector.shape_cast %broadcast_in_dim3A_203 : vector<16xf32> to vector<16xf32>
    tpu.vector_store %arg10[%swap3A_204], %swap3A_207 {strides = array<i32>} : memref<640xf32, #tpu.memory_space<vmem>>, vector<16xf32>,
    %broadcast_in_dim3A_208 = arith.constant 0.000000e+00 : f32
    %broadcast_in_dim3A_209 = vector.broadcast %broadcast_in_dim3A_208 : f32 to vector<16xf32>
    %swap3A_210 = arith.constant 432 : index
    %swap3A_211 = tpu.vector_load %arg10[%swap3A_210] {strides = array<i32>} : memref<640xf32, #tpu.memory_space<vmem>>, vector<16xf32>,
    %swap3A_212 = vector.shape_cast %swap3A_211 : vector<16xf32> to vector<16xf32>
    %swap3A_213 = vector.shape_cast %broadcast_in_dim3A_209 : vector<16xf32> to vector<16xf32>
    tpu.vector_store %arg10[%swap3A_210], %swap3A_213 {strides = array<i32>} : memref<640xf32, #tpu.memory_space<vmem>>, vector<16xf32>,
    %broadcast_in_dim3A_214 = arith.constant 0.000000e+00 : f32
    %broadcast_in_dim3A_215 = vector.broadcast %broadcast_in_dim3A_214 : f32 to vector<16xf32>
    %swap3A_216 = arith.constant 448 : index
    %swap3A_217 = tpu.vector_load %arg10[%swap3A_216] {strides = array<i32>} : memref<640xf32, #tpu.memory_space<vmem>>, vector<16xf32>,
    %swap3A_218 = vector.shape_cast %swap3A_217 : vector<16xf32> to vector<16xf32>
    %swap3A_219 = vector.shape_cast %broadcast_in_dim3A_215 : vector<16xf32> to vector<16xf32>
    tpu.vector_store %arg10[%swap3A_216], %swap3A_219 {strides = array<i32>} : memref<640xf32, #tpu.memory_space<vmem>>, vector<16xf32>,
    %broadcast_in_dim3A_220 = arith.constant 0.000000e+00 : f32
    %broadcast_in_dim3A_221 = vector.broadcast %broadcast_in_dim3A_220 : f32 to vector<16xf32>
    %swap3A_222 = arith.constant 464 : index
    %swap3A_223 = tpu.vector_load %arg10[%swap3A_222] {strides = array<i32>} : memref<640xf32, #tpu.memory_space<vmem>>, vector<16xf32>,
    %swap3A_224 = vector.shape_cast %swap3A_223 : vector<16xf32> to vector<16xf32>
    %swap3A_225 = vector.shape_cast %broadcast_in_dim3A_221 : vector<16xf32> to vector<16xf32>
    tpu.vector_store %arg10[%swap3A_222], %swap3A_225 {strides = array<i32>} : memref<640xf32, #tpu.memory_space<vmem>>, vector<16xf32>,
    %broadcast_in_dim3A_226 = arith.constant 0.000000e+00 : f32
    %broadcast_in_dim3A_227 = vector.broadcast %broadcast_in_dim3A_226 : f32 to vector<16xf32>
    %swap3A_228 = arith.constant 480 : index
    %swap3A_229 = tpu.vector_load %arg10[%swap3A_228] {strides = array<i32>} : memref<640xf32, #tpu.memory_space<vmem>>, vector<16xf32>,
    %swap3A_230 = vector.shape_cast %swap3A_229 : vector<16xf32> to vector<16xf32>
    %swap3A_231 = vector.shape_cast %broadcast_in_dim3A_227 : vector<16xf32> to vector<16xf32>
    tpu.vector_store %arg10[%swap3A_228], %swap3A_231 {strides = array<i32>} : memref<640xf32, #tpu.memory_space<vmem>>, vector<16xf32>,
    %broadcast_in_dim3A_232 = arith.constant 0.000000e+00 : f32
    %broadcast_in_dim3A_233 = vector.broadcast %broadcast_in_dim3A_232 : f32 to vector<16xf32>
    %swap3A_234 = arith.constant 496 : index
    %swap3A_235 = tpu.vector_load %arg10[%swap3A_234] {strides = array<i32>} : memref<640xf32, #tpu.memory_space<vmem>>, vector<16xf32>,
    %swap3A_236 = vector.shape_cast %swap3A_235 : vector<16xf32> to vector<16xf32>
    %swap3A_237 = vector.shape_cast %broadcast_in_dim3A_233 : vector<16xf32> to vector<16xf32>
    tpu.vector_store %arg10[%swap3A_234], %swap3A_237 {strides = array<i32>} : memref<640xf32, #tpu.memory_space<vmem>>, vector<16xf32>,
    %broadcast_in_dim3A_238 = arith.constant 0.000000e+00 : f32
    %broadcast_in_dim3A_239 = vector.broadcast %broadcast_in_dim3A_238 : f32 to vector<16xf32>
    %swap3A_240 = arith.constant 512 : index
    %swap3A_241 = tpu.vector_load %arg10[%swap3A_240] {strides = array<i32>} : memref<640xf32, #tpu.memory_space<vmem>>, vector<16xf32>,
    %swap3A_242 = vector.shape_cast %swap3A_241 : vector<16xf32> to vector<16xf32>
    %swap3A_243 = vector.shape_cast %broadcast_in_dim3A_239 : vector<16xf32> to vector<16xf32>
    tpu.vector_store %arg10[%swap3A_240], %swap3A_243 {strides = array<i32>} : memref<640xf32, #tpu.memory_space<vmem>>, vector<16xf32>,
    %broadcast_in_dim3A_244 = arith.constant 0.000000e+00 : f32
    %broadcast_in_dim3A_245 = vector.broadcast %broadcast_in_dim3A_244 : f32 to vector<16xf32>
    %swap3A_246 = arith.constant 528 : index
    %swap3A_247 = tpu.vector_load %arg10[%swap3A_246] {strides = array<i32>} : memref<640xf32, #tpu.memory_space<vmem>>, vector<16xf32>,
    %swap3A_248 = vector.shape_cast %swap3A_247 : vector<16xf32> to vector<16xf32>
    %swap3A_249 = vector.shape_cast %broadcast_in_dim3A_245 : vector<16xf32> to vector<16xf32>
    tpu.vector_store %arg10[%swap3A_246], %swap3A_249 {strides = array<i32>} : memref<640xf32, #tpu.memory_space<vmem>>, vector<16xf32>,
    %broadcast_in_dim3A_250 = arith.constant 0.000000e+00 : f32
    %broadcast_in_dim3A_251 = vector.broadcast %broadcast_in_dim3A_250 : f32 to vector<16xf32>
    %swap3A_252 = arith.constant 544 : index
    %swap3A_253 = tpu.vector_load %arg10[%swap3A_252] {strides = array<i32>} : memref<640xf32, #tpu.memory_space<vmem>>, vector<16xf32>,
    %swap3A_254 = vector.shape_cast %swap3A_253 : vector<16xf32> to vector<16xf32>
    %swap3A_255 = vector.shape_cast %broadcast_in_dim3A_251 : vector<16xf32> to vector<16xf32>
    tpu.vector_store %arg10[%swap3A_252], %swap3A_255 {strides = array<i32>} : memref<640xf32, #tpu.memory_space<vmem>>, vector<16xf32>,
    %broadcast_in_dim3A_256 = arith.constant 0.000000e+00 : f32
    %broadcast_in_dim3A_257 = vector.broadcast %broadcast_in_dim3A_256 : f32 to vector<16xf32>
    %swap3A_258 = arith.constant 560 : index
    %swap3A_259 = tpu.vector_load %arg10[%swap3A_258] {strides = array<i32>} : memref<640xf32, #tpu.memory_space<vmem>>, vector<16xf32>,
    %swap3A_260 = vector.shape_cast %swap3A_259 : vector<16xf32> to vector<16xf32>
    %swap3A_261 = vector.shape_cast %broadcast_in_dim3A_257 : vector<16xf32> to vector<16xf32>
    tpu.vector_store %arg10[%swap3A_258], %swap3A_261 {strides = array<i32>} : memref<640xf32, #tpu.memory_space<vmem>>, vector<16xf32>,
    %broadcast_in_dim3A_262 = arith.constant 0.000000e+00 : f32
    %broadcast_in_dim3A_263 = vector.broadcast %broadcast_in_dim3A_262 : f32 to vector<16xf32>
    %swap3A_264 = arith.constant 576 : index
    %swap3A_265 = tpu.vector_load %arg10[%swap3A_264] {strides = array<i32>} : memref<640xf32, #tpu.memory_space<vmem>>, vector<16xf32>,
    %swap3A_266 = vector.shape_cast %swap3A_265 : vector<16xf32> to vector<16xf32>
    %swap3A_267 = vector.shape_cast %broadcast_in_dim3A_263 : vector<16xf32> to vector<16xf32>
    tpu.vector_store %arg10[%swap3A_264], %swap3A_267 {strides = array<i32>} : memref<640xf32, #tpu.memory_space<vmem>>, vector<16xf32>,
    %broadcast_in_dim3A_268 = arith.constant 0.000000e+00 : f32
    %broadcast_in_dim3A_269 = vector.broadcast %broadcast_in_dim3A_268 : f32 to vector<16xf32>
    %swap3A_270 = arith.constant 592 : index
    %swap3A_271 = tpu.vector_load %arg10[%swap3A_270] {strides = array<i32>} : memref<640xf32, #tpu.memory_space<vmem>>, vector<16xf32>,
    %swap3A_272 = vector.shape_cast %swap3A_271 : vector<16xf32> to vector<16xf32>
    %swap3A_273 = vector.shape_cast %broadcast_in_dim3A_269 : vector<16xf32> to vector<16xf32>
    tpu.vector_store %arg10[%swap3A_270], %swap3A_273 {strides = array<i32>} : memref<640xf32, #tpu.memory_space<vmem>>, vector<16xf32>,
    %broadcast_in_dim3A_274 = arith.constant 0.000000e+00 : f32
    %broadcast_in_dim3A_275 = vector.broadcast %broadcast_in_dim3A_274 : f32 to vector<16xf32>
    %swap3A_276 = arith.constant 608 : index
    %swap3A_277 = tpu.vector_load %arg10[%swap3A_276] {strides = array<i32>} : memref<640xf32, #tpu.memory_space<vmem>>, vector<16xf32>,
    %swap3A_278 = vector.shape_cast %swap3A_277 : vector<16xf32> to vector<16xf32>
    %swap3A_279 = vector.shape_cast %broadcast_in_dim3A_275 : vector<16xf32> to vector<16xf32>
    tpu.vector_store %arg10[%swap3A_276], %swap3A_279 {strides = array<i32>} : memref<640xf32, #tpu.memory_space<vmem>>, vector<16xf32>,
    %broadcast_in_dim3A_280 = arith.constant 0.000000e+00 : f32
    %broadcast_in_dim3A_281 = vector.broadcast %broadcast_in_dim3A_280 : f32 to vector<16xf32>
    %swap3A_282 = arith.constant 624 : index
    %swap3A_283 = tpu.vector_load %arg10[%swap3A_282] {strides = array<i32>} : memref<640xf32, #tpu.memory_space<vmem>>, vector<16xf32>,
    %swap3A_284 = vector.shape_cast %swap3A_283 : vector<16xf32> to vector<16xf32>
    %swap3A_285 = vector.shape_cast %broadcast_in_dim3A_281 : vector<16xf32> to vector<16xf32>
    tpu.vector_store %arg10[%swap3A_282], %swap3A_285 {strides = array<i32>} : memref<640xf32, #tpu.memory_space<vmem>>, vector<16xf32>,
    %mul3A = arith.constant 640 : i32
    %mul3A_286 = arith.muli %arg1, %mul3A : i32
    "tpu.region"() ({
      %run_scoped3A = tpu.sem_alloc : memref<!tpu.dma_semaphore, #tpu.memory_space<semaphore_mem>>
      %dma_start3A_490 = tpu.memref_slice %arg11[%mul3A_286] : memref<10240xf32, #tpu.memory_space<vmem_shared>> -> memref<640xf32, #tpu.memory_space<vmem_shared>>
      %dma_start3A_491 = tpu.memref_slice %arg11[%mul3A_286] : memref<10240xf32, #tpu.memory_space<vmem_shared>> -> memref<640xf32, #tpu.memory_space<vmem_shared>>
      tpu.enqueue_dma source(%arg10 : memref<640xf32, #tpu.memory_space<vmem>>) target(%dma_start3A_491 : memref<640xf32, #tpu.memory_space<vmem_shared>>) target_semaphore(%run_scoped3A : memref<!tpu.dma_semaphore, #tpu.memory_space<semaphore_mem>>)
      %dma_wait3A = tpu.memref_slice %arg11[%mul3A_286] : memref<10240xf32, #tpu.memory_space<vmem_shared>> -> memref<640xf32, #tpu.memory_space<vmem_shared>>
      %dma_wait3A_492 = tpu.memref_slice %arg11[%mul3A_286] : memref<10240xf32, #tpu.memory_space<vmem_shared>> -> memref<640xf32, #tpu.memory_space<vmem_shared>>
      tpu.wait_dma2 semaphore(%run_scoped3A : memref<!tpu.dma_semaphore, #tpu.memory_space<semaphore_mem>>) src(%arg10 : memref<640xf32, #tpu.memory_space<vmem>>) dst(%dma_wait3A_492 : memref<640xf32, #tpu.memory_space<vmem_shared>>)
      tpu.yield
    }) : () -> ()
    %mul3A_287 = arith.constant 320000 : i32
    %mul3A_288 = arith.muli %arg0, %mul3A_287 : i32
    %mul3A_289 = arith.constant 20000 : i32
    %mul3A_290 = arith.muli %arg1, %mul3A_289 : i32
    %add3A = arith.addi %mul3A_288, %mul3A_290 : i32
    "tpu.region"() ({
      %run_scoped3A = tpu.sem_alloc : memref<!tpu.dma_semaphore, #tpu.memory_space<semaphore_mem>>
      %dma_start3A_490 = tpu.memref_slice %arg2[%add3A] : memref<640000xi32, #tpu.memory_space<hbm>> -> memref<20000xi32, #tpu.memory_space<hbm>>
      %dma_start3A_491 = tpu.memref_slice %arg2[%add3A] : memref<640000xi32, #tpu.memory_space<hbm>> -> memref<20000xi32, #tpu.memory_space<hbm>>
      tpu.enqueue_dma source(%dma_start3A_491 : memref<20000xi32, #tpu.memory_space<hbm>>) target(%arg4 : memref<20000xi32, #tpu.memory_space<vmem>>) target_semaphore(%run_scoped3A : memref<!tpu.dma_semaphore, #tpu.memory_space<semaphore_mem>>)
      %dma_wait3A = tpu.memref_slice %arg2[%add3A] : memref<640000xi32, #tpu.memory_space<hbm>> -> memref<20000xi32, #tpu.memory_space<hbm>>
      %dma_wait3A_492 = tpu.memref_slice %arg2[%add3A] : memref<640000xi32, #tpu.memory_space<hbm>> -> memref<20000xi32, #tpu.memory_space<hbm>>
      tpu.wait_dma2 semaphore(%run_scoped3A : memref<!tpu.dma_semaphore, #tpu.memory_space<semaphore_mem>>) src(%dma_wait3A_492 : memref<20000xi32, #tpu.memory_space<hbm>>) dst(%arg4 : memref<20000xi32, #tpu.memory_space<vmem>>)
      tpu.yield
    }) : () -> ()
    %barrier3A = arith.constant 0 : index
    tpu.barrier barrier_id(%barrier3A)
    %get3A = arith.constant 0 : index
    %get3A_291 = tpu.vector_load %arg4[%get3A] {strides = array<i32>} : memref<20000xi32, #tpu.memory_space<vmem>>, vector<16xi32>,
    %get3A_292 = vector.shape_cast %get3A_291 : vector<16xi32> to vector<16xi32>
    %swap3A_293 = arith.constant 0 : index
    %swap3A_294 = tpu.vector_load %arg5[%swap3A_293] {strides = array<i32>} : memref<128xi32, #tpu.memory_space<vmem>>, vector<16xi32>,
    %swap3A_295 = vector.shape_cast %swap3A_294 : vector<16xi32> to vector<16xi32>
    %swap3A_296 = vector.shape_cast %get3A_292 : vector<16xi32> to vector<16xi32>
    tpu.vector_store %arg5[%swap3A_293], %swap3A_296 {strides = array<i32>} : memref<128xi32, #tpu.memory_space<vmem>>, vector<16xi32>,
    %get3A_297 = arith.constant 16 : index
    %get3A_298 = tpu.vector_load %arg4[%get3A_297] {strides = array<i32>} : memref<20000xi32, #tpu.memory_space<vmem>>, vector<16xi32>,
    %get3A_299 = vector.shape_cast %get3A_298 : vector<16xi32> to vector<16xi32>
    %swap3A_300 = arith.constant 16 : index
    %swap3A_301 = tpu.vector_load %arg5[%swap3A_300] {strides = array<i32>} : memref<128xi32, #tpu.memory_space<vmem>>, vector<16xi32>,
    %swap3A_302 = vector.shape_cast %swap3A_301 : vector<16xi32> to vector<16xi32>
    %swap3A_303 = vector.shape_cast %get3A_299 : vector<16xi32> to vector<16xi32>
    tpu.vector_store %arg5[%swap3A_300], %swap3A_303 {strides = array<i32>} : memref<128xi32, #tpu.memory_space<vmem>>, vector<16xi32>,
    %get3A_304 = arith.constant 32 : index
    %get3A_305 = tpu.vector_load %arg4[%get3A_304] {strides = array<i32>} : memref<20000xi32, #tpu.memory_space<vmem>>, vector<16xi32>,
    %get3A_306 = vector.shape_cast %get3A_305 : vector<16xi32> to vector<16xi32>
    %swap3A_307 = arith.constant 32 : index
    %swap3A_308 = tpu.vector_load %arg5[%swap3A_307] {strides = array<i32>} : memref<128xi32, #tpu.memory_space<vmem>>, vector<16xi32>,
    %swap3A_309 = vector.shape_cast %swap3A_308 : vector<16xi32> to vector<16xi32>
    %swap3A_310 = vector.shape_cast %get3A_306 : vector<16xi32> to vector<16xi32>
    tpu.vector_store %arg5[%swap3A_307], %swap3A_310 {strides = array<i32>} : memref<128xi32, #tpu.memory_space<vmem>>, vector<16xi32>,
    %get3A_311 = arith.constant 48 : index
    %get3A_312 = tpu.vector_load %arg4[%get3A_311] {strides = array<i32>} : memref<20000xi32, #tpu.memory_space<vmem>>, vector<16xi32>,
    %get3A_313 = vector.shape_cast %get3A_312 : vector<16xi32> to vector<16xi32>
    %swap3A_314 = arith.constant 48 : index
    %swap3A_315 = tpu.vector_load %arg5[%swap3A_314] {strides = array<i32>} : memref<128xi32, #tpu.memory_space<vmem>>, vector<16xi32>,
    %swap3A_316 = vector.shape_cast %swap3A_315 : vector<16xi32> to vector<16xi32>
    %swap3A_317 = vector.shape_cast %get3A_313 : vector<16xi32> to vector<16xi32>
    tpu.vector_store %arg5[%swap3A_314], %swap3A_317 {strides = array<i32>} : memref<128xi32, #tpu.memory_space<vmem>>, vector<16xi32>,
    %get3A_318 = arith.constant 64 : index
    %get3A_319 = tpu.vector_load %arg4[%get3A_318] {strides = array<i32>} : memref<20000xi32, #tpu.memory_space<vmem>>, vector<16xi32>,
    %get3A_320 = vector.shape_cast %get3A_319 : vector<16xi32> to vector<16xi32>
    %swap3A_321 = arith.constant 64 : index
    %swap3A_322 = tpu.vector_load %arg5[%swap3A_321] {strides = array<i32>} : memref<128xi32, #tpu.memory_space<vmem>>, vector<16xi32>,
    %swap3A_323 = vector.shape_cast %swap3A_322 : vector<16xi32> to vector<16xi32>
    %swap3A_324 = vector.shape_cast %get3A_320 : vector<16xi32> to vector<16xi32>
    tpu.vector_store %arg5[%swap3A_321], %swap3A_324 {strides = array<i32>} : memref<128xi32, #tpu.memory_space<vmem>>, vector<16xi32>,
    %get3A_325 = arith.constant 80 : index
    %get3A_326 = tpu.vector_load %arg4[%get3A_325] {strides = array<i32>} : memref<20000xi32, #tpu.memory_space<vmem>>, vector<16xi32>,
    %get3A_327 = vector.shape_cast %get3A_326 : vector<16xi32> to vector<16xi32>
    %swap3A_328 = arith.constant 80 : index
    %swap3A_329 = tpu.vector_load %arg5[%swap3A_328] {strides = array<i32>} : memref<128xi32, #tpu.memory_space<vmem>>, vector<16xi32>,
    %swap3A_330 = vector.shape_cast %swap3A_329 : vector<16xi32> to vector<16xi32>
    %swap3A_331 = vector.shape_cast %get3A_327 : vector<16xi32> to vector<16xi32>
    tpu.vector_store %arg5[%swap3A_328], %swap3A_331 {strides = array<i32>} : memref<128xi32, #tpu.memory_space<vmem>>, vector<16xi32>,
    %get3A_332 = arith.constant 96 : index
    %get3A_333 = tpu.vector_load %arg4[%get3A_332] {strides = array<i32>} : memref<20000xi32, #tpu.memory_space<vmem>>, vector<16xi32>,
    %get3A_334 = vector.shape_cast %get3A_333 : vector<16xi32> to vector<16xi32>
    %swap3A_335 = arith.constant 96 : index
    %swap3A_336 = tpu.vector_load %arg5[%swap3A_335] {strides = array<i32>} : memref<128xi32, #tpu.memory_space<vmem>>, vector<16xi32>,
    %swap3A_337 = vector.shape_cast %swap3A_336 : vector<16xi32> to vector<16xi32>
    %swap3A_338 = vector.shape_cast %get3A_334 : vector<16xi32> to vector<16xi32>
    tpu.vector_store %arg5[%swap3A_335], %swap3A_338 {strides = array<i32>} : memref<128xi32, #tpu.memory_space<vmem>>, vector<16xi32>,
    %get3A_339 = arith.constant 112 : index
    %get3A_340 = tpu.vector_load %arg4[%get3A_339] {strides = array<i32>} : memref<20000xi32, #tpu.memory_space<vmem>>, vector<16xi32>,
    %get3A_341 = vector.shape_cast %get3A_340 : vector<16xi32> to vector<16xi32>
    %swap3A_342 = arith.constant 112 : index
    %swap3A_343 = tpu.vector_load %arg5[%swap3A_342] {strides = array<i32>} : memref<128xi32, #tpu.memory_space<vmem>>, vector<16xi32>,
    %swap3A_344 = vector.shape_cast %swap3A_343 : vector<16xi32> to vector<16xi32>
    %swap3A_345 = vector.shape_cast %get3A_341 : vector<16xi32> to vector<16xi32>
    tpu.vector_store %arg5[%swap3A_342], %swap3A_345 {strides = array<i32>} : memref<128xi32, #tpu.memory_space<vmem>>, vector<16xi32>,
    %dma_start3A = arith.constant 0 : i32
    %dma_start3A_346 = tpu.memref_slice %arg11[%dma_start3A] : memref<10240xf32, #tpu.memory_space<vmem_shared>> -> memref<10240xf32, #tpu.memory_space<vmem_shared>>
    tpu.enqueue_indirect_dma source(%arg9 : memref<128xf32, #tpu.memory_space<vmem>>) target(%dma_start3A_346 : memref<10240xf32, #tpu.memory_space<vmem_shared>>) offsets(%arg5 : memref<128xi32, #tpu.memory_space<vmem>>) semaphore(%arg12 : memref<!tpu.dma_semaphore, #tpu.memory_space<semaphore_mem>>) {add = true}
    %get3A_347 = arith.constant 128 : index
    %get3A_348 = tpu.vector_load %arg4[%get3A_347] {strides = array<i32>} : memref<20000xi32, #tpu.memory_space<vmem>>, vector<16xi32>,
    %get3A_349 = vector.shape_cast %get3A_348 : vector<16xi32> to vector<16xi32>
    %swap3A_350 = arith.constant 0 : index
    %swap3A_351 = tpu.vector_load %arg6[%swap3A_350] {strides = array<i32>} : memref<128xi32, #tpu.memory_space<vmem>>, vector<16xi32>,
    %swap3A_352 = vector.shape_cast %swap3A_351 : vector<16xi32> to vector<16xi32>
    %swap3A_353 = vector.shape_cast %get3A_349 : vector<16xi32> to vector<16xi32>
    tpu.vector_store %arg6[%swap3A_350], %swap3A_353 {strides = array<i32>} : memref<128xi32, #tpu.memory_space<vmem>>, vector<16xi32>,
    %get3A_354 = arith.constant 144 : index
    %get3A_355 = tpu.vector_load %arg4[%get3A_354] {strides = array<i32>} : memref<20000xi32, #tpu.memory_space<vmem>>, vector<16xi32>,
    %get3A_356 = vector.shape_cast %get3A_355 : vector<16xi32> to vector<16xi32>
    %swap3A_357 = arith.constant 16 : index
    %swap3A_358 = tpu.vector_load %arg6[%swap3A_357] {strides = array<i32>} : memref<128xi32, #tpu.memory_space<vmem>>, vector<16xi32>,
    %swap3A_359 = vector.shape_cast %swap3A_358 : vector<16xi32> to vector<16xi32>
    %swap3A_360 = vector.shape_cast %get3A_356 : vector<16xi32> to vector<16xi32>
    tpu.vector_store %arg6[%swap3A_357], %swap3A_360 {strides = array<i32>} : memref<128xi32, #tpu.memory_space<vmem>>, vector<16xi32>,
    %get3A_361 = arith.constant 160 : index
    %get3A_362 = tpu.vector_load %arg4[%get3A_361] {strides = array<i32>} : memref<20000xi32, #tpu.memory_space<vmem>>, vector<16xi32>,
    %get3A_363 = vector.shape_cast %get3A_362 : vector<16xi32> to vector<16xi32>
    %swap3A_364 = arith.constant 32 : index
    %swap3A_365 = tpu.vector_load %arg6[%swap3A_364] {strides = array<i32>} : memref<128xi32, #tpu.memory_space<vmem>>, vector<16xi32>,
    %swap3A_366 = vector.shape_cast %swap3A_365 : vector<16xi32> to vector<16xi32>
    %swap3A_367 = vector.shape_cast %get3A_363 : vector<16xi32> to vector<16xi32>
    tpu.vector_store %arg6[%swap3A_364], %swap3A_367 {strides = array<i32>} : memref<128xi32, #tpu.memory_space<vmem>>, vector<16xi32>,
    %get3A_368 = arith.constant 176 : index
    %get3A_369 = tpu.vector_load %arg4[%get3A_368] {strides = array<i32>} : memref<20000xi32, #tpu.memory_space<vmem>>, vector<16xi32>,
    %get3A_370 = vector.shape_cast %get3A_369 : vector<16xi32> to vector<16xi32>
    %swap3A_371 = arith.constant 48 : index
    %swap3A_372 = tpu.vector_load %arg6[%swap3A_371] {strides = array<i32>} : memref<128xi32, #tpu.memory_space<vmem>>, vector<16xi32>,
    %swap3A_373 = vector.shape_cast %swap3A_372 : vector<16xi32> to vector<16xi32>
    %swap3A_374 = vector.shape_cast %get3A_370 : vector<16xi32> to vector<16xi32>
    tpu.vector_store %arg6[%swap3A_371], %swap3A_374 {strides = array<i32>} : memref<128xi32, #tpu.memory_space<vmem>>, vector<16xi32>,
    %get3A_375 = arith.constant 192 : index
    %get3A_376 = tpu.vector_load %arg4[%get3A_375] {strides = array<i32>} : memref<20000xi32, #tpu.memory_space<vmem>>, vector<16xi32>,
    %get3A_377 = vector.shape_cast %get3A_376 : vector<16xi32> to vector<16xi32>
    %swap3A_378 = arith.constant 64 : index
    %swap3A_379 = tpu.vector_load %arg6[%swap3A_378] {strides = array<i32>} : memref<128xi32, #tpu.memory_space<vmem>>, vector<16xi32>,
    %swap3A_380 = vector.shape_cast %swap3A_379 : vector<16xi32> to vector<16xi32>
    %swap3A_381 = vector.shape_cast %get3A_377 : vector<16xi32> to vector<16xi32>
    tpu.vector_store %arg6[%swap3A_378], %swap3A_381 {strides = array<i32>} : memref<128xi32, #tpu.memory_space<vmem>>, vector<16xi32>,
    %get3A_382 = arith.constant 208 : index
    %get3A_383 = tpu.vector_load %arg4[%get3A_382] {strides = array<i32>} : memref<20000xi32, #tpu.memory_space<vmem>>, vector<16xi32>,
    %get3A_384 = vector.shape_cast %get3A_383 : vector<16xi32> to vector<16xi32>
    %swap3A_385 = arith.constant 80 : index
    %swap3A_386 = tpu.vector_load %arg6[%swap3A_385] {strides = array<i32>} : memref<128xi32, #tpu.memory_space<vmem>>, vector<16xi32>,
    %swap3A_387 = vector.shape_cast %swap3A_386 : vector<16xi32> to vector<16xi32>
    %swap3A_388 = vector.shape_cast %get3A_384 : vector<16xi32> to vector<16xi32>
    tpu.vector_store %arg6[%swap3A_385], %swap3A_388 {strides = array<i32>} : memref<128xi32, #tpu.memory_space<vmem>>, vector<16xi32>,
    %get3A_389 = arith.constant 224 : index
    %get3A_390 = tpu.vector_load %arg4[%get3A_389] {strides = array<i32>} : memref<20000xi32, #tpu.memory_space<vmem>>, vector<16xi32>,
    %get3A_391 = vector.shape_cast %get3A_390 : vector<16xi32> to vector<16xi32>
    %swap3A_392 = arith.constant 96 : index
    %swap3A_393 = tpu.vector_load %arg6[%swap3A_392] {strides = array<i32>} : memref<128xi32, #tpu.memory_space<vmem>>, vector<16xi32>,
    %swap3A_394 = vector.shape_cast %swap3A_393 : vector<16xi32> to vector<16xi32>
    %swap3A_395 = vector.shape_cast %get3A_391 : vector<16xi32> to vector<16xi32>
    tpu.vector_store %arg6[%swap3A_392], %swap3A_395 {strides = array<i32>} : memref<128xi32, #tpu.memory_space<vmem>>, vector<16xi32>,
    %get3A_396 = arith.constant 240 : index
    %get3A_397 = tpu.vector_load %arg4[%get3A_396] {strides = array<i32>} : memref<20000xi32, #tpu.memory_space<vmem>>, vector<16xi32>,
    %get3A_398 = vector.shape_cast %get3A_397 : vector<16xi32> to vector<16xi32>
    %swap3A_399 = arith.constant 112 : index
    %swap3A_400 = tpu.vector_load %arg6[%swap3A_399] {strides = array<i32>} : memref<128xi32, #tpu.memory_space<vmem>>, vector<16xi32>,
    %swap3A_401 = vector.shape_cast %swap3A_400 : vector<16xi32> to vector<16xi32>
    %swap3A_402 = vector.shape_cast %get3A_398 : vector<16xi32> to vector<16xi32>
    tpu.vector_store %arg6[%swap3A_399], %swap3A_402 {strides = array<i32>} : memref<128xi32, #tpu.memory_space<vmem>>, vector<16xi32>,
    %dma_start3A_403 = arith.constant 0 : i32
    %dma_start3A_404 = tpu.memref_slice %arg11[%dma_start3A_403] : memref<10240xf32, #tpu.memory_space<vmem_shared>> -> memref<10240xf32, #tpu.memory_space<vmem_shared>>
    tpu.enqueue_indirect_dma source(%arg9 : memref<128xf32, #tpu.memory_space<vmem>>) target(%dma_start3A_404 : memref<10240xf32, #tpu.memory_space<vmem_shared>>) offsets(%arg6 : memref<128xi32, #tpu.memory_space<vmem>>) semaphore(%arg13 : memref<!tpu.dma_semaphore, #tpu.memory_space<semaphore_mem>>) {add = true}
    %get3A_405 = arith.constant 256 : index
    %get3A_406 = tpu.vector_load %arg4[%get3A_405] {strides = array<i32>} : memref<20000xi32, #tpu.memory_space<vmem>>, vector<16xi32>,
    %get3A_407 = vector.shape_cast %get3A_406 : vector<16xi32> to vector<16xi32>
    %swap3A_408 = arith.constant 0 : index
    %swap3A_409 = tpu.vector_load %arg7[%swap3A_408] {strides = array<i32>} : memref<128xi32, #tpu.memory_space<vmem>>, vector<16xi32>,
    %swap3A_410 = vector.shape_cast %swap3A_409 : vector<16xi32> to vector<16xi32>
    %swap3A_411 = vector.shape_cast %get3A_407 : vector<16xi32> to vector<16xi32>
    tpu.vector_store %arg7[%swap3A_408], %swap3A_411 {strides = array<i32>} : memref<128xi32, #tpu.memory_space<vmem>>, vector<16xi32>,
    %get3A_412 = arith.constant 272 : index
    %get3A_413 = tpu.vector_load %arg4[%get3A_412] {strides = array<i32>} : memref<20000xi32, #tpu.memory_space<vmem>>, vector<16xi32>,
    %get3A_414 = vector.shape_cast %get3A_413 : vector<16xi32> to vector<16xi32>
    %swap3A_415 = arith.constant 16 : index
    %swap3A_416 = tpu.vector_load %arg7[%swap3A_415] {strides = array<i32>} : memref<128xi32, #tpu.memory_space<vmem>>, vector<16xi32>,
    %swap3A_417 = vector.shape_cast %swap3A_416 : vector<16xi32> to vector<16xi32>
    %swap3A_418 = vector.shape_cast %get3A_414 : vector<16xi32> to vector<16xi32>
    tpu.vector_store %arg7[%swap3A_415], %swap3A_418 {strides = array<i32>} : memref<128xi32, #tpu.memory_space<vmem>>, vector<16xi32>,
    %get3A_419 = arith.constant 288 : index
    %get3A_420 = tpu.vector_load %arg4[%get3A_419] {strides = array<i32>} : memref<20000xi32, #tpu.memory_space<vmem>>, vector<16xi32>,
    %get3A_421 = vector.shape_cast %get3A_420 : vector<16xi32> to vector<16xi32>
    %swap3A_422 = arith.constant 32 : index
    %swap3A_423 = tpu.vector_load %arg7[%swap3A_422] {strides = array<i32>} : memref<128xi32, #tpu.memory_space<vmem>>, vector<16xi32>,
    %swap3A_424 = vector.shape_cast %swap3A_423 : vector<16xi32> to vector<16xi32>
    %swap3A_425 = vector.shape_cast %get3A_421 : vector<16xi32> to vector<16xi32>
    tpu.vector_store %arg7[%swap3A_422], %swap3A_425 {strides = array<i32>} : memref<128xi32, #tpu.memory_space<vmem>>, vector<16xi32>,
    %get3A_426 = arith.constant 304 : index
    %get3A_427 = tpu.vector_load %arg4[%get3A_426] {strides = array<i32>} : memref<20000xi32, #tpu.memory_space<vmem>>, vector<16xi32>,
    %get3A_428 = vector.shape_cast %get3A_427 : vector<16xi32> to vector<16xi32>
    %swap3A_429 = arith.constant 48 : index
    %swap3A_430 = tpu.vector_load %arg7[%swap3A_429] {strides = array<i32>} : memref<128xi32, #tpu.memory_space<vmem>>, vector<16xi32>,
    %swap3A_431 = vector.shape_cast %swap3A_430 : vector<16xi32> to vector<16xi32>
    %swap3A_432 = vector.shape_cast %get3A_428 : vector<16xi32> to vector<16xi32>
    tpu.vector_store %arg7[%swap3A_429], %swap3A_432 {strides = array<i32>} : memref<128xi32, #tpu.memory_space<vmem>>, vector<16xi32>,
    %get3A_433 = arith.constant 320 : index
    %get3A_434 = tpu.vector_load %arg4[%get3A_433] {strides = array<i32>} : memref<20000xi32, #tpu.memory_space<vmem>>, vector<16xi32>,
    %get3A_435 = vector.shape_cast %get3A_434 : vector<16xi32> to vector<16xi32>
    %swap3A_436 = arith.constant 64 : index
    %swap3A_437 = tpu.vector_load %arg7[%swap3A_436] {strides = array<i32>} : memref<128xi32, #tpu.memory_space<vmem>>, vector<16xi32>,
    %swap3A_438 = vector.shape_cast %swap3A_437 : vector<16xi32> to vector<16xi32>
    %swap3A_439 = vector.shape_cast %get3A_435 : vector<16xi32> to vector<16xi32>
    tpu.vector_store %arg7[%swap3A_436], %swap3A_439 {strides = array<i32>} : memref<128xi32, #tpu.memory_space<vmem>>, vector<16xi32>,
    %get3A_440 = arith.constant 336 : index
    %get3A_441 = tpu.vector_load %arg4[%get3A_440] {strides = array<i32>} : memref<20000xi32, #tpu.memory_space<vmem>>, vector<16xi32>,
    %get3A_442 = vector.shape_cast %get3A_441 : vector<16xi32> to vector<16xi32>
    %swap3A_443 = arith.constant 80 : index
    %swap3A_444 = tpu.vector_load %arg7[%swap3A_443] {strides = array<i32>} : memref<128xi32, #tpu.memory_space<vmem>>, vector<16xi32>,
    %swap3A_445 = vector.shape_cast %swap3A_444 : vector<16xi32> to vector<16xi32>
    %swap3A_446 = vector.shape_cast %get3A_442 : vector<16xi32> to vector<16xi32>
    tpu.vector_store %arg7[%swap3A_443], %swap3A_446 {strides = array<i32>} : memref<128xi32, #tpu.memory_space<vmem>>, vector<16xi32>,
    %get3A_447 = arith.constant 352 : index
    %get3A_448 = tpu.vector_load %arg4[%get3A_447] {strides = array<i32>} : memref<20000xi32, #tpu.memory_space<vmem>>, vector<16xi32>,
    %get3A_449 = vector.shape_cast %get3A_448 : vector<16xi32> to vector<16xi32>
    %swap3A_450 = arith.constant 96 : index
    %swap3A_451 = tpu.vector_load %arg7[%swap3A_450] {strides = array<i32>} : memref<128xi32, #tpu.memory_space<vmem>>, vector<16xi32>,
    %swap3A_452 = vector.shape_cast %swap3A_451 : vector<16xi32> to vector<16xi32>
    %swap3A_453 = vector.shape_cast %get3A_449 : vector<16xi32> to vector<16xi32>
    tpu.vector_store %arg7[%swap3A_450], %swap3A_453 {strides = array<i32>} : memref<128xi32, #tpu.memory_space<vmem>>, vector<16xi32>,
    %get3A_454 = arith.constant 368 : index
    %get3A_455 = tpu.vector_load %arg4[%get3A_454] {strides = array<i32>} : memref<20000xi32, #tpu.memory_space<vmem>>, vector<16xi32>,
    %get3A_456 = vector.shape_cast %get3A_455 : vector<16xi32> to vector<16xi32>
    %swap3A_457 = arith.constant 112 : index
    %swap3A_458 = tpu.vector_load %arg7[%swap3A_457] {strides = array<i32>} : memref<128xi32, #tpu.memory_space<vmem>>, vector<16xi32>,
    %swap3A_459 = vector.shape_cast %swap3A_458 : vector<16xi32> to vector<16xi32>
    %swap3A_460 = vector.shape_cast %get3A_456 : vector<16xi32> to vector<16xi32>
    tpu.vector_store %arg7[%swap3A_457], %swap3A_460 {strides = array<i32>} : memref<128xi32, #tpu.memory_space<vmem>>, vector<16xi32>,
    %dma_start3A_461 = arith.constant 0 : i32
    %dma_start3A_462 = tpu.memref_slice %arg11[%dma_start3A_461] : memref<10240xf32, #tpu.memory_space<vmem_shared>> -> memref<10240xf32, #tpu.memory_space<vmem_shared>>
    tpu.enqueue_indirect_dma source(%arg9 : memref<128xf32, #tpu.memory_space<vmem>>) target(%dma_start3A_462 : memref<10240xf32, #tpu.memory_space<vmem_shared>>) offsets(%arg7 : memref<128xi32, #tpu.memory_space<vmem>>) semaphore(%arg14 : memref<!tpu.dma_semaphore, #tpu.memory_space<semaphore_mem>>) {add = true}
    %scan3A = arith.constant 0 : i32
    %scan3A_463 = arith.constant 0 : i32
    %scan3A_464 = arith.constant 52 : i32
    %scan3A_465 = arith.addi %scan3A_463, %scan3A_464 : i32
    %scan3A_466 = arith.constant 1 : i32
    scf.for %scan3A_490 = %scan3A_463 to %scan3A_465 step %scan3A_466  : i32 {
      %mul3A_491 = arith.constant 3 : i32
      %mul3A_492 = arith.muli %scan3A_490, %mul3A_491 : i32
      %add3A_493 = arith.constant 0 : i32
      %add3A_494 = arith.addi %mul3A_492, %add3A_493 : i32
      %dma_wait3A = arith.constant 0 : i32
      %dma_wait3A_495 = tpu.memref_slice %arg11[%dma_wait3A] : memref<10240xf32, #tpu.memory_space<vmem_shared>> -> memref<10240xf32, #tpu.memory_space<vmem_shared>>
      tpu.wait_indirect_dma semaphore(%arg12 : memref<!tpu.dma_semaphore, #tpu.memory_space<semaphore_mem>>) src(%arg9 : memref<128xf32, #tpu.memory_space<vmem>>) dst(%dma_wait3A_495 : memref<10240xf32, #tpu.memory_space<vmem_shared>>)
      %add3A_496 = arith.constant 3 : i32
      %add3A_497 = arith.addi %add3A_494, %add3A_496 : i32
      %lt3A = arith.constant 156 : i32
      %lt3A_498 = arith.cmpi slt, %add3A_497, %lt3A : i32
      %convert_element_type3A = arith.extui %lt3A_498 : i1 to i32
      %cond3A = arith.constant 0 : i32
      %cond3A_499 = arith.cmpi ne, %convert_element_type3A, %cond3A : i32
      scf.if %cond3A_499 {
        %mul3A_526 = arith.constant 128 : i32
        %mul3A_527 = arith.muli %add3A_497, %mul3A_526 : i32
        %add3A_528 = arith.constant 0 : i32
        %add3A_529 = arith.addi %mul3A_527, %add3A_528 : i32
        %get3A_530 = arith.index_cast %add3A_529 : i32 to index
        %get3A_531 = tpu.vector_load %arg4[%get3A_530] {strides = array<i32>} : memref<20000xi32, #tpu.memory_space<vmem>>, vector<16xi32>,
        %get3A_532 = vector.shape_cast %get3A_531 : vector<16xi32> to vector<16xi32>
        %swap3A_533 = arith.constant 0 : index
        %swap3A_534 = tpu.vector_load %arg5[%swap3A_533] {strides = array<i32>} : memref<128xi32, #tpu.memory_space<vmem>>, vector<16xi32>,
        %swap3A_535 = vector.shape_cast %swap3A_534 : vector<16xi32> to vector<16xi32>
        %swap3A_536 = vector.shape_cast %get3A_532 : vector<16xi32> to vector<16xi32>
        tpu.vector_store %arg5[%swap3A_533], %swap3A_536 {strides = array<i32>} : memref<128xi32, #tpu.memory_space<vmem>>, vector<16xi32>,
        %add3A_537 = arith.constant 16 : i32
        %add3A_538 = arith.addi %mul3A_527, %add3A_537 : i32
        %get3A_539 = arith.index_cast %add3A_538 : i32 to index
        %get3A_540 = tpu.vector_load %arg4[%get3A_539] {strides = array<i32>} : memref<20000xi32, #tpu.memory_space<vmem>>, vector<16xi32>,
        %get3A_541 = vector.shape_cast %get3A_540 : vector<16xi32> to vector<16xi32>
        %swap3A_542 = arith.constant 16 : index
        %swap3A_543 = tpu.vector_load %arg5[%swap3A_542] {strides = array<i32>} : memref<128xi32, #tpu.memory_space<vmem>>, vector<16xi32>,
        %swap3A_544 = vector.shape_cast %swap3A_543 : vector<16xi32> to vector<16xi32>
        %swap3A_545 = vector.shape_cast %get3A_541 : vector<16xi32> to vector<16xi32>
        tpu.vector_store %arg5[%swap3A_542], %swap3A_545 {strides = array<i32>} : memref<128xi32, #tpu.memory_space<vmem>>, vector<16xi32>,
        %add3A_546 = arith.constant 32 : i32
        %add3A_547 = arith.addi %mul3A_527, %add3A_546 : i32
        %get3A_548 = arith.index_cast %add3A_547 : i32 to index
        %get3A_549 = tpu.vector_load %arg4[%get3A_548] {strides = array<i32>} : memref<20000xi32, #tpu.memory_space<vmem>>, vector<16xi32>,
        %get3A_550 = vector.shape_cast %get3A_549 : vector<16xi32> to vector<16xi32>
        %swap3A_551 = arith.constant 32 : index
        %swap3A_552 = tpu.vector_load %arg5[%swap3A_551] {strides = array<i32>} : memref<128xi32, #tpu.memory_space<vmem>>, vector<16xi32>,
        %swap3A_553 = vector.shape_cast %swap3A_552 : vector<16xi32> to vector<16xi32>
        %swap3A_554 = vector.shape_cast %get3A_550 : vector<16xi32> to vector<16xi32>
        tpu.vector_store %arg5[%swap3A_551], %swap3A_554 {strides = array<i32>} : memref<128xi32, #tpu.memory_space<vmem>>, vector<16xi32>,
        %add3A_555 = arith.constant 48 : i32
        %add3A_556 = arith.addi %mul3A_527, %add3A_555 : i32
        %get3A_557 = arith.index_cast %add3A_556 : i32 to index
        %get3A_558 = tpu.vector_load %arg4[%get3A_557] {strides = array<i32>} : memref<20000xi32, #tpu.memory_space<vmem>>, vector<16xi32>,
        %get3A_559 = vector.shape_cast %get3A_558 : vector<16xi32> to vector<16xi32>
        %swap3A_560 = arith.constant 48 : index
        %swap3A_561 = tpu.vector_load %arg5[%swap3A_560] {strides = array<i32>} : memref<128xi32, #tpu.memory_space<vmem>>, vector<16xi32>,
        %swap3A_562 = vector.shape_cast %swap3A_561 : vector<16xi32> to vector<16xi32>
        %swap3A_563 = vector.shape_cast %get3A_559 : vector<16xi32> to vector<16xi32>
        tpu.vector_store %arg5[%swap3A_560], %swap3A_563 {strides = array<i32>} : memref<128xi32, #tpu.memory_space<vmem>>, vector<16xi32>,
        %add3A_564 = arith.constant 64 : i32
        %add3A_565 = arith.addi %mul3A_527, %add3A_564 : i32
        %get3A_566 = arith.index_cast %add3A_565 : i32 to index
        %get3A_567 = tpu.vector_load %arg4[%get3A_566] {strides = array<i32>} : memref<20000xi32, #tpu.memory_space<vmem>>, vector<16xi32>,
        %get3A_568 = vector.shape_cast %get3A_567 : vector<16xi32> to vector<16xi32>
        %swap3A_569 = arith.constant 64 : index
        %swap3A_570 = tpu.vector_load %arg5[%swap3A_569] {strides = array<i32>} : memref<128xi32, #tpu.memory_space<vmem>>, vector<16xi32>,
        %swap3A_571 = vector.shape_cast %swap3A_570 : vector<16xi32> to vector<16xi32>
        %swap3A_572 = vector.shape_cast %get3A_568 : vector<16xi32> to vector<16xi32>
        tpu.vector_store %arg5[%swap3A_569], %swap3A_572 {strides = array<i32>} : memref<128xi32, #tpu.memory_space<vmem>>, vector<16xi32>,
        %add3A_573 = arith.constant 80 : i32
        %add3A_574 = arith.addi %mul3A_527, %add3A_573 : i32
        %get3A_575 = arith.index_cast %add3A_574 : i32 to index
        %get3A_576 = tpu.vector_load %arg4[%get3A_575] {strides = array<i32>} : memref<20000xi32, #tpu.memory_space<vmem>>, vector<16xi32>,
        %get3A_577 = vector.shape_cast %get3A_576 : vector<16xi32> to vector<16xi32>
        %swap3A_578 = arith.constant 80 : index
        %swap3A_579 = tpu.vector_load %arg5[%swap3A_578] {strides = array<i32>} : memref<128xi32, #tpu.memory_space<vmem>>, vector<16xi32>,
        %swap3A_580 = vector.shape_cast %swap3A_579 : vector<16xi32> to vector<16xi32>
        %swap3A_581 = vector.shape_cast %get3A_577 : vector<16xi32> to vector<16xi32>
        tpu.vector_store %arg5[%swap3A_578], %swap3A_581 {strides = array<i32>} : memref<128xi32, #tpu.memory_space<vmem>>, vector<16xi32>,
        %add3A_582 = arith.constant 96 : i32
        %add3A_583 = arith.addi %mul3A_527, %add3A_582 : i32
        %get3A_584 = arith.index_cast %add3A_583 : i32 to index
        %get3A_585 = tpu.vector_load %arg4[%get3A_584] {strides = array<i32>} : memref<20000xi32, #tpu.memory_space<vmem>>, vector<16xi32>,
        %get3A_586 = vector.shape_cast %get3A_585 : vector<16xi32> to vector<16xi32>
        %swap3A_587 = arith.constant 96 : index
        %swap3A_588 = tpu.vector_load %arg5[%swap3A_587] {strides = array<i32>} : memref<128xi32, #tpu.memory_space<vmem>>, vector<16xi32>,
        %swap3A_589 = vector.shape_cast %swap3A_588 : vector<16xi32> to vector<16xi32>
        %swap3A_590 = vector.shape_cast %get3A_586 : vector<16xi32> to vector<16xi32>
        tpu.vector_store %arg5[%swap3A_587], %swap3A_590 {strides = array<i32>} : memref<128xi32, #tpu.memory_space<vmem>>, vector<16xi32>,
        %add3A_591 = arith.constant 112 : i32
        %add3A_592 = arith.addi %mul3A_527, %add3A_591 : i32
        %get3A_593 = arith.index_cast %add3A_592 : i32 to index
        %get3A_594 = tpu.vector_load %arg4[%get3A_593] {strides = array<i32>} : memref<20000xi32, #tpu.memory_space<vmem>>, vector<16xi32>,
        %get3A_595 = vector.shape_cast %get3A_594 : vector<16xi32> to vector<16xi32>
        %swap3A_596 = arith.constant 112 : index
        %swap3A_597 = tpu.vector_load %arg5[%swap3A_596] {strides = array<i32>} : memref<128xi32, #tpu.memory_space<vmem>>, vector<16xi32>,
        %swap3A_598 = vector.shape_cast %swap3A_597 : vector<16xi32> to vector<16xi32>
        %swap3A_599 = vector.shape_cast %get3A_595 : vector<16xi32> to vector<16xi32>
        tpu.vector_store %arg5[%swap3A_596], %swap3A_599 {strides = array<i32>} : memref<128xi32, #tpu.memory_space<vmem>>, vector<16xi32>,
        %dma_start3A_600 = arith.constant 0 : i32
        %dma_start3A_601 = tpu.memref_slice %arg11[%dma_start3A_600] : memref<10240xf32, #tpu.memory_space<vmem_shared>> -> memref<10240xf32, #tpu.memory_space<vmem_shared>>
        tpu.enqueue_indirect_dma source(%arg9 : memref<128xf32, #tpu.memory_space<vmem>>) target(%dma_start3A_601 : memref<10240xf32, #tpu.memory_space<vmem_shared>>) offsets(%arg5 : memref<128xi32, #tpu.memory_space<vmem>>) semaphore(%arg12 : memref<!tpu.dma_semaphore, #tpu.memory_space<semaphore_mem>>) {add = true}
      } else {
      }
      %mul3A_500 = arith.constant 3 : i32
      %mul3A_501 = arith.muli %scan3A_490, %mul3A_500 : i32
      %add3A_502 = arith.constant 1 : i32
      %add3A_503 = arith.addi %mul3A_501, %add3A_502 : i32
      %dma_wait3A_504 = arith.constant 0 : i32
      %dma_wait3A_505 = tpu.memref_slice %arg11[%dma_wait3A_504] : memref<10240xf32, #tpu.memory_space<vmem_shared>> -> memref<10240xf32, #tpu.memory_space<vmem_shared>>
      tpu.wait_indirect_dma semaphore(%arg13 : memref<!tpu.dma_semaphore, #tpu.memory_space<semaphore_mem>>) src(%arg9 : memref<128xf32, #tpu.memory_space<vmem>>) dst(%dma_wait3A_505 : memref<10240xf32, #tpu.memory_space<vmem_shared>>)
      %add3A_506 = arith.constant 3 : i32
      %add3A_507 = arith.addi %add3A_503, %add3A_506 : i32
      %lt3A_508 = arith.constant 156 : i32
      %lt3A_509 = arith.cmpi slt, %add3A_507, %lt3A_508 : i32
      %convert_element_type3A_510 = arith.extui %lt3A_509 : i1 to i32
      %cond3A_511 = arith.constant 0 : i32
      %cond3A_512 = arith.cmpi ne, %convert_element_type3A_510, %cond3A_511 : i32
      scf.if %cond3A_512 {
        %mul3A_526 = arith.constant 128 : i32
        %mul3A_527 = arith.muli %add3A_507, %mul3A_526 : i32
        %add3A_528 = arith.constant 0 : i32
        %add3A_529 = arith.addi %mul3A_527, %add3A_528 : i32
        %get3A_530 = arith.index_cast %add3A_529 : i32 to index
        %get3A_531 = tpu.vector_load %arg4[%get3A_530] {strides = array<i32>} : memref<20000xi32, #tpu.memory_space<vmem>>, vector<16xi32>,
        %get3A_532 = vector.shape_cast %get3A_531 : vector<16xi32> to vector<16xi32>
        %swap3A_533 = arith.constant 0 : index
        %swap3A_534 = tpu.vector_load %arg6[%swap3A_533] {strides = array<i32>} : memref<128xi32, #tpu.memory_space<vmem>>, vector<16xi32>,
        %swap3A_535 = vector.shape_cast %swap3A_534 : vector<16xi32> to vector<16xi32>
        %swap3A_536 = vector.shape_cast %get3A_532 : vector<16xi32> to vector<16xi32>
        tpu.vector_store %arg6[%swap3A_533], %swap3A_536 {strides = array<i32>} : memref<128xi32, #tpu.memory_space<vmem>>, vector<16xi32>,
        %add3A_537 = arith.constant 16 : i32
        %add3A_538 = arith.addi %mul3A_527, %add3A_537 : i32
        %get3A_539 = arith.index_cast %add3A_538 : i32 to index
        %get3A_540 = tpu.vector_load %arg4[%get3A_539] {strides = array<i32>} : memref<20000xi32, #tpu.memory_space<vmem>>, vector<16xi32>,
        %get3A_541 = vector.shape_cast %get3A_540 : vector<16xi32> to vector<16xi32>
        %swap3A_542 = arith.constant 16 : index
        %swap3A_543 = tpu.vector_load %arg6[%swap3A_542] {strides = array<i32>} : memref<128xi32, #tpu.memory_space<vmem>>, vector<16xi32>,
        %swap3A_544 = vector.shape_cast %swap3A_543 : vector<16xi32> to vector<16xi32>
        %swap3A_545 = vector.shape_cast %get3A_541 : vector<16xi32> to vector<16xi32>
        tpu.vector_store %arg6[%swap3A_542], %swap3A_545 {strides = array<i32>} : memref<128xi32, #tpu.memory_space<vmem>>, vector<16xi32>,
        %add3A_546 = arith.constant 32 : i32
        %add3A_547 = arith.addi %mul3A_527, %add3A_546 : i32
        %get3A_548 = arith.index_cast %add3A_547 : i32 to index
        %get3A_549 = tpu.vector_load %arg4[%get3A_548] {strides = array<i32>} : memref<20000xi32, #tpu.memory_space<vmem>>, vector<16xi32>,
        %get3A_550 = vector.shape_cast %get3A_549 : vector<16xi32> to vector<16xi32>
        %swap3A_551 = arith.constant 32 : index
        %swap3A_552 = tpu.vector_load %arg6[%swap3A_551] {strides = array<i32>} : memref<128xi32, #tpu.memory_space<vmem>>, vector<16xi32>,
        %swap3A_553 = vector.shape_cast %swap3A_552 : vector<16xi32> to vector<16xi32>
        %swap3A_554 = vector.shape_cast %get3A_550 : vector<16xi32> to vector<16xi32>
        tpu.vector_store %arg6[%swap3A_551], %swap3A_554 {strides = array<i32>} : memref<128xi32, #tpu.memory_space<vmem>>, vector<16xi32>,
        %add3A_555 = arith.constant 48 : i32
        %add3A_556 = arith.addi %mul3A_527, %add3A_555 : i32
        %get3A_557 = arith.index_cast %add3A_556 : i32 to index
        %get3A_558 = tpu.vector_load %arg4[%get3A_557] {strides = array<i32>} : memref<20000xi32, #tpu.memory_space<vmem>>, vector<16xi32>,
        %get3A_559 = vector.shape_cast %get3A_558 : vector<16xi32> to vector<16xi32>
        %swap3A_560 = arith.constant 48 : index
        %swap3A_561 = tpu.vector_load %arg6[%swap3A_560] {strides = array<i32>} : memref<128xi32, #tpu.memory_space<vmem>>, vector<16xi32>,
        %swap3A_562 = vector.shape_cast %swap3A_561 : vector<16xi32> to vector<16xi32>
        %swap3A_563 = vector.shape_cast %get3A_559 : vector<16xi32> to vector<16xi32>
        tpu.vector_store %arg6[%swap3A_560], %swap3A_563 {strides = array<i32>} : memref<128xi32, #tpu.memory_space<vmem>>, vector<16xi32>,
        %add3A_564 = arith.constant 64 : i32
        %add3A_565 = arith.addi %mul3A_527, %add3A_564 : i32
        %get3A_566 = arith.index_cast %add3A_565 : i32 to index
        %get3A_567 = tpu.vector_load %arg4[%get3A_566] {strides = array<i32>} : memref<20000xi32, #tpu.memory_space<vmem>>, vector<16xi32>,
        %get3A_568 = vector.shape_cast %get3A_567 : vector<16xi32> to vector<16xi32>
        %swap3A_569 = arith.constant 64 : index
        %swap3A_570 = tpu.vector_load %arg6[%swap3A_569] {strides = array<i32>} : memref<128xi32, #tpu.memory_space<vmem>>, vector<16xi32>,
        %swap3A_571 = vector.shape_cast %swap3A_570 : vector<16xi32> to vector<16xi32>
        %swap3A_572 = vector.shape_cast %get3A_568 : vector<16xi32> to vector<16xi32>
        tpu.vector_store %arg6[%swap3A_569], %swap3A_572 {strides = array<i32>} : memref<128xi32, #tpu.memory_space<vmem>>, vector<16xi32>,
        %add3A_573 = arith.constant 80 : i32
        %add3A_574 = arith.addi %mul3A_527, %add3A_573 : i32
        %get3A_575 = arith.index_cast %add3A_574 : i32 to index
        %get3A_576 = tpu.vector_load %arg4[%get3A_575] {strides = array<i32>} : memref<20000xi32, #tpu.memory_space<vmem>>, vector<16xi32>,
        %get3A_577 = vector.shape_cast %get3A_576 : vector<16xi32> to vector<16xi32>
        %swap3A_578 = arith.constant 80 : index
        %swap3A_579 = tpu.vector_load %arg6[%swap3A_578] {strides = array<i32>} : memref<128xi32, #tpu.memory_space<vmem>>, vector<16xi32>,
        %swap3A_580 = vector.shape_cast %swap3A_579 : vector<16xi32> to vector<16xi32>
        %swap3A_581 = vector.shape_cast %get3A_577 : vector<16xi32> to vector<16xi32>
        tpu.vector_store %arg6[%swap3A_578], %swap3A_581 {strides = array<i32>} : memref<128xi32, #tpu.memory_space<vmem>>, vector<16xi32>,
        %add3A_582 = arith.constant 96 : i32
        %add3A_583 = arith.addi %mul3A_527, %add3A_582 : i32
        %get3A_584 = arith.index_cast %add3A_583 : i32 to index
        %get3A_585 = tpu.vector_load %arg4[%get3A_584] {strides = array<i32>} : memref<20000xi32, #tpu.memory_space<vmem>>, vector<16xi32>,
        %get3A_586 = vector.shape_cast %get3A_585 : vector<16xi32> to vector<16xi32>
        %swap3A_587 = arith.constant 96 : index
        %swap3A_588 = tpu.vector_load %arg6[%swap3A_587] {strides = array<i32>} : memref<128xi32, #tpu.memory_space<vmem>>, vector<16xi32>,
        %swap3A_589 = vector.shape_cast %swap3A_588 : vector<16xi32> to vector<16xi32>
        %swap3A_590 = vector.shape_cast %get3A_586 : vector<16xi32> to vector<16xi32>
        tpu.vector_store %arg6[%swap3A_587], %swap3A_590 {strides = array<i32>} : memref<128xi32, #tpu.memory_space<vmem>>, vector<16xi32>,
        %add3A_591 = arith.constant 112 : i32
        %add3A_592 = arith.addi %mul3A_527, %add3A_591 : i32
        %get3A_593 = arith.index_cast %add3A_592 : i32 to index
        %get3A_594 = tpu.vector_load %arg4[%get3A_593] {strides = array<i32>} : memref<20000xi32, #tpu.memory_space<vmem>>, vector<16xi32>,
        %get3A_595 = vector.shape_cast %get3A_594 : vector<16xi32> to vector<16xi32>
        %swap3A_596 = arith.constant 112 : index
        %swap3A_597 = tpu.vector_load %arg6[%swap3A_596] {strides = array<i32>} : memref<128xi32, #tpu.memory_space<vmem>>, vector<16xi32>,
        %swap3A_598 = vector.shape_cast %swap3A_597 : vector<16xi32> to vector<16xi32>
        %swap3A_599 = vector.shape_cast %get3A_595 : vector<16xi32> to vector<16xi32>
        tpu.vector_store %arg6[%swap3A_596], %swap3A_599 {strides = array<i32>} : memref<128xi32, #tpu.memory_space<vmem>>, vector<16xi32>,
        %dma_start3A_600 = arith.constant 0 : i32
        %dma_start3A_601 = tpu.memref_slice %arg11[%dma_start3A_600] : memref<10240xf32, #tpu.memory_space<vmem_shared>> -> memref<10240xf32, #tpu.memory_space<vmem_shared>>
        tpu.enqueue_indirect_dma source(%arg9 : memref<128xf32, #tpu.memory_space<vmem>>) target(%dma_start3A_601 : memref<10240xf32, #tpu.memory_space<vmem_shared>>) offsets(%arg6 : memref<128xi32, #tpu.memory_space<vmem>>) semaphore(%arg13 : memref<!tpu.dma_semaphore, #tpu.memory_space<semaphore_mem>>) {add = true}
      } else {
      }
      %mul3A_513 = arith.constant 3 : i32
      %mul3A_514 = arith.muli %scan3A_490, %mul3A_513 : i32
      %add3A_515 = arith.constant 2 : i32
      %add3A_516 = arith.addi %mul3A_514, %add3A_515 : i32
      %dma_wait3A_517 = arith.constant 0 : i32
      %dma_wait3A_518 = tpu.memref_slice %arg11[%dma_wait3A_517] : memref<10240xf32, #tpu.memory_space<vmem_shared>> -> memref<10240xf32, #tpu.memory_space<vmem_shared>>
      tpu.wait_indirect_dma semaphore(%arg14 : memref<!tpu.dma_semaphore, #tpu.memory_space<semaphore_mem>>) src(%arg9 : memref<128xf32, #tpu.memory_space<vmem>>) dst(%dma_wait3A_518 : memref<10240xf32, #tpu.memory_space<vmem_shared>>)
      %add3A_519 = arith.constant 3 : i32
      %add3A_520 = arith.addi %add3A_516, %add3A_519 : i32
      %lt3A_521 = arith.constant 156 : i32
      %lt3A_522 = arith.cmpi slt, %add3A_520, %lt3A_521 : i32
      %convert_element_type3A_523 = arith.extui %lt3A_522 : i1 to i32
      %cond3A_524 = arith.constant 0 : i32
      %cond3A_525 = arith.cmpi ne, %convert_element_type3A_523, %cond3A_524 : i32
      scf.if %cond3A_525 {
        %mul3A_526 = arith.constant 128 : i32
        %mul3A_527 = arith.muli %add3A_520, %mul3A_526 : i32
        %add3A_528 = arith.constant 0 : i32
        %add3A_529 = arith.addi %mul3A_527, %add3A_528 : i32
        %get3A_530 = arith.index_cast %add3A_529 : i32 to index
        %get3A_531 = tpu.vector_load %arg4[%get3A_530] {strides = array<i32>} : memref<20000xi32, #tpu.memory_space<vmem>>, vector<16xi32>,
        %get3A_532 = vector.shape_cast %get3A_531 : vector<16xi32> to vector<16xi32>
        %swap3A_533 = arith.constant 0 : index
        %swap3A_534 = tpu.vector_load %arg7[%swap3A_533] {strides = array<i32>} : memref<128xi32, #tpu.memory_space<vmem>>, vector<16xi32>,
        %swap3A_535 = vector.shape_cast %swap3A_534 : vector<16xi32> to vector<16xi32>
        %swap3A_536 = vector.shape_cast %get3A_532 : vector<16xi32> to vector<16xi32>
        tpu.vector_store %arg7[%swap3A_533], %swap3A_536 {strides = array<i32>} : memref<128xi32, #tpu.memory_space<vmem>>, vector<16xi32>,
        %add3A_537 = arith.constant 16 : i32
        %add3A_538 = arith.addi %mul3A_527, %add3A_537 : i32
        %get3A_539 = arith.index_cast %add3A_538 : i32 to index
        %get3A_540 = tpu.vector_load %arg4[%get3A_539] {strides = array<i32>} : memref<20000xi32, #tpu.memory_space<vmem>>, vector<16xi32>,
        %get3A_541 = vector.shape_cast %get3A_540 : vector<16xi32> to vector<16xi32>
        %swap3A_542 = arith.constant 16 : index
        %swap3A_543 = tpu.vector_load %arg7[%swap3A_542] {strides = array<i32>} : memref<128xi32, #tpu.memory_space<vmem>>, vector<16xi32>,
        %swap3A_544 = vector.shape_cast %swap3A_543 : vector<16xi32> to vector<16xi32>
        %swap3A_545 = vector.shape_cast %get3A_541 : vector<16xi32> to vector<16xi32>
        tpu.vector_store %arg7[%swap3A_542], %swap3A_545 {strides = array<i32>} : memref<128xi32, #tpu.memory_space<vmem>>, vector<16xi32>,
        %add3A_546 = arith.constant 32 : i32
        %add3A_547 = arith.addi %mul3A_527, %add3A_546 : i32
        %get3A_548 = arith.index_cast %add3A_547 : i32 to index
        %get3A_549 = tpu.vector_load %arg4[%get3A_548] {strides = array<i32>} : memref<20000xi32, #tpu.memory_space<vmem>>, vector<16xi32>,
        %get3A_550 = vector.shape_cast %get3A_549 : vector<16xi32> to vector<16xi32>
        %swap3A_551 = arith.constant 32 : index
        %swap3A_552 = tpu.vector_load %arg7[%swap3A_551] {strides = array<i32>} : memref<128xi32, #tpu.memory_space<vmem>>, vector<16xi32>,
        %swap3A_553 = vector.shape_cast %swap3A_552 : vector<16xi32> to vector<16xi32>
        %swap3A_554 = vector.shape_cast %get3A_550 : vector<16xi32> to vector<16xi32>
        tpu.vector_store %arg7[%swap3A_551], %swap3A_554 {strides = array<i32>} : memref<128xi32, #tpu.memory_space<vmem>>, vector<16xi32>,
        %add3A_555 = arith.constant 48 : i32
        %add3A_556 = arith.addi %mul3A_527, %add3A_555 : i32
        %get3A_557 = arith.index_cast %add3A_556 : i32 to index
        %get3A_558 = tpu.vector_load %arg4[%get3A_557] {strides = array<i32>} : memref<20000xi32, #tpu.memory_space<vmem>>, vector<16xi32>,
        %get3A_559 = vector.shape_cast %get3A_558 : vector<16xi32> to vector<16xi32>
        %swap3A_560 = arith.constant 48 : index
        %swap3A_561 = tpu.vector_load %arg7[%swap3A_560] {strides = array<i32>} : memref<128xi32, #tpu.memory_space<vmem>>, vector<16xi32>,
        %swap3A_562 = vector.shape_cast %swap3A_561 : vector<16xi32> to vector<16xi32>
        %swap3A_563 = vector.shape_cast %get3A_559 : vector<16xi32> to vector<16xi32>
        tpu.vector_store %arg7[%swap3A_560], %swap3A_563 {strides = array<i32>} : memref<128xi32, #tpu.memory_space<vmem>>, vector<16xi32>,
        %add3A_564 = arith.constant 64 : i32
        %add3A_565 = arith.addi %mul3A_527, %add3A_564 : i32
        %get3A_566 = arith.index_cast %add3A_565 : i32 to index
        %get3A_567 = tpu.vector_load %arg4[%get3A_566] {strides = array<i32>} : memref<20000xi32, #tpu.memory_space<vmem>>, vector<16xi32>,
        %get3A_568 = vector.shape_cast %get3A_567 : vector<16xi32> to vector<16xi32>
        %swap3A_569 = arith.constant 64 : index
        %swap3A_570 = tpu.vector_load %arg7[%swap3A_569] {strides = array<i32>} : memref<128xi32, #tpu.memory_space<vmem>>, vector<16xi32>,
        %swap3A_571 = vector.shape_cast %swap3A_570 : vector<16xi32> to vector<16xi32>
        %swap3A_572 = vector.shape_cast %get3A_568 : vector<16xi32> to vector<16xi32>
        tpu.vector_store %arg7[%swap3A_569], %swap3A_572 {strides = array<i32>} : memref<128xi32, #tpu.memory_space<vmem>>, vector<16xi32>,
        %add3A_573 = arith.constant 80 : i32
        %add3A_574 = arith.addi %mul3A_527, %add3A_573 : i32
        %get3A_575 = arith.index_cast %add3A_574 : i32 to index
        %get3A_576 = tpu.vector_load %arg4[%get3A_575] {strides = array<i32>} : memref<20000xi32, #tpu.memory_space<vmem>>, vector<16xi32>,
        %get3A_577 = vector.shape_cast %get3A_576 : vector<16xi32> to vector<16xi32>
        %swap3A_578 = arith.constant 80 : index
        %swap3A_579 = tpu.vector_load %arg7[%swap3A_578] {strides = array<i32>} : memref<128xi32, #tpu.memory_space<vmem>>, vector<16xi32>,
        %swap3A_580 = vector.shape_cast %swap3A_579 : vector<16xi32> to vector<16xi32>
        %swap3A_581 = vector.shape_cast %get3A_577 : vector<16xi32> to vector<16xi32>
        tpu.vector_store %arg7[%swap3A_578], %swap3A_581 {strides = array<i32>} : memref<128xi32, #tpu.memory_space<vmem>>, vector<16xi32>,
        %add3A_582 = arith.constant 96 : i32
        %add3A_583 = arith.addi %mul3A_527, %add3A_582 : i32
        %get3A_584 = arith.index_cast %add3A_583 : i32 to index
        %get3A_585 = tpu.vector_load %arg4[%get3A_584] {strides = array<i32>} : memref<20000xi32, #tpu.memory_space<vmem>>, vector<16xi32>,
        %get3A_586 = vector.shape_cast %get3A_585 : vector<16xi32> to vector<16xi32>
        %swap3A_587 = arith.constant 96 : index
        %swap3A_588 = tpu.vector_load %arg7[%swap3A_587] {strides = array<i32>} : memref<128xi32, #tpu.memory_space<vmem>>, vector<16xi32>,
        %swap3A_589 = vector.shape_cast %swap3A_588 : vector<16xi32> to vector<16xi32>
        %swap3A_590 = vector.shape_cast %get3A_586 : vector<16xi32> to vector<16xi32>
        tpu.vector_store %arg7[%swap3A_587], %swap3A_590 {strides = array<i32>} : memref<128xi32, #tpu.memory_space<vmem>>, vector<16xi32>,
        %add3A_591 = arith.constant 112 : i32
        %add3A_592 = arith.addi %mul3A_527, %add3A_591 : i32
        %get3A_593 = arith.index_cast %add3A_592 : i32 to index
        %get3A_594 = tpu.vector_load %arg4[%get3A_593] {strides = array<i32>} : memref<20000xi32, #tpu.memory_space<vmem>>, vector<16xi32>,
        %get3A_595 = vector.shape_cast %get3A_594 : vector<16xi32> to vector<16xi32>
        %swap3A_596 = arith.constant 112 : index
        %swap3A_597 = tpu.vector_load %arg7[%swap3A_596] {strides = array<i32>} : memref<128xi32, #tpu.memory_space<vmem>>, vector<16xi32>,
        %swap3A_598 = vector.shape_cast %swap3A_597 : vector<16xi32> to vector<16xi32>
        %swap3A_599 = vector.shape_cast %get3A_595 : vector<16xi32> to vector<16xi32>
        tpu.vector_store %arg7[%swap3A_596], %swap3A_599 {strides = array<i32>} : memref<128xi32, #tpu.memory_space<vmem>>, vector<16xi32>,
        %dma_start3A_600 = arith.constant 0 : i32
        %dma_start3A_601 = tpu.memref_slice %arg11[%dma_start3A_600] : memref<10240xf32, #tpu.memory_space<vmem_shared>> -> memref<10240xf32, #tpu.memory_space<vmem_shared>>
        tpu.enqueue_indirect_dma source(%arg9 : memref<128xf32, #tpu.memory_space<vmem>>) target(%dma_start3A_601 : memref<10240xf32, #tpu.memory_space<vmem_shared>>) offsets(%arg7 : memref<128xi32, #tpu.memory_space<vmem>>) semaphore(%arg14 : memref<!tpu.dma_semaphore, #tpu.memory_space<semaphore_mem>>) {add = true}
      } else {
      }
    }
    %scan3A_467 = arith.constant 52 : i32
    %get3A_468 = arith.constant 19968 : index
    %get3A_469 = tpu.vector_load %arg4[%get3A_468] {strides = array<i32>} : memref<20000xi32, #tpu.memory_space<vmem>>, vector<16xi32>,
    %get3A_470 = vector.shape_cast %get3A_469 : vector<16xi32> to vector<16xi32>
    %swap3A_471 = arith.constant 0 : index
    %swap3A_472 = tpu.vector_load %arg8[%swap3A_471] {strides = array<i32>} : memref<32xi32, #tpu.memory_space<vmem>>, vector<16xi32>,
    %swap3A_473 = vector.shape_cast %swap3A_472 : vector<16xi32> to vector<16xi32>
    %swap3A_474 = vector.shape_cast %get3A_470 : vector<16xi32> to vector<16xi32>
    tpu.vector_store %arg8[%swap3A_471], %swap3A_474 {strides = array<i32>} : memref<32xi32, #tpu.memory_space<vmem>>, vector<16xi32>,
    %get3A_475 = arith.constant 19984 : index
    %get3A_476 = tpu.vector_load %arg4[%get3A_475] {strides = array<i32>} : memref<20000xi32, #tpu.memory_space<vmem>>, vector<16xi32>,
    %get3A_477 = vector.shape_cast %get3A_476 : vector<16xi32> to vector<16xi32>
    %swap3A_478 = arith.constant 16 : index
    %swap3A_479 = tpu.vector_load %arg8[%swap3A_478] {strides = array<i32>} : memref<32xi32, #tpu.memory_space<vmem>>, vector<16xi32>,
    %swap3A_480 = vector.shape_cast %swap3A_479 : vector<16xi32> to vector<16xi32>
    %swap3A_481 = vector.shape_cast %get3A_477 : vector<16xi32> to vector<16xi32>
    tpu.vector_store %arg8[%swap3A_478], %swap3A_481 {strides = array<i32>} : memref<32xi32, #tpu.memory_space<vmem>>, vector<16xi32>,
    "tpu.region"() ({
      %run_scoped3A = tpu.sem_alloc : memref<!tpu.dma_semaphore, #tpu.memory_space<semaphore_mem>>
      %dma_start3A_490 = arith.constant 0 : i32
      %dma_start3A_491 = tpu.memref_slice %arg9[%dma_start3A_490] : memref<128xf32, #tpu.memory_space<vmem>> -> memref<32xf32, #tpu.memory_space<vmem>>
      %dma_start3A_492 = arith.constant 0 : i32
      %dma_start3A_493 = tpu.memref_slice %arg11[%dma_start3A_492] : memref<10240xf32, #tpu.memory_space<vmem_shared>> -> memref<10240xf32, #tpu.memory_space<vmem_shared>>
      tpu.enqueue_indirect_dma source(%dma_start3A_491 : memref<32xf32, #tpu.memory_space<vmem>>) target(%dma_start3A_493 : memref<10240xf32, #tpu.memory_space<vmem_shared>>) offsets(%arg8 : memref<32xi32, #tpu.memory_space<vmem>>) semaphore(%run_scoped3A : memref<!tpu.dma_semaphore, #tpu.memory_space<semaphore_mem>>) {add = true}
      %dma_wait3A = arith.constant 0 : i32
      %dma_wait3A_494 = tpu.memref_slice %arg9[%dma_wait3A] : memref<128xf32, #tpu.memory_space<vmem>> -> memref<32xf32, #tpu.memory_space<vmem>>
      %dma_wait3A_495 = arith.constant 0 : i32
      %dma_wait3A_496 = tpu.memref_slice %arg11[%dma_wait3A_495] : memref<10240xf32, #tpu.memory_space<vmem_shared>> -> memref<10240xf32, #tpu.memory_space<vmem_shared>>
      tpu.wait_indirect_dma semaphore(%run_scoped3A : memref<!tpu.dma_semaphore, #tpu.memory_space<semaphore_mem>>) src(%dma_wait3A_494 : memref<32xf32, #tpu.memory_space<vmem>>) dst(%dma_wait3A_496 : memref<10240xf32, #tpu.memory_space<vmem_shared>>)
      tpu.yield
    }) : () -> ()
    %barrier3A_482 = arith.constant 0 : index
    tpu.barrier barrier_id(%barrier3A_482)
    %mul3A_483 = arith.constant 640 : i32
    %mul3A_484 = arith.muli %arg1, %mul3A_483 : i32
    %mul3A_485 = arith.constant 10240 : i32
    %mul3A_486 = arith.muli %arg0, %mul3A_485 : i32
    %mul3A_487 = arith.constant 640 : i32
    %mul3A_488 = arith.muli %arg1, %mul3A_487 : i32
    %add3A_489 = arith.addi %mul3A_486, %mul3A_488 : i32
    "tpu.region"() ({
      %run_scoped3A = tpu.sem_alloc : memref<!tpu.dma_semaphore, #tpu.memory_space<semaphore_mem>>
      %dma_start3A_490 = tpu.memref_slice %arg3[%add3A_489] : memref<20480xf32, #tpu.memory_space<hbm>> -> memref<640xf32, #tpu.memory_space<hbm>>
      %dma_start3A_491 = tpu.memref_slice %arg11[%mul3A_484] : memref<10240xf32, #tpu.memory_space<vmem_shared>> -> memref<640xf32, #tpu.memory_space<vmem_shared>>
      tpu.enqueue_dma source(%dma_start3A_491 : memref<640xf32, #tpu.memory_space<vmem_shared>>) target(%dma_start3A_490 : memref<640xf32, #tpu.memory_space<hbm>>) target_semaphore(%run_scoped3A : memref<!tpu.dma_semaphore, #tpu.memory_space<semaphore_mem>>)
      %dma_wait3A = tpu.memref_slice %arg3[%add3A_489] : memref<20480xf32, #tpu.memory_space<hbm>> -> memref<640xf32, #tpu.memory_space<hbm>>
      %dma_wait3A_492 = tpu.memref_slice %arg11[%mul3A_484] : memref<10240xf32, #tpu.memory_space<vmem_shared>> -> memref<640xf32, #tpu.memory_space<vmem_shared>>
      tpu.wait_dma2 semaphore(%run_scoped3A : memref<!tpu.dma_semaphore, #tpu.memory_space<semaphore_mem>>) src(%dma_wait3A_492 : memref<640xf32, #tpu.memory_space<vmem_shared>>) dst(%dma_wait3A : memref<640xf32, #tpu.memory_space<hbm>>)
      tpu.yield
    }) : () -> ()
    return
  }
}

#map = affine_map<(d0, d1) -> (0)>
#map1 = affine_map<(d0, d1) -> (0, 0)>
#map2 = affine_map<(d0, d1) -> (0, 0, 0)>
module attributes {stable_mosaic.version = 14 : i64} {
  func.func @_agg_kernel(%arg0: i32, %arg1: i32, %arg2: memref<320000xi32, #tpu.memory_space<hbm>>, %arg3: memref<320000xi32, #tpu.memory_space<hbm>>, %arg4: memref<10000x128xf32, #tpu.memory_space<hbm>>, %arg5: memref<10000x128xf32, #tpu.memory_space<hbm>>, %arg6: memref<2x10240x128xf32, #tpu.memory_space<hbm>>, %arg7: memref<4000xi32, #tpu.memory_space<vmem>>, %arg8: memref<4000xi32, #tpu.memory_space<vmem>>, %arg9: memref<80xi32, #tpu.memory_space<vmem>>, %arg10: memref<80xi32, #tpu.memory_space<vmem>>, %arg11: memref<80xi32, #tpu.memory_space<vmem>>, %arg12: memref<80xi32, #tpu.memory_space<vmem>>, %arg13: memref<80xi32, #tpu.memory_space<vmem>>, %arg14: memref<80xi32, #tpu.memory_space<vmem>>, %arg15: memref<80x128xf32, #tpu.memory_space<vmem>>, %arg16: memref<80x128xf32, #tpu.memory_space<vmem>>, %arg17: memref<80x128xf32, #tpu.memory_space<vmem>>, %arg18: memref<10000x128xf32, #tpu.memory_space<vmem_shared>>, %arg19: memref<!tpu.dma_semaphore, #tpu.memory_space<semaphore_mem>>, %arg20: memref<!tpu.dma_semaphore, #tpu.memory_space<semaphore_mem>>, %arg21: memref<!tpu.dma_semaphore, #tpu.memory_space<semaphore_mem>>, %arg22: memref<!tpu.dma_semaphore, #tpu.memory_space<semaphore_mem>>, %arg23: memref<!tpu.dma_semaphore, #tpu.memory_space<semaphore_mem>>, %arg24: memref<!tpu.dma_semaphore, #tpu.memory_space<semaphore_mem>>) attributes {dimension_semantics = [#tpu.dimension_semantics<core_parallel>, #tpu.dimension_semantics<subcore_parallel>], iteration_bounds = array<i64: 2, 16>, scalar_prefetch = 0 : i64, scratch_operands = 18 : i64, tpu.core_type = #tpu.core_type<sc_vector_subcore>, window_params = [{transform_indices = #map}, {transform_indices = #map}, {transform_indices = #map1}, {transform_indices = #map1}, {transform_indices = #map2}]} {
    %mul3A = arith.constant 640 : i32
    %mul3A_0 = arith.muli %arg1, %mul3A : i32
    %mul3A_1 = arith.constant 20000 : i32
    %mul3A_2 = arith.muli %arg1, %mul3A_1 : i32
    %add3A = arith.constant 0 : i32
    %add3A_3 = arith.addi %mul3A_2, %add3A : i32
    "tpu.region"() ({
      %run_scoped3A = tpu.sem_alloc : memref<!tpu.dma_semaphore, #tpu.memory_space<semaphore_mem>>
      %dma_start3A_215 = tpu.memref_slice %arg2[%add3A_3] : memref<320000xi32, #tpu.memory_space<hbm>> -> memref<4000xi32, #tpu.memory_space<hbm>>
      %dma_start3A_216 = tpu.memref_slice %arg2[%add3A_3] : memref<320000xi32, #tpu.memory_space<hbm>> -> memref<4000xi32, #tpu.memory_space<hbm>>
      tpu.enqueue_dma source(%dma_start3A_216 : memref<4000xi32, #tpu.memory_space<hbm>>) target(%arg7 : memref<4000xi32, #tpu.memory_space<vmem>>) target_semaphore(%run_scoped3A : memref<!tpu.dma_semaphore, #tpu.memory_space<semaphore_mem>>)
      %dma_wait3A_217 = tpu.memref_slice %arg2[%add3A_3] : memref<320000xi32, #tpu.memory_space<hbm>> -> memref<4000xi32, #tpu.memory_space<hbm>>
      %dma_wait3A_218 = tpu.memref_slice %arg2[%add3A_3] : memref<320000xi32, #tpu.memory_space<hbm>> -> memref<4000xi32, #tpu.memory_space<hbm>>
      tpu.wait_dma2 semaphore(%run_scoped3A : memref<!tpu.dma_semaphore, #tpu.memory_space<semaphore_mem>>) src(%dma_wait3A_218 : memref<4000xi32, #tpu.memory_space<hbm>>) dst(%arg7 : memref<4000xi32, #tpu.memory_space<vmem>>)
      tpu.yield
    }) : () -> ()
    "tpu.region"() ({
      %run_scoped3A = tpu.sem_alloc : memref<!tpu.dma_semaphore, #tpu.memory_space<semaphore_mem>>
      %dma_start3A_215 = tpu.memref_slice %arg3[%add3A_3] : memref<320000xi32, #tpu.memory_space<hbm>> -> memref<4000xi32, #tpu.memory_space<hbm>>
      %dma_start3A_216 = tpu.memref_slice %arg3[%add3A_3] : memref<320000xi32, #tpu.memory_space<hbm>> -> memref<4000xi32, #tpu.memory_space<hbm>>
      tpu.enqueue_dma source(%dma_start3A_216 : memref<4000xi32, #tpu.memory_space<hbm>>) target(%arg8 : memref<4000xi32, #tpu.memory_space<vmem>>) target_semaphore(%run_scoped3A : memref<!tpu.dma_semaphore, #tpu.memory_space<semaphore_mem>>)
      %dma_wait3A_217 = tpu.memref_slice %arg3[%add3A_3] : memref<320000xi32, #tpu.memory_space<hbm>> -> memref<4000xi32, #tpu.memory_space<hbm>>
      %dma_wait3A_218 = tpu.memref_slice %arg3[%add3A_3] : memref<320000xi32, #tpu.memory_space<hbm>> -> memref<4000xi32, #tpu.memory_space<hbm>>
      tpu.wait_dma2 semaphore(%run_scoped3A : memref<!tpu.dma_semaphore, #tpu.memory_space<semaphore_mem>>) src(%dma_wait3A_218 : memref<4000xi32, #tpu.memory_space<hbm>>) dst(%arg8 : memref<4000xi32, #tpu.memory_space<vmem>>)
      tpu.yield
    }) : () -> ()
    %get3A = arith.constant 0 : index
    %get3A_4 = tpu.vector_load %arg7[%get3A] {strides = array<i32>} : memref<4000xi32, #tpu.memory_space<vmem>>, vector<16xi32>,
    %get3A_5 = vector.shape_cast %get3A_4 : vector<16xi32> to vector<16xi32>
    %swap3A = arith.constant 0 : index
    %swap3A_6 = tpu.vector_load %arg9[%swap3A] {strides = array<i32>} : memref<80xi32, #tpu.memory_space<vmem>>, vector<16xi32>,
    %swap3A_7 = vector.shape_cast %swap3A_6 : vector<16xi32> to vector<16xi32>
    %swap3A_8 = vector.shape_cast %get3A_5 : vector<16xi32> to vector<16xi32>
    tpu.vector_store %arg9[%swap3A], %swap3A_8 {strides = array<i32>} : memref<80xi32, #tpu.memory_space<vmem>>, vector<16xi32>,
    %get3A_9 = arith.constant 16 : index
    %get3A_10 = tpu.vector_load %arg7[%get3A_9] {strides = array<i32>} : memref<4000xi32, #tpu.memory_space<vmem>>, vector<16xi32>,
    %get3A_11 = vector.shape_cast %get3A_10 : vector<16xi32> to vector<16xi32>
    %swap3A_12 = arith.constant 16 : index
    %swap3A_13 = tpu.vector_load %arg9[%swap3A_12] {strides = array<i32>} : memref<80xi32, #tpu.memory_space<vmem>>, vector<16xi32>,
    %swap3A_14 = vector.shape_cast %swap3A_13 : vector<16xi32> to vector<16xi32>
    %swap3A_15 = vector.shape_cast %get3A_11 : vector<16xi32> to vector<16xi32>
    tpu.vector_store %arg9[%swap3A_12], %swap3A_15 {strides = array<i32>} : memref<80xi32, #tpu.memory_space<vmem>>, vector<16xi32>,
    %get3A_16 = arith.constant 32 : index
    %get3A_17 = tpu.vector_load %arg7[%get3A_16] {strides = array<i32>} : memref<4000xi32, #tpu.memory_space<vmem>>, vector<16xi32>,
    %get3A_18 = vector.shape_cast %get3A_17 : vector<16xi32> to vector<16xi32>
    %swap3A_19 = arith.constant 32 : index
    %swap3A_20 = tpu.vector_load %arg9[%swap3A_19] {strides = array<i32>} : memref<80xi32, #tpu.memory_space<vmem>>, vector<16xi32>,
    %swap3A_21 = vector.shape_cast %swap3A_20 : vector<16xi32> to vector<16xi32>
    %swap3A_22 = vector.shape_cast %get3A_18 : vector<16xi32> to vector<16xi32>
    tpu.vector_store %arg9[%swap3A_19], %swap3A_22 {strides = array<i32>} : memref<80xi32, #tpu.memory_space<vmem>>, vector<16xi32>,
    %get3A_23 = arith.constant 48 : index
    %get3A_24 = tpu.vector_load %arg7[%get3A_23] {strides = array<i32>} : memref<4000xi32, #tpu.memory_space<vmem>>, vector<16xi32>,
    %get3A_25 = vector.shape_cast %get3A_24 : vector<16xi32> to vector<16xi32>
    %swap3A_26 = arith.constant 48 : index
    %swap3A_27 = tpu.vector_load %arg9[%swap3A_26] {strides = array<i32>} : memref<80xi32, #tpu.memory_space<vmem>>, vector<16xi32>,
    %swap3A_28 = vector.shape_cast %swap3A_27 : vector<16xi32> to vector<16xi32>
    %swap3A_29 = vector.shape_cast %get3A_25 : vector<16xi32> to vector<16xi32>
    tpu.vector_store %arg9[%swap3A_26], %swap3A_29 {strides = array<i32>} : memref<80xi32, #tpu.memory_space<vmem>>, vector<16xi32>,
    %get3A_30 = arith.constant 64 : index
    %get3A_31 = tpu.vector_load %arg7[%get3A_30] {strides = array<i32>} : memref<4000xi32, #tpu.memory_space<vmem>>, vector<16xi32>,
    %get3A_32 = vector.shape_cast %get3A_31 : vector<16xi32> to vector<16xi32>
    %swap3A_33 = arith.constant 64 : index
    %swap3A_34 = tpu.vector_load %arg9[%swap3A_33] {strides = array<i32>} : memref<80xi32, #tpu.memory_space<vmem>>, vector<16xi32>,
    %swap3A_35 = vector.shape_cast %swap3A_34 : vector<16xi32> to vector<16xi32>
    %swap3A_36 = vector.shape_cast %get3A_32 : vector<16xi32> to vector<16xi32>
    tpu.vector_store %arg9[%swap3A_33], %swap3A_36 {strides = array<i32>} : memref<80xi32, #tpu.memory_space<vmem>>, vector<16xi32>,
    %get3A_37 = arith.constant 0 : index
    %get3A_38 = tpu.vector_load %arg8[%get3A_37] {strides = array<i32>} : memref<4000xi32, #tpu.memory_space<vmem>>, vector<16xi32>,
    %get3A_39 = vector.shape_cast %get3A_38 : vector<16xi32> to vector<16xi32>
    %swap3A_40 = arith.constant 0 : index
    %swap3A_41 = tpu.vector_load %arg12[%swap3A_40] {strides = array<i32>} : memref<80xi32, #tpu.memory_space<vmem>>, vector<16xi32>,
    %swap3A_42 = vector.shape_cast %swap3A_41 : vector<16xi32> to vector<16xi32>
    %swap3A_43 = vector.shape_cast %get3A_39 : vector<16xi32> to vector<16xi32>
    tpu.vector_store %arg12[%swap3A_40], %swap3A_43 {strides = array<i32>} : memref<80xi32, #tpu.memory_space<vmem>>, vector<16xi32>,
    %get3A_44 = arith.constant 16 : index
    %get3A_45 = tpu.vector_load %arg8[%get3A_44] {strides = array<i32>} : memref<4000xi32, #tpu.memory_space<vmem>>, vector<16xi32>,
    %get3A_46 = vector.shape_cast %get3A_45 : vector<16xi32> to vector<16xi32>
    %swap3A_47 = arith.constant 16 : index
    %swap3A_48 = tpu.vector_load %arg12[%swap3A_47] {strides = array<i32>} : memref<80xi32, #tpu.memory_space<vmem>>, vector<16xi32>,
    %swap3A_49 = vector.shape_cast %swap3A_48 : vector<16xi32> to vector<16xi32>
    %swap3A_50 = vector.shape_cast %get3A_46 : vector<16xi32> to vector<16xi32>
    tpu.vector_store %arg12[%swap3A_47], %swap3A_50 {strides = array<i32>} : memref<80xi32, #tpu.memory_space<vmem>>, vector<16xi32>,
    %get3A_51 = arith.constant 32 : index
    %get3A_52 = tpu.vector_load %arg8[%get3A_51] {strides = array<i32>} : memref<4000xi32, #tpu.memory_space<vmem>>, vector<16xi32>,
    %get3A_53 = vector.shape_cast %get3A_52 : vector<16xi32> to vector<16xi32>
    %swap3A_54 = arith.constant 32 : index
    %swap3A_55 = tpu.vector_load %arg12[%swap3A_54] {strides = array<i32>} : memref<80xi32, #tpu.memory_space<vmem>>, vector<16xi32>,
    %swap3A_56 = vector.shape_cast %swap3A_55 : vector<16xi32> to vector<16xi32>
    %swap3A_57 = vector.shape_cast %get3A_53 : vector<16xi32> to vector<16xi32>
    tpu.vector_store %arg12[%swap3A_54], %swap3A_57 {strides = array<i32>} : memref<80xi32, #tpu.memory_space<vmem>>, vector<16xi32>,
    %get3A_58 = arith.constant 48 : index
    %get3A_59 = tpu.vector_load %arg8[%get3A_58] {strides = array<i32>} : memref<4000xi32, #tpu.memory_space<vmem>>, vector<16xi32>,
    %get3A_60 = vector.shape_cast %get3A_59 : vector<16xi32> to vector<16xi32>
    %swap3A_61 = arith.constant 48 : index
    %swap3A_62 = tpu.vector_load %arg12[%swap3A_61] {strides = array<i32>} : memref<80xi32, #tpu.memory_space<vmem>>, vector<16xi32>,
    %swap3A_63 = vector.shape_cast %swap3A_62 : vector<16xi32> to vector<16xi32>
    %swap3A_64 = vector.shape_cast %get3A_60 : vector<16xi32> to vector<16xi32>
    tpu.vector_store %arg12[%swap3A_61], %swap3A_64 {strides = array<i32>} : memref<80xi32, #tpu.memory_space<vmem>>, vector<16xi32>,
    %get3A_65 = arith.constant 64 : index
    %get3A_66 = tpu.vector_load %arg8[%get3A_65] {strides = array<i32>} : memref<4000xi32, #tpu.memory_space<vmem>>, vector<16xi32>,
    %get3A_67 = vector.shape_cast %get3A_66 : vector<16xi32> to vector<16xi32>
    %swap3A_68 = arith.constant 64 : index
    %swap3A_69 = tpu.vector_load %arg12[%swap3A_68] {strides = array<i32>} : memref<80xi32, #tpu.memory_space<vmem>>, vector<16xi32>,
    %swap3A_70 = vector.shape_cast %swap3A_69 : vector<16xi32> to vector<16xi32>
    %swap3A_71 = vector.shape_cast %get3A_67 : vector<16xi32> to vector<16xi32>
    tpu.vector_store %arg12[%swap3A_68], %swap3A_71 {strides = array<i32>} : memref<80xi32, #tpu.memory_space<vmem>>, vector<16xi32>,
    %eq3A = arith.constant 0 : i32
    %eq3A_72 = arith.cmpi eq, %arg0, %eq3A : i32
    %convert_element_type3A = arith.extui %eq3A_72 : i1 to i32
    %cond3A = arith.constant 0 : i32
    %cond3A_73 = arith.cmpi ne, %convert_element_type3A, %cond3A : i32
    scf.if %cond3A_73 {
      %dma_start3A_215 = arith.constant 0 : i32
      %dma_start3A_216 = arith.constant 0 : i32
      %dma_start3A_217 = tpu.memref_slice %arg4[%dma_start3A_215, %dma_start3A_216] : memref<10000x128xf32, #tpu.memory_space<hbm>> -> memref<10000x128xf32, #tpu.memory_space<hbm>>
      tpu.enqueue_indirect_dma source(%dma_start3A_217 : memref<10000x128xf32, #tpu.memory_space<hbm>>) target(%arg15 : memref<80x128xf32, #tpu.memory_space<vmem>>) offsets(%arg9 : memref<80xi32, #tpu.memory_space<vmem>>) semaphore(%arg19 : memref<!tpu.dma_semaphore, #tpu.memory_space<semaphore_mem>>)
    } else {
    }
    %eq3A_74 = arith.constant 1 : i32
    %eq3A_75 = arith.cmpi eq, %arg0, %eq3A_74 : i32
    %convert_element_type3A_76 = arith.extui %eq3A_75 : i1 to i32
    %cond3A_77 = arith.constant 0 : i32
    %cond3A_78 = arith.cmpi ne, %convert_element_type3A_76, %cond3A_77 : i32
    scf.if %cond3A_78 {
      %dma_start3A_215 = arith.constant 0 : i32
      %dma_start3A_216 = arith.constant 0 : i32
      %dma_start3A_217 = tpu.memref_slice %arg5[%dma_start3A_215, %dma_start3A_216] : memref<10000x128xf32, #tpu.memory_space<hbm>> -> memref<10000x128xf32, #tpu.memory_space<hbm>>
      tpu.enqueue_indirect_dma source(%dma_start3A_217 : memref<10000x128xf32, #tpu.memory_space<hbm>>) target(%arg15 : memref<80x128xf32, #tpu.memory_space<vmem>>) offsets(%arg9 : memref<80xi32, #tpu.memory_space<vmem>>) semaphore(%arg19 : memref<!tpu.dma_semaphore, #tpu.memory_space<semaphore_mem>>)
    } else {
    }
    %get3A_79 = arith.constant 80 : index
    %get3A_80 = tpu.vector_load %arg7[%get3A_79] {strides = array<i32>} : memref<4000xi32, #tpu.memory_space<vmem>>, vector<16xi32>,
    %get3A_81 = vector.shape_cast %get3A_80 : vector<16xi32> to vector<16xi32>
    %swap3A_82 = arith.constant 0 : index
    %swap3A_83 = tpu.vector_load %arg10[%swap3A_82] {strides = array<i32>} : memref<80xi32, #tpu.memory_space<vmem>>, vector<16xi32>,
    %swap3A_84 = vector.shape_cast %swap3A_83 : vector<16xi32> to vector<16xi32>
    %swap3A_85 = vector.shape_cast %get3A_81 : vector<16xi32> to vector<16xi32>
    tpu.vector_store %arg10[%swap3A_82], %swap3A_85 {strides = array<i32>} : memref<80xi32, #tpu.memory_space<vmem>>, vector<16xi32>,
    %get3A_86 = arith.constant 96 : index
    %get3A_87 = tpu.vector_load %arg7[%get3A_86] {strides = array<i32>} : memref<4000xi32, #tpu.memory_space<vmem>>, vector<16xi32>,
    %get3A_88 = vector.shape_cast %get3A_87 : vector<16xi32> to vector<16xi32>
    %swap3A_89 = arith.constant 16 : index
    %swap3A_90 = tpu.vector_load %arg10[%swap3A_89] {strides = array<i32>} : memref<80xi32, #tpu.memory_space<vmem>>, vector<16xi32>,
    %swap3A_91 = vector.shape_cast %swap3A_90 : vector<16xi32> to vector<16xi32>
    %swap3A_92 = vector.shape_cast %get3A_88 : vector<16xi32> to vector<16xi32>
    tpu.vector_store %arg10[%swap3A_89], %swap3A_92 {strides = array<i32>} : memref<80xi32, #tpu.memory_space<vmem>>, vector<16xi32>,
    %get3A_93 = arith.constant 112 : index
    %get3A_94 = tpu.vector_load %arg7[%get3A_93] {strides = array<i32>} : memref<4000xi32, #tpu.memory_space<vmem>>, vector<16xi32>,
    %get3A_95 = vector.shape_cast %get3A_94 : vector<16xi32> to vector<16xi32>
    %swap3A_96 = arith.constant 32 : index
    %swap3A_97 = tpu.vector_load %arg10[%swap3A_96] {strides = array<i32>} : memref<80xi32, #tpu.memory_space<vmem>>, vector<16xi32>,
    %swap3A_98 = vector.shape_cast %swap3A_97 : vector<16xi32> to vector<16xi32>
    %swap3A_99 = vector.shape_cast %get3A_95 : vector<16xi32> to vector<16xi32>
    tpu.vector_store %arg10[%swap3A_96], %swap3A_99 {strides = array<i32>} : memref<80xi32, #tpu.memory_space<vmem>>, vector<16xi32>,
    %get3A_100 = arith.constant 128 : index
    %get3A_101 = tpu.vector_load %arg7[%get3A_100] {strides = array<i32>} : memref<4000xi32, #tpu.memory_space<vmem>>, vector<16xi32>,
    %get3A_102 = vector.shape_cast %get3A_101 : vector<16xi32> to vector<16xi32>
    %swap3A_103 = arith.constant 48 : index
    %swap3A_104 = tpu.vector_load %arg10[%swap3A_103] {strides = array<i32>} : memref<80xi32, #tpu.memory_space<vmem>>, vector<16xi32>,
    %swap3A_105 = vector.shape_cast %swap3A_104 : vector<16xi32> to vector<16xi32>
    %swap3A_106 = vector.shape_cast %get3A_102 : vector<16xi32> to vector<16xi32>
    tpu.vector_store %arg10[%swap3A_103], %swap3A_106 {strides = array<i32>} : memref<80xi32, #tpu.memory_space<vmem>>, vector<16xi32>,
    %get3A_107 = arith.constant 144 : index
    %get3A_108 = tpu.vector_load %arg7[%get3A_107] {strides = array<i32>} : memref<4000xi32, #tpu.memory_space<vmem>>, vector<16xi32>,
    %get3A_109 = vector.shape_cast %get3A_108 : vector<16xi32> to vector<16xi32>
    %swap3A_110 = arith.constant 64 : index
    %swap3A_111 = tpu.vector_load %arg10[%swap3A_110] {strides = array<i32>} : memref<80xi32, #tpu.memory_space<vmem>>, vector<16xi32>,
    %swap3A_112 = vector.shape_cast %swap3A_111 : vector<16xi32> to vector<16xi32>
    %swap3A_113 = vector.shape_cast %get3A_109 : vector<16xi32> to vector<16xi32>
    tpu.vector_store %arg10[%swap3A_110], %swap3A_113 {strides = array<i32>} : memref<80xi32, #tpu.memory_space<vmem>>, vector<16xi32>,
    %get3A_114 = arith.constant 80 : index
    %get3A_115 = tpu.vector_load %arg8[%get3A_114] {strides = array<i32>} : memref<4000xi32, #tpu.memory_space<vmem>>, vector<16xi32>,
    %get3A_116 = vector.shape_cast %get3A_115 : vector<16xi32> to vector<16xi32>
    %swap3A_117 = arith.constant 0 : index
    %swap3A_118 = tpu.vector_load %arg13[%swap3A_117] {strides = array<i32>} : memref<80xi32, #tpu.memory_space<vmem>>, vector<16xi32>,
    %swap3A_119 = vector.shape_cast %swap3A_118 : vector<16xi32> to vector<16xi32>
    %swap3A_120 = vector.shape_cast %get3A_116 : vector<16xi32> to vector<16xi32>
    tpu.vector_store %arg13[%swap3A_117], %swap3A_120 {strides = array<i32>} : memref<80xi32, #tpu.memory_space<vmem>>, vector<16xi32>,
    %get3A_121 = arith.constant 96 : index
    %get3A_122 = tpu.vector_load %arg8[%get3A_121] {strides = array<i32>} : memref<4000xi32, #tpu.memory_space<vmem>>, vector<16xi32>,
    %get3A_123 = vector.shape_cast %get3A_122 : vector<16xi32> to vector<16xi32>
    %swap3A_124 = arith.constant 16 : index
    %swap3A_125 = tpu.vector_load %arg13[%swap3A_124] {strides = array<i32>} : memref<80xi32, #tpu.memory_space<vmem>>, vector<16xi32>,
    %swap3A_126 = vector.shape_cast %swap3A_125 : vector<16xi32> to vector<16xi32>
    %swap3A_127 = vector.shape_cast %get3A_123 : vector<16xi32> to vector<16xi32>
    tpu.vector_store %arg13[%swap3A_124], %swap3A_127 {strides = array<i32>} : memref<80xi32, #tpu.memory_space<vmem>>, vector<16xi32>,
    %get3A_128 = arith.constant 112 : index
    %get3A_129 = tpu.vector_load %arg8[%get3A_128] {strides = array<i32>} : memref<4000xi32, #tpu.memory_space<vmem>>, vector<16xi32>,
    %get3A_130 = vector.shape_cast %get3A_129 : vector<16xi32> to vector<16xi32>
    %swap3A_131 = arith.constant 32 : index
    %swap3A_132 = tpu.vector_load %arg13[%swap3A_131] {strides = array<i32>} : memref<80xi32, #tpu.memory_space<vmem>>, vector<16xi32>,
    %swap3A_133 = vector.shape_cast %swap3A_132 : vector<16xi32> to vector<16xi32>
    %swap3A_134 = vector.shape_cast %get3A_130 : vector<16xi32> to vector<16xi32>
    tpu.vector_store %arg13[%swap3A_131], %swap3A_134 {strides = array<i32>} : memref<80xi32, #tpu.memory_space<vmem>>, vector<16xi32>,
    %get3A_135 = arith.constant 128 : index
    %get3A_136 = tpu.vector_load %arg8[%get3A_135] {strides = array<i32>} : memref<4000xi32, #tpu.memory_space<vmem>>, vector<16xi32>,
    %get3A_137 = vector.shape_cast %get3A_136 : vector<16xi32> to vector<16xi32>
    %swap3A_138 = arith.constant 48 : index
    %swap3A_139 = tpu.vector_load %arg13[%swap3A_138] {strides = array<i32>} : memref<80xi32, #tpu.memory_space<vmem>>, vector<16xi32>,
    %swap3A_140 = vector.shape_cast %swap3A_139 : vector<16xi32> to vector<16xi32>
    %swap3A_141 = vector.shape_cast %get3A_137 : vector<16xi32> to vector<16xi32>
    tpu.vector_store %arg13[%swap3A_138], %swap3A_141 {strides = array<i32>} : memref<80xi32, #tpu.memory_space<vmem>>, vector<16xi32>,
    %get3A_142 = arith.constant 144 : index
    %get3A_143 = tpu.vector_load %arg8[%get3A_142] {strides = array<i32>} : memref<4000xi32, #tpu.memory_space<vmem>>, vector<16xi32>,
    %get3A_144 = vector.shape_cast %get3A_143 : vector<16xi32> to vector<16xi32>
    %swap3A_145 = arith.constant 64 : index
    %swap3A_146 = tpu.vector_load %arg13[%swap3A_145] {strides = array<i32>} : memref<80xi32, #tpu.memory_space<vmem>>, vector<16xi32>,
    %swap3A_147 = vector.shape_cast %swap3A_146 : vector<16xi32> to vector<16xi32>
    %swap3A_148 = vector.shape_cast %get3A_144 : vector<16xi32> to vector<16xi32>
    tpu.vector_store %arg13[%swap3A_145], %swap3A_148 {strides = array<i32>} : memref<80xi32, #tpu.memory_space<vmem>>, vector<16xi32>,
    %eq3A_149 = arith.constant 0 : i32
    %eq3A_150 = arith.cmpi eq, %arg0, %eq3A_149 : i32
    %convert_element_type3A_151 = arith.extui %eq3A_150 : i1 to i32
    %cond3A_152 = arith.constant 0 : i32
    %cond3A_153 = arith.cmpi ne, %convert_element_type3A_151, %cond3A_152 : i32
    scf.if %cond3A_153 {
      %dma_start3A_215 = arith.constant 0 : i32
      %dma_start3A_216 = arith.constant 0 : i32
      %dma_start3A_217 = tpu.memref_slice %arg4[%dma_start3A_215, %dma_start3A_216] : memref<10000x128xf32, #tpu.memory_space<hbm>> -> memref<10000x128xf32, #tpu.memory_space<hbm>>
      tpu.enqueue_indirect_dma source(%dma_start3A_217 : memref<10000x128xf32, #tpu.memory_space<hbm>>) target(%arg16 : memref<80x128xf32, #tpu.memory_space<vmem>>) offsets(%arg10 : memref<80xi32, #tpu.memory_space<vmem>>) semaphore(%arg20 : memref<!tpu.dma_semaphore, #tpu.memory_space<semaphore_mem>>)
    } else {
    }
    %eq3A_154 = arith.constant 1 : i32
    %eq3A_155 = arith.cmpi eq, %arg0, %eq3A_154 : i32
    %convert_element_type3A_156 = arith.extui %eq3A_155 : i1 to i32
    %cond3A_157 = arith.constant 0 : i32
    %cond3A_158 = arith.cmpi ne, %convert_element_type3A_156, %cond3A_157 : i32
    scf.if %cond3A_158 {
      %dma_start3A_215 = arith.constant 0 : i32
      %dma_start3A_216 = arith.constant 0 : i32
      %dma_start3A_217 = tpu.memref_slice %arg5[%dma_start3A_215, %dma_start3A_216] : memref<10000x128xf32, #tpu.memory_space<hbm>> -> memref<10000x128xf32, #tpu.memory_space<hbm>>
      tpu.enqueue_indirect_dma source(%dma_start3A_217 : memref<10000x128xf32, #tpu.memory_space<hbm>>) target(%arg16 : memref<80x128xf32, #tpu.memory_space<vmem>>) offsets(%arg10 : memref<80xi32, #tpu.memory_space<vmem>>) semaphore(%arg20 : memref<!tpu.dma_semaphore, #tpu.memory_space<semaphore_mem>>)
    } else {
    }
    %eq3A_159 = arith.constant 0 : i32
    %eq3A_160 = arith.cmpi eq, %arg0, %eq3A_159 : i32
    %lt3A = arith.constant 15 : i32
    %lt3A_161 = arith.cmpi slt, %arg1, %lt3A : i32
    %and3A = arith.andi %eq3A_160, %lt3A_161 : i1
    %convert_element_type3A_162 = arith.extui %and3A : i1 to i32
    %cond3A_163 = arith.constant 0 : i32
    %cond3A_164 = arith.cmpi ne, %convert_element_type3A_162, %cond3A_163 : i32
    scf.if %cond3A_164 {
      "tpu.region"() ({
        %run_scoped3A = tpu.sem_alloc : memref<!tpu.dma_semaphore, #tpu.memory_space<semaphore_mem>>
        %dma_start3A_215 = arith.constant 0 : i32
        %dma_start3A_216 = tpu.memref_slice %arg18[%mul3A_0, %dma_start3A_215] : memref<10000x128xf32, #tpu.memory_space<vmem_shared>> -> memref<640x128xf32, #tpu.memory_space<vmem_shared>>
        %dma_start3A_217 = arith.constant 0 : i32
        %dma_start3A_218 = tpu.memref_slice %arg4[%mul3A_0, %dma_start3A_217] : memref<10000x128xf32, #tpu.memory_space<hbm>> -> memref<640x128xf32, #tpu.memory_space<hbm>>
        tpu.enqueue_dma source(%dma_start3A_218 : memref<640x128xf32, #tpu.memory_space<hbm>>) target(%dma_start3A_216 : memref<640x128xf32, #tpu.memory_space<vmem_shared>>) target_semaphore(%run_scoped3A : memref<!tpu.dma_semaphore, #tpu.memory_space<semaphore_mem>>)
        %dma_wait3A_219 = arith.constant 0 : i32
        %dma_wait3A_220 = tpu.memref_slice %arg18[%mul3A_0, %dma_wait3A_219] : memref<10000x128xf32, #tpu.memory_space<vmem_shared>> -> memref<640x128xf32, #tpu.memory_space<vmem_shared>>
        %dma_wait3A_221 = arith.constant 0 : i32
        %dma_wait3A_222 = tpu.memref_slice %arg4[%mul3A_0, %dma_wait3A_221] : memref<10000x128xf32, #tpu.memory_space<hbm>> -> memref<640x128xf32, #tpu.memory_space<hbm>>
        tpu.wait_dma2 semaphore(%run_scoped3A : memref<!tpu.dma_semaphore, #tpu.memory_space<semaphore_mem>>) src(%dma_wait3A_222 : memref<640x128xf32, #tpu.memory_space<hbm>>) dst(%dma_wait3A_220 : memref<640x128xf32, #tpu.memory_space<vmem_shared>>)
        tpu.yield
      }) : () -> ()
    } else {
    }
    %eq3A_165 = arith.constant 0 : i32
    %eq3A_166 = arith.cmpi eq, %arg0, %eq3A_165 : i32
    %eq3A_167 = arith.constant 15 : i32
    %eq3A_168 = arith.cmpi eq, %arg1, %eq3A_167 : i32
    %and3A_169 = arith.andi %eq3A_166, %eq3A_168 : i1
    %convert_element_type3A_170 = arith.extui %and3A_169 : i1 to i32
    %cond3A_171 = arith.constant 0 : i32
    %cond3A_172 = arith.cmpi ne, %convert_element_type3A_170, %cond3A_171 : i32
    scf.if %cond3A_172 {
      "tpu.region"() ({
        %run_scoped3A = tpu.sem_alloc : memref<!tpu.dma_semaphore, #tpu.memory_space<semaphore_mem>>
        %dma_start3A_215 = arith.constant 9600 : i32
        %dma_start3A_216 = arith.constant 0 : i32
        %dma_start3A_217 = tpu.memref_slice %arg18[%dma_start3A_215, %dma_start3A_216] : memref<10000x128xf32, #tpu.memory_space<vmem_shared>> -> memref<400x128xf32, #tpu.memory_space<vmem_shared>>
        %dma_start3A_218 = arith.constant 9600 : i32
        %dma_start3A_219 = arith.constant 0 : i32
        %dma_start3A_220 = tpu.memref_slice %arg4[%dma_start3A_218, %dma_start3A_219] : memref<10000x128xf32, #tpu.memory_space<hbm>> -> memref<400x128xf32, #tpu.memory_space<hbm>>
        tpu.enqueue_dma source(%dma_start3A_220 : memref<400x128xf32, #tpu.memory_space<hbm>>) target(%dma_start3A_217 : memref<400x128xf32, #tpu.memory_space<vmem_shared>>) target_semaphore(%run_scoped3A : memref<!tpu.dma_semaphore, #tpu.memory_space<semaphore_mem>>)
        %dma_wait3A_221 = arith.constant 9600 : i32
        %dma_wait3A_222 = arith.constant 0 : i32
        %dma_wait3A_223 = tpu.memref_slice %arg18[%dma_wait3A_221, %dma_wait3A_222] : memref<10000x128xf32, #tpu.memory_space<vmem_shared>> -> memref<400x128xf32, #tpu.memory_space<vmem_shared>>
        %dma_wait3A_224 = arith.constant 9600 : i32
        %dma_wait3A_225 = arith.constant 0 : i32
        %dma_wait3A_226 = tpu.memref_slice %arg4[%dma_wait3A_224, %dma_wait3A_225] : memref<10000x128xf32, #tpu.memory_space<hbm>> -> memref<400x128xf32, #tpu.memory_space<hbm>>
        tpu.wait_dma2 semaphore(%run_scoped3A : memref<!tpu.dma_semaphore, #tpu.memory_space<semaphore_mem>>) src(%dma_wait3A_226 : memref<400x128xf32, #tpu.memory_space<hbm>>) dst(%dma_wait3A_223 : memref<400x128xf32, #tpu.memory_space<vmem_shared>>)
        tpu.yield
      }) : () -> ()
    } else {
    }
    %eq3A_173 = arith.constant 1 : i32
    %eq3A_174 = arith.cmpi eq, %arg0, %eq3A_173 : i32
    %lt3A_175 = arith.constant 15 : i32
    %lt3A_176 = arith.cmpi slt, %arg1, %lt3A_175 : i32
    %and3A_177 = arith.andi %eq3A_174, %lt3A_176 : i1
    %convert_element_type3A_178 = arith.extui %and3A_177 : i1 to i32
    %cond3A_179 = arith.constant 0 : i32
    %cond3A_180 = arith.cmpi ne, %convert_element_type3A_178, %cond3A_179 : i32
    scf.if %cond3A_180 {
      "tpu.region"() ({
        %run_scoped3A = tpu.sem_alloc : memref<!tpu.dma_semaphore, #tpu.memory_space<semaphore_mem>>
        %dma_start3A_215 = arith.constant 0 : i32
        %dma_start3A_216 = tpu.memref_slice %arg18[%mul3A_0, %dma_start3A_215] : memref<10000x128xf32, #tpu.memory_space<vmem_shared>> -> memref<640x128xf32, #tpu.memory_space<vmem_shared>>
        %dma_start3A_217 = arith.constant 0 : i32
        %dma_start3A_218 = tpu.memref_slice %arg5[%mul3A_0, %dma_start3A_217] : memref<10000x128xf32, #tpu.memory_space<hbm>> -> memref<640x128xf32, #tpu.memory_space<hbm>>
        tpu.enqueue_dma source(%dma_start3A_218 : memref<640x128xf32, #tpu.memory_space<hbm>>) target(%dma_start3A_216 : memref<640x128xf32, #tpu.memory_space<vmem_shared>>) target_semaphore(%run_scoped3A : memref<!tpu.dma_semaphore, #tpu.memory_space<semaphore_mem>>)
        %dma_wait3A_219 = arith.constant 0 : i32
        %dma_wait3A_220 = tpu.memref_slice %arg18[%mul3A_0, %dma_wait3A_219] : memref<10000x128xf32, #tpu.memory_space<vmem_shared>> -> memref<640x128xf32, #tpu.memory_space<vmem_shared>>
        %dma_wait3A_221 = arith.constant 0 : i32
        %dma_wait3A_222 = tpu.memref_slice %arg5[%mul3A_0, %dma_wait3A_221] : memref<10000x128xf32, #tpu.memory_space<hbm>> -> memref<640x128xf32, #tpu.memory_space<hbm>>
        tpu.wait_dma2 semaphore(%run_scoped3A : memref<!tpu.dma_semaphore, #tpu.memory_space<semaphore_mem>>) src(%dma_wait3A_222 : memref<640x128xf32, #tpu.memory_space<hbm>>) dst(%dma_wait3A_220 : memref<640x128xf32, #tpu.memory_space<vmem_shared>>)
        tpu.yield
      }) : () -> ()
    } else {
    }
    %eq3A_181 = arith.constant 1 : i32
    %eq3A_182 = arith.cmpi eq, %arg0, %eq3A_181 : i32
    %eq3A_183 = arith.constant 15 : i32
    %eq3A_184 = arith.cmpi eq, %arg1, %eq3A_183 : i32
    %and3A_185 = arith.andi %eq3A_182, %eq3A_184 : i1
    %convert_element_type3A_186 = arith.extui %and3A_185 : i1 to i32
    %cond3A_187 = arith.constant 0 : i32
    %cond3A_188 = arith.cmpi ne, %convert_element_type3A_186, %cond3A_187 : i32
    scf.if %cond3A_188 {
      "tpu.region"() ({
        %run_scoped3A = tpu.sem_alloc : memref<!tpu.dma_semaphore, #tpu.memory_space<semaphore_mem>>
        %dma_start3A_215 = arith.constant 9600 : i32
        %dma_start3A_216 = arith.constant 0 : i32
        %dma_start3A_217 = tpu.memref_slice %arg18[%dma_start3A_215, %dma_start3A_216] : memref<10000x128xf32, #tpu.memory_space<vmem_shared>> -> memref<400x128xf32, #tpu.memory_space<vmem_shared>>
        %dma_start3A_218 = arith.constant 9600 : i32
        %dma_start3A_219 = arith.constant 0 : i32
        %dma_start3A_220 = tpu.memref_slice %arg5[%dma_start3A_218, %dma_start3A_219] : memref<10000x128xf32, #tpu.memory_space<hbm>> -> memref<400x128xf32, #tpu.memory_space<hbm>>
        tpu.enqueue_dma source(%dma_start3A_220 : memref<400x128xf32, #tpu.memory_space<hbm>>) target(%dma_start3A_217 : memref<400x128xf32, #tpu.memory_space<vmem_shared>>) target_semaphore(%run_scoped3A : memref<!tpu.dma_semaphore, #tpu.memory_space<semaphore_mem>>)
        %dma_wait3A_221 = arith.constant 9600 : i32
        %dma_wait3A_222 = arith.constant 0 : i32
        %dma_wait3A_223 = tpu.memref_slice %arg18[%dma_wait3A_221, %dma_wait3A_222] : memref<10000x128xf32, #tpu.memory_space<vmem_shared>> -> memref<400x128xf32, #tpu.memory_space<vmem_shared>>
        %dma_wait3A_224 = arith.constant 9600 : i32
        %dma_wait3A_225 = arith.constant 0 : i32
        %dma_wait3A_226 = tpu.memref_slice %arg5[%dma_wait3A_224, %dma_wait3A_225] : memref<10000x128xf32, #tpu.memory_space<hbm>> -> memref<400x128xf32, #tpu.memory_space<hbm>>
        tpu.wait_dma2 semaphore(%run_scoped3A : memref<!tpu.dma_semaphore, #tpu.memory_space<semaphore_mem>>) src(%dma_wait3A_226 : memref<400x128xf32, #tpu.memory_space<hbm>>) dst(%dma_wait3A_223 : memref<400x128xf32, #tpu.memory_space<vmem_shared>>)
        tpu.yield
      }) : () -> ()
    } else {
    }
    %barrier3A = arith.constant 0 : index
    tpu.barrier barrier_id(%barrier3A)
    %scan3A = arith.constant 0 : i32
    %scan3A_189 = arith.constant 0 : i32
    %scan3A_190 = arith.constant 83 : i32
    %scan3A_191 = arith.addi %scan3A_189, %scan3A_190 : i32
    %scan3A_192 = arith.constant 1 : i32
    scf.for %scan3A_215 = %scan3A_189 to %scan3A_191 step %scan3A_192  : i32 {
      %mul3A_216 = arith.constant 3 : i32
      %mul3A_217 = arith.muli %scan3A_215, %mul3A_216 : i32
      %add3A_218 = arith.constant 0 : i32
      %add3A_219 = arith.addi %mul3A_217, %add3A_218 : i32
      %dma_wait3A_220 = arith.constant 0 : i32
      %dma_wait3A_221 = arith.constant 0 : i32
      %dma_wait3A_222 = tpu.memref_slice %arg4[%dma_wait3A_220, %dma_wait3A_221] : memref<10000x128xf32, #tpu.memory_space<hbm>> -> memref<10000x128xf32, #tpu.memory_space<hbm>>
      tpu.wait_indirect_dma semaphore(%arg19 : memref<!tpu.dma_semaphore, #tpu.memory_space<semaphore_mem>>) src(%dma_wait3A_222 : memref<10000x128xf32, #tpu.memory_space<hbm>>) dst(%arg15 : memref<80x128xf32, #tpu.memory_space<vmem>>)
      %ge3A = arith.constant 1 : i32
      %ge3A_223 = arith.cmpi sge, %add3A_219, %ge3A : i32
      %convert_element_type3A_224 = arith.extui %ge3A_223 : i1 to i32
      %cond3A_225 = arith.constant 0 : i32
      %cond3A_226 = arith.cmpi ne, %convert_element_type3A_224, %cond3A_225 : i32
      scf.if %cond3A_226 {
        %dma_wait3A_281 = arith.constant 0 : i32
        %dma_wait3A_282 = arith.constant 0 : i32
        %dma_wait3A_283 = tpu.memref_slice %arg18[%dma_wait3A_281, %dma_wait3A_282] : memref<10000x128xf32, #tpu.memory_space<vmem_shared>> -> memref<10000x128xf32, #tpu.memory_space<vmem_shared>>
        tpu.wait_indirect_dma semaphore(%arg24 : memref<!tpu.dma_semaphore, #tpu.memory_space<semaphore_mem>>) src(%arg17 : memref<80x128xf32, #tpu.memory_space<vmem>>) dst(%dma_wait3A_283 : memref<10000x128xf32, #tpu.memory_space<vmem_shared>>)
      } else {
      }
      %dma_start3A_227 = arith.constant 0 : i32
      %dma_start3A_228 = arith.constant 0 : i32
      %dma_start3A_229 = tpu.memref_slice %arg18[%dma_start3A_227, %dma_start3A_228] : memref<10000x128xf32, #tpu.memory_space<vmem_shared>> -> memref<10000x128xf32, #tpu.memory_space<vmem_shared>>
      tpu.enqueue_indirect_dma source(%arg15 : memref<80x128xf32, #tpu.memory_space<vmem>>) target(%dma_start3A_229 : memref<10000x128xf32, #tpu.memory_space<vmem_shared>>) offsets(%arg12 : memref<80xi32, #tpu.memory_space<vmem>>) semaphore(%arg22 : memref<!tpu.dma_semaphore, #tpu.memory_space<semaphore_mem>>) {add = true}
      %add3A_230 = arith.constant 2 : i32
      %add3A_231 = arith.addi %add3A_219, %add3A_230 : i32
      %lt3A_232 = arith.constant 250 : i32
      %lt3A_233 = arith.cmpi slt, %add3A_231, %lt3A_232 : i32
      %convert_element_type3A_234 = arith.extui %lt3A_233 : i1 to i32
      %cond3A_235 = arith.constant 0 : i32
      %cond3A_236 = arith.cmpi ne, %convert_element_type3A_234, %cond3A_235 : i32
      scf.if %cond3A_236 {
        %jit3A = arith.constant 50 : i32
        %eq3A_281 = arith.constant 0 : i32
        %eq3A_282 = arith.cmpi eq, %jit3A, %eq3A_281 : i32
        %jit3A_283 = arith.constant 1 : i32
        %select_n3A = arith.select %eq3A_282, %jit3A_283, %jit3A : i32
        %rem3A = arith.remsi %add3A_231, %select_n3A : i32
        %ne3A = arith.constant 0 : i32
        %ne3A_284 = arith.cmpi ne, %rem3A, %ne3A : i32
        %lt3A_285 = arith.constant 0 : i32
        %lt3A_286 = arith.cmpi slt, %rem3A, %lt3A_285 : i32
        %lt3A_287 = arith.constant 0 : i32
        %lt3A_288 = arith.cmpi slt, %select_n3A, %lt3A_287 : i32
        %ne3A_289 = arith.xori %lt3A_286, %lt3A_288 : i1
        %and3A_290 = arith.andi %ne3A_289, %ne3A_284 : i1
        %add3A_291 = arith.addi %rem3A, %select_n3A : i32
        %select_n3A_292 = arith.select %and3A_290, %add3A_291, %rem3A : i32
        %eq3A_293 = arith.constant 0 : i32
        %eq3A_294 = arith.cmpi eq, %select_n3A_292, %eq3A_293 : i32
        %convert_element_type3A_295 = arith.extui %eq3A_294 : i1 to i32
        %cond3A_296 = arith.constant 0 : i32
        %cond3A_297 = arith.cmpi ne, %convert_element_type3A_295, %cond3A_296 : i32
        scf.if %cond3A_297 {
          %jit3A_416 = arith.constant 50 : i32
          %div3A = arith.divsi %add3A_231, %jit3A_416 : i32
          %sign3A = arith.constant 0 : i32
          %sign3A_417 = arith.cmpi sgt, %add3A_231, %sign3A : i32
          %sign3A_418 = arith.extui %sign3A_417 : i1 to i32
          %sign3A_419 = arith.constant 0 : i32
          %sign3A_420 = arith.cmpi slt, %add3A_231, %sign3A_419 : i32
          %sign3A_421 = arith.extui %sign3A_420 : i1 to i32
          %sign3A_422 = arith.subi %sign3A_418, %sign3A_421 : i32
          %sign3A_423 = arith.constant 0 : i32
          %sign3A_424 = arith.cmpi sgt, %jit3A_416, %sign3A_423 : i32
          %sign3A_425 = arith.extui %sign3A_424 : i1 to i32
          %sign3A_426 = arith.constant 0 : i32
          %sign3A_427 = arith.cmpi slt, %jit3A_416, %sign3A_426 : i32
          %sign3A_428 = arith.extui %sign3A_427 : i1 to i32
          %sign3A_429 = arith.subi %sign3A_425, %sign3A_428 : i32
          %ne3A_430 = arith.cmpi ne, %sign3A_422, %sign3A_429 : i32
          %rem3A_431 = arith.remsi %add3A_231, %jit3A_416 : i32
          %ne3A_432 = arith.constant 0 : i32
          %ne3A_433 = arith.cmpi ne, %rem3A_431, %ne3A_432 : i32
          %and3A_434 = arith.andi %ne3A_430, %ne3A_433 : i1
          %sub3A = arith.constant 1 : i32
          %sub3A_435 = arith.subi %div3A, %sub3A : i32
          %select_n3A_436 = arith.select %and3A_434, %sub3A_435, %div3A : i32
          %mul3A_437 = arith.constant 20000 : i32
          %mul3A_438 = arith.muli %arg1, %mul3A_437 : i32
          %mul3A_439 = arith.constant 4000 : i32
          %mul3A_440 = arith.muli %select_n3A_436, %mul3A_439 : i32
          %add3A_441 = arith.addi %mul3A_438, %mul3A_440 : i32
          "tpu.region"() ({
            %run_scoped3A = tpu.sem_alloc : memref<!tpu.dma_semaphore, #tpu.memory_space<semaphore_mem>>
            %dma_start3A_442 = tpu.memref_slice %arg2[%add3A_441] : memref<320000xi32, #tpu.memory_space<hbm>> -> memref<4000xi32, #tpu.memory_space<hbm>>
            %dma_start3A_443 = tpu.memref_slice %arg2[%add3A_441] : memref<320000xi32, #tpu.memory_space<hbm>> -> memref<4000xi32, #tpu.memory_space<hbm>>
            tpu.enqueue_dma source(%dma_start3A_443 : memref<4000xi32, #tpu.memory_space<hbm>>) target(%arg7 : memref<4000xi32, #tpu.memory_space<vmem>>) target_semaphore(%run_scoped3A : memref<!tpu.dma_semaphore, #tpu.memory_space<semaphore_mem>>)
            %dma_wait3A_444 = tpu.memref_slice %arg2[%add3A_441] : memref<320000xi32, #tpu.memory_space<hbm>> -> memref<4000xi32, #tpu.memory_space<hbm>>
            %dma_wait3A_445 = tpu.memref_slice %arg2[%add3A_441] : memref<320000xi32, #tpu.memory_space<hbm>> -> memref<4000xi32, #tpu.memory_space<hbm>>
            tpu.wait_dma2 semaphore(%run_scoped3A : memref<!tpu.dma_semaphore, #tpu.memory_space<semaphore_mem>>) src(%dma_wait3A_445 : memref<4000xi32, #tpu.memory_space<hbm>>) dst(%arg7 : memref<4000xi32, #tpu.memory_space<vmem>>)
            tpu.yield
          }) : () -> ()
          "tpu.region"() ({
            %run_scoped3A = tpu.sem_alloc : memref<!tpu.dma_semaphore, #tpu.memory_space<semaphore_mem>>
            %dma_start3A_442 = tpu.memref_slice %arg3[%add3A_441] : memref<320000xi32, #tpu.memory_space<hbm>> -> memref<4000xi32, #tpu.memory_space<hbm>>
            %dma_start3A_443 = tpu.memref_slice %arg3[%add3A_441] : memref<320000xi32, #tpu.memory_space<hbm>> -> memref<4000xi32, #tpu.memory_space<hbm>>
            tpu.enqueue_dma source(%dma_start3A_443 : memref<4000xi32, #tpu.memory_space<hbm>>) target(%arg8 : memref<4000xi32, #tpu.memory_space<vmem>>) target_semaphore(%run_scoped3A : memref<!tpu.dma_semaphore, #tpu.memory_space<semaphore_mem>>)
            %dma_wait3A_444 = tpu.memref_slice %arg3[%add3A_441] : memref<320000xi32, #tpu.memory_space<hbm>> -> memref<4000xi32, #tpu.memory_space<hbm>>
            %dma_wait3A_445 = tpu.memref_slice %arg3[%add3A_441] : memref<320000xi32, #tpu.memory_space<hbm>> -> memref<4000xi32, #tpu.memory_space<hbm>>
            tpu.wait_dma2 semaphore(%run_scoped3A : memref<!tpu.dma_semaphore, #tpu.memory_space<semaphore_mem>>) src(%dma_wait3A_445 : memref<4000xi32, #tpu.memory_space<hbm>>) dst(%arg8 : memref<4000xi32, #tpu.memory_space<vmem>>)
            tpu.yield
          }) : () -> ()
        } else {
        }
        %jit3A_298 = arith.constant 50 : i32
        %eq3A_299 = arith.constant 0 : i32
        %eq3A_300 = arith.cmpi eq, %jit3A_298, %eq3A_299 : i32
        %jit3A_301 = arith.constant 1 : i32
        %select_n3A_302 = arith.select %eq3A_300, %jit3A_301, %jit3A_298 : i32
        %rem3A_303 = arith.remsi %add3A_231, %select_n3A_302 : i32
        %ne3A_304 = arith.constant 0 : i32
        %ne3A_305 = arith.cmpi ne, %rem3A_303, %ne3A_304 : i32
        %lt3A_306 = arith.constant 0 : i32
        %lt3A_307 = arith.cmpi slt, %rem3A_303, %lt3A_306 : i32
        %lt3A_308 = arith.constant 0 : i32
        %lt3A_309 = arith.cmpi slt, %select_n3A_302, %lt3A_308 : i32
        %ne3A_310 = arith.xori %lt3A_307, %lt3A_309 : i1
        %and3A_311 = arith.andi %ne3A_310, %ne3A_305 : i1
        %add3A_312 = arith.addi %rem3A_303, %select_n3A_302 : i32
        %select_n3A_313 = arith.select %and3A_311, %add3A_312, %rem3A_303 : i32
        %mul3A_314 = arith.constant 80 : i32
        %mul3A_315 = arith.muli %select_n3A_313, %mul3A_314 : i32
        %add3A_316 = arith.constant 0 : i32
        %add3A_317 = arith.addi %mul3A_315, %add3A_316 : i32
        %get3A_318 = arith.index_cast %add3A_317 : i32 to index
        %get3A_319 = tpu.vector_load %arg7[%get3A_318] {strides = array<i32>} : memref<4000xi32, #tpu.memory_space<vmem>>, vector<16xi32>,
        %get3A_320 = vector.shape_cast %get3A_319 : vector<16xi32> to vector<16xi32>
        %swap3A_321 = arith.constant 0 : index
        %swap3A_322 = tpu.vector_load %arg11[%swap3A_321] {strides = array<i32>} : memref<80xi32, #tpu.memory_space<vmem>>, vector<16xi32>,
        %swap3A_323 = vector.shape_cast %swap3A_322 : vector<16xi32> to vector<16xi32>
        %swap3A_324 = vector.shape_cast %get3A_320 : vector<16xi32> to vector<16xi32>
        tpu.vector_store %arg11[%swap3A_321], %swap3A_324 {strides = array<i32>} : memref<80xi32, #tpu.memory_space<vmem>>, vector<16xi32>,
        %add3A_325 = arith.constant 16 : i32
        %add3A_326 = arith.addi %mul3A_315, %add3A_325 : i32
        %get3A_327 = arith.index_cast %add3A_326 : i32 to index
        %get3A_328 = tpu.vector_load %arg7[%get3A_327] {strides = array<i32>} : memref<4000xi32, #tpu.memory_space<vmem>>, vector<16xi32>,
        %get3A_329 = vector.shape_cast %get3A_328 : vector<16xi32> to vector<16xi32>
        %swap3A_330 = arith.constant 16 : index
        %swap3A_331 = tpu.vector_load %arg11[%swap3A_330] {strides = array<i32>} : memref<80xi32, #tpu.memory_space<vmem>>, vector<16xi32>,
        %swap3A_332 = vector.shape_cast %swap3A_331 : vector<16xi32> to vector<16xi32>
        %swap3A_333 = vector.shape_cast %get3A_329 : vector<16xi32> to vector<16xi32>
        tpu.vector_store %arg11[%swap3A_330], %swap3A_333 {strides = array<i32>} : memref<80xi32, #tpu.memory_space<vmem>>, vector<16xi32>,
        %add3A_334 = arith.constant 32 : i32
        %add3A_335 = arith.addi %mul3A_315, %add3A_334 : i32
        %get3A_336 = arith.index_cast %add3A_335 : i32 to index
        %get3A_337 = tpu.vector_load %arg7[%get3A_336] {strides = array<i32>} : memref<4000xi32, #tpu.memory_space<vmem>>, vector<16xi32>,
        %get3A_338 = vector.shape_cast %get3A_337 : vector<16xi32> to vector<16xi32>
        %swap3A_339 = arith.constant 32 : index
        %swap3A_340 = tpu.vector_load %arg11[%swap3A_339] {strides = array<i32>} : memref<80xi32, #tpu.memory_space<vmem>>, vector<16xi32>,
        %swap3A_341 = vector.shape_cast %swap3A_340 : vector<16xi32> to vector<16xi32>
        %swap3A_342 = vector.shape_cast %get3A_338 : vector<16xi32> to vector<16xi32>
        tpu.vector_store %arg11[%swap3A_339], %swap3A_342 {strides = array<i32>} : memref<80xi32, #tpu.memory_space<vmem>>, vector<16xi32>,
        %add3A_343 = arith.constant 48 : i32
        %add3A_344 = arith.addi %mul3A_315, %add3A_343 : i32
        %get3A_345 = arith.index_cast %add3A_344 : i32 to index
        %get3A_346 = tpu.vector_load %arg7[%get3A_345] {strides = array<i32>} : memref<4000xi32, #tpu.memory_space<vmem>>, vector<16xi32>,
        %get3A_347 = vector.shape_cast %get3A_346 : vector<16xi32> to vector<16xi32>
        %swap3A_348 = arith.constant 48 : index
        %swap3A_349 = tpu.vector_load %arg11[%swap3A_348] {strides = array<i32>} : memref<80xi32, #tpu.memory_space<vmem>>, vector<16xi32>,
        %swap3A_350 = vector.shape_cast %swap3A_349 : vector<16xi32> to vector<16xi32>
        %swap3A_351 = vector.shape_cast %get3A_347 : vector<16xi32> to vector<16xi32>
        tpu.vector_store %arg11[%swap3A_348], %swap3A_351 {strides = array<i32>} : memref<80xi32, #tpu.memory_space<vmem>>, vector<16xi32>,
        %add3A_352 = arith.constant 64 : i32
        %add3A_353 = arith.addi %mul3A_315, %add3A_352 : i32
        %get3A_354 = arith.index_cast %add3A_353 : i32 to index
        %get3A_355 = tpu.vector_load %arg7[%get3A_354] {strides = array<i32>} : memref<4000xi32, #tpu.memory_space<vmem>>, vector<16xi32>,
        %get3A_356 = vector.shape_cast %get3A_355 : vector<16xi32> to vector<16xi32>
        %swap3A_357 = arith.constant 64 : index
        %swap3A_358 = tpu.vector_load %arg11[%swap3A_357] {strides = array<i32>} : memref<80xi32, #tpu.memory_space<vmem>>, vector<16xi32>,
        %swap3A_359 = vector.shape_cast %swap3A_358 : vector<16xi32> to vector<16xi32>
        %swap3A_360 = vector.shape_cast %get3A_356 : vector<16xi32> to vector<16xi32>
        tpu.vector_store %arg11[%swap3A_357], %swap3A_360 {strides = array<i32>} : memref<80xi32, #tpu.memory_space<vmem>>, vector<16xi32>,
        %add3A_361 = arith.constant 0 : i32
        %add3A_362 = arith.addi %mul3A_315, %add3A_361 : i32
        %get3A_363 = arith.index_cast %add3A_362 : i32 to index
        %get3A_364 = tpu.vector_load %arg8[%get3A_363] {strides = array<i32>} : memref<4000xi32, #tpu.memory_space<vmem>>, vector<16xi32>,
        %get3A_365 = vector.shape_cast %get3A_364 : vector<16xi32> to vector<16xi32>
        %swap3A_366 = arith.constant 0 : index
        %swap3A_367 = tpu.vector_load %arg14[%swap3A_366] {strides = array<i32>} : memref<80xi32, #tpu.memory_space<vmem>>, vector<16xi32>,
        %swap3A_368 = vector.shape_cast %swap3A_367 : vector<16xi32> to vector<16xi32>
        %swap3A_369 = vector.shape_cast %get3A_365 : vector<16xi32> to vector<16xi32>
        tpu.vector_store %arg14[%swap3A_366], %swap3A_369 {strides = array<i32>} : memref<80xi32, #tpu.memory_space<vmem>>, vector<16xi32>,
        %add3A_370 = arith.constant 16 : i32
        %add3A_371 = arith.addi %mul3A_315, %add3A_370 : i32
        %get3A_372 = arith.index_cast %add3A_371 : i32 to index
        %get3A_373 = tpu.vector_load %arg8[%get3A_372] {strides = array<i32>} : memref<4000xi32, #tpu.memory_space<vmem>>, vector<16xi32>,
        %get3A_374 = vector.shape_cast %get3A_373 : vector<16xi32> to vector<16xi32>
        %swap3A_375 = arith.constant 16 : index
        %swap3A_376 = tpu.vector_load %arg14[%swap3A_375] {strides = array<i32>} : memref<80xi32, #tpu.memory_space<vmem>>, vector<16xi32>,
        %swap3A_377 = vector.shape_cast %swap3A_376 : vector<16xi32> to vector<16xi32>
        %swap3A_378 = vector.shape_cast %get3A_374 : vector<16xi32> to vector<16xi32>
        tpu.vector_store %arg14[%swap3A_375], %swap3A_378 {strides = array<i32>} : memref<80xi32, #tpu.memory_space<vmem>>, vector<16xi32>,
        %add3A_379 = arith.constant 32 : i32
        %add3A_380 = arith.addi %mul3A_315, %add3A_379 : i32
        %get3A_381 = arith.index_cast %add3A_380 : i32 to index
        %get3A_382 = tpu.vector_load %arg8[%get3A_381] {strides = array<i32>} : memref<4000xi32, #tpu.memory_space<vmem>>, vector<16xi32>,
        %get3A_383 = vector.shape_cast %get3A_382 : vector<16xi32> to vector<16xi32>
        %swap3A_384 = arith.constant 32 : index
        %swap3A_385 = tpu.vector_load %arg14[%swap3A_384] {strides = array<i32>} : memref<80xi32, #tpu.memory_space<vmem>>, vector<16xi32>,
        %swap3A_386 = vector.shape_cast %swap3A_385 : vector<16xi32> to vector<16xi32>
        %swap3A_387 = vector.shape_cast %get3A_383 : vector<16xi32> to vector<16xi32>
        tpu.vector_store %arg14[%swap3A_384], %swap3A_387 {strides = array<i32>} : memref<80xi32, #tpu.memory_space<vmem>>, vector<16xi32>,
        %add3A_388 = arith.constant 48 : i32
        %add3A_389 = arith.addi %mul3A_315, %add3A_388 : i32
        %get3A_390 = arith.index_cast %add3A_389 : i32 to index
        %get3A_391 = tpu.vector_load %arg8[%get3A_390] {strides = array<i32>} : memref<4000xi32, #tpu.memory_space<vmem>>, vector<16xi32>,
        %get3A_392 = vector.shape_cast %get3A_391 : vector<16xi32> to vector<16xi32>
        %swap3A_393 = arith.constant 48 : index
        %swap3A_394 = tpu.vector_load %arg14[%swap3A_393] {strides = array<i32>} : memref<80xi32, #tpu.memory_space<vmem>>, vector<16xi32>,
        %swap3A_395 = vector.shape_cast %swap3A_394 : vector<16xi32> to vector<16xi32>
        %swap3A_396 = vector.shape_cast %get3A_392 : vector<16xi32> to vector<16xi32>
        tpu.vector_store %arg14[%swap3A_393], %swap3A_396 {strides = array<i32>} : memref<80xi32, #tpu.memory_space<vmem>>, vector<16xi32>,
        %add3A_397 = arith.constant 64 : i32
        %add3A_398 = arith.addi %mul3A_315, %add3A_397 : i32
        %get3A_399 = arith.index_cast %add3A_398 : i32 to index
        %get3A_400 = tpu.vector_load %arg8[%get3A_399] {strides = array<i32>} : memref<4000xi32, #tpu.memory_space<vmem>>, vector<16xi32>,
        %get3A_401 = vector.shape_cast %get3A_400 : vector<16xi32> to vector<16xi32>
        %swap3A_402 = arith.constant 64 : index
        %swap3A_403 = tpu.vector_load %arg14[%swap3A_402] {strides = array<i32>} : memref<80xi32, #tpu.memory_space<vmem>>, vector<16xi32>,
        %swap3A_404 = vector.shape_cast %swap3A_403 : vector<16xi32> to vector<16xi32>
        %swap3A_405 = vector.shape_cast %get3A_401 : vector<16xi32> to vector<16xi32>
        tpu.vector_store %arg14[%swap3A_402], %swap3A_405 {strides = array<i32>} : memref<80xi32, #tpu.memory_space<vmem>>, vector<16xi32>,
        %eq3A_406 = arith.constant 0 : i32
        %eq3A_407 = arith.cmpi eq, %arg0, %eq3A_406 : i32
        %convert_element_type3A_408 = arith.extui %eq3A_407 : i1 to i32
        %cond3A_409 = arith.constant 0 : i32
        %cond3A_410 = arith.cmpi ne, %convert_element_type3A_408, %cond3A_409 : i32
        scf.if %cond3A_410 {
          %dma_start3A_416 = arith.constant 0 : i32
          %dma_start3A_417 = arith.constant 0 : i32
          %dma_start3A_418 = tpu.memref_slice %arg4[%dma_start3A_416, %dma_start3A_417] : memref<10000x128xf32, #tpu.memory_space<hbm>> -> memref<10000x128xf32, #tpu.memory_space<hbm>>
          tpu.enqueue_indirect_dma source(%dma_start3A_418 : memref<10000x128xf32, #tpu.memory_space<hbm>>) target(%arg17 : memref<80x128xf32, #tpu.memory_space<vmem>>) offsets(%arg11 : memref<80xi32, #tpu.memory_space<vmem>>) semaphore(%arg21 : memref<!tpu.dma_semaphore, #tpu.memory_space<semaphore_mem>>)
        } else {
        }
        %eq3A_411 = arith.constant 1 : i32
        %eq3A_412 = arith.cmpi eq, %arg0, %eq3A_411 : i32
        %convert_element_type3A_413 = arith.extui %eq3A_412 : i1 to i32
        %cond3A_414 = arith.constant 0 : i32
        %cond3A_415 = arith.cmpi ne, %convert_element_type3A_413, %cond3A_414 : i32
        scf.if %cond3A_415 {
          %dma_start3A_416 = arith.constant 0 : i32
          %dma_start3A_417 = arith.constant 0 : i32
          %dma_start3A_418 = tpu.memref_slice %arg5[%dma_start3A_416, %dma_start3A_417] : memref<10000x128xf32, #tpu.memory_space<hbm>> -> memref<10000x128xf32, #tpu.memory_space<hbm>>
          tpu.enqueue_indirect_dma source(%dma_start3A_418 : memref<10000x128xf32, #tpu.memory_space<hbm>>) target(%arg17 : memref<80x128xf32, #tpu.memory_space<vmem>>) offsets(%arg11 : memref<80xi32, #tpu.memory_space<vmem>>) semaphore(%arg21 : memref<!tpu.dma_semaphore, #tpu.memory_space<semaphore_mem>>)
        } else {
        }
      } else {
      }
      %mul3A_237 = arith.constant 3 : i32
      %mul3A_238 = arith.muli %scan3A_215, %mul3A_237 : i32
      %add3A_239 = arith.constant 1 : i32
      %add3A_240 = arith.addi %mul3A_238, %add3A_239 : i32
      %dma_wait3A_241 = arith.constant 0 : i32
      %dma_wait3A_242 = arith.constant 0 : i32
      %dma_wait3A_243 = tpu.memref_slice %arg4[%dma_wait3A_241, %dma_wait3A_242] : memref<10000x128xf32, #tpu.memory_space<hbm>> -> memref<10000x128xf32, #tpu.memory_space<hbm>>
      tpu.wait_indirect_dma semaphore(%arg20 : memref<!tpu.dma_semaphore, #tpu.memory_space<semaphore_mem>>) src(%dma_wait3A_243 : memref<10000x128xf32, #tpu.memory_space<hbm>>) dst(%arg16 : memref<80x128xf32, #tpu.memory_space<vmem>>)
      %ge3A_244 = arith.constant 1 : i32
      %ge3A_245 = arith.cmpi sge, %add3A_240, %ge3A_244 : i32
      %convert_element_type3A_246 = arith.extui %ge3A_245 : i1 to i32
      %cond3A_247 = arith.constant 0 : i32
      %cond3A_248 = arith.cmpi ne, %convert_element_type3A_246, %cond3A_247 : i32
      scf.if %cond3A_248 {
        %dma_wait3A_281 = arith.constant 0 : i32
        %dma_wait3A_282 = arith.constant 0 : i32
        %dma_wait3A_283 = tpu.memref_slice %arg18[%dma_wait3A_281, %dma_wait3A_282] : memref<10000x128xf32, #tpu.memory_space<vmem_shared>> -> memref<10000x128xf32, #tpu.memory_space<vmem_shared>>
        tpu.wait_indirect_dma semaphore(%arg22 : memref<!tpu.dma_semaphore, #tpu.memory_space<semaphore_mem>>) src(%arg15 : memref<80x128xf32, #tpu.memory_space<vmem>>) dst(%dma_wait3A_283 : memref<10000x128xf32, #tpu.memory_space<vmem_shared>>)
      } else {
      }
      %dma_start3A_249 = arith.constant 0 : i32
      %dma_start3A_250 = arith.constant 0 : i32
      %dma_start3A_251 = tpu.memref_slice %arg18[%dma_start3A_249, %dma_start3A_250] : memref<10000x128xf32, #tpu.memory_space<vmem_shared>> -> memref<10000x128xf32, #tpu.memory_space<vmem_shared>>
      tpu.enqueue_indirect_dma source(%arg16 : memref<80x128xf32, #tpu.memory_space<vmem>>) target(%dma_start3A_251 : memref<10000x128xf32, #tpu.memory_space<vmem_shared>>) offsets(%arg13 : memref<80xi32, #tpu.memory_space<vmem>>) semaphore(%arg23 : memref<!tpu.dma_semaphore, #tpu.memory_space<semaphore_mem>>) {add = true}
      %add3A_252 = arith.constant 2 : i32
      %add3A_253 = arith.addi %add3A_240, %add3A_252 : i32
      %lt3A_254 = arith.constant 250 : i32
      %lt3A_255 = arith.cmpi slt, %add3A_253, %lt3A_254 : i32
      %convert_element_type3A_256 = arith.extui %lt3A_255 : i1 to i32
      %cond3A_257 = arith.constant 0 : i32
      %cond3A_258 = arith.cmpi ne, %convert_element_type3A_256, %cond3A_257 : i32
      scf.if %cond3A_258 {
        %jit3A = arith.constant 50 : i32
        %eq3A_281 = arith.constant 0 : i32
        %eq3A_282 = arith.cmpi eq, %jit3A, %eq3A_281 : i32
        %jit3A_283 = arith.constant 1 : i32
        %select_n3A = arith.select %eq3A_282, %jit3A_283, %jit3A : i32
        %rem3A = arith.remsi %add3A_253, %select_n3A : i32
        %ne3A = arith.constant 0 : i32
        %ne3A_284 = arith.cmpi ne, %rem3A, %ne3A : i32
        %lt3A_285 = arith.constant 0 : i32
        %lt3A_286 = arith.cmpi slt, %rem3A, %lt3A_285 : i32
        %lt3A_287 = arith.constant 0 : i32
        %lt3A_288 = arith.cmpi slt, %select_n3A, %lt3A_287 : i32
        %ne3A_289 = arith.xori %lt3A_286, %lt3A_288 : i1
        %and3A_290 = arith.andi %ne3A_289, %ne3A_284 : i1
        %add3A_291 = arith.addi %rem3A, %select_n3A : i32
        %select_n3A_292 = arith.select %and3A_290, %add3A_291, %rem3A : i32
        %eq3A_293 = arith.constant 0 : i32
        %eq3A_294 = arith.cmpi eq, %select_n3A_292, %eq3A_293 : i32
        %convert_element_type3A_295 = arith.extui %eq3A_294 : i1 to i32
        %cond3A_296 = arith.constant 0 : i32
        %cond3A_297 = arith.cmpi ne, %convert_element_type3A_295, %cond3A_296 : i32
        scf.if %cond3A_297 {
          %jit3A_416 = arith.constant 50 : i32
          %div3A = arith.divsi %add3A_253, %jit3A_416 : i32
          %sign3A = arith.constant 0 : i32
          %sign3A_417 = arith.cmpi sgt, %add3A_253, %sign3A : i32
          %sign3A_418 = arith.extui %sign3A_417 : i1 to i32
          %sign3A_419 = arith.constant 0 : i32
          %sign3A_420 = arith.cmpi slt, %add3A_253, %sign3A_419 : i32
          %sign3A_421 = arith.extui %sign3A_420 : i1 to i32
          %sign3A_422 = arith.subi %sign3A_418, %sign3A_421 : i32
          %sign3A_423 = arith.constant 0 : i32
          %sign3A_424 = arith.cmpi sgt, %jit3A_416, %sign3A_423 : i32
          %sign3A_425 = arith.extui %sign3A_424 : i1 to i32
          %sign3A_426 = arith.constant 0 : i32
          %sign3A_427 = arith.cmpi slt, %jit3A_416, %sign3A_426 : i32
          %sign3A_428 = arith.extui %sign3A_427 : i1 to i32
          %sign3A_429 = arith.subi %sign3A_425, %sign3A_428 : i32
          %ne3A_430 = arith.cmpi ne, %sign3A_422, %sign3A_429 : i32
          %rem3A_431 = arith.remsi %add3A_253, %jit3A_416 : i32
          %ne3A_432 = arith.constant 0 : i32
          %ne3A_433 = arith.cmpi ne, %rem3A_431, %ne3A_432 : i32
          %and3A_434 = arith.andi %ne3A_430, %ne3A_433 : i1
          %sub3A = arith.constant 1 : i32
          %sub3A_435 = arith.subi %div3A, %sub3A : i32
          %select_n3A_436 = arith.select %and3A_434, %sub3A_435, %div3A : i32
          %mul3A_437 = arith.constant 20000 : i32
          %mul3A_438 = arith.muli %arg1, %mul3A_437 : i32
          %mul3A_439 = arith.constant 4000 : i32
          %mul3A_440 = arith.muli %select_n3A_436, %mul3A_439 : i32
          %add3A_441 = arith.addi %mul3A_438, %mul3A_440 : i32
          "tpu.region"() ({
            %run_scoped3A = tpu.sem_alloc : memref<!tpu.dma_semaphore, #tpu.memory_space<semaphore_mem>>
            %dma_start3A_442 = tpu.memref_slice %arg2[%add3A_441] : memref<320000xi32, #tpu.memory_space<hbm>> -> memref<4000xi32, #tpu.memory_space<hbm>>
            %dma_start3A_443 = tpu.memref_slice %arg2[%add3A_441] : memref<320000xi32, #tpu.memory_space<hbm>> -> memref<4000xi32, #tpu.memory_space<hbm>>
            tpu.enqueue_dma source(%dma_start3A_443 : memref<4000xi32, #tpu.memory_space<hbm>>) target(%arg7 : memref<4000xi32, #tpu.memory_space<vmem>>) target_semaphore(%run_scoped3A : memref<!tpu.dma_semaphore, #tpu.memory_space<semaphore_mem>>)
            %dma_wait3A_444 = tpu.memref_slice %arg2[%add3A_441] : memref<320000xi32, #tpu.memory_space<hbm>> -> memref<4000xi32, #tpu.memory_space<hbm>>
            %dma_wait3A_445 = tpu.memref_slice %arg2[%add3A_441] : memref<320000xi32, #tpu.memory_space<hbm>> -> memref<4000xi32, #tpu.memory_space<hbm>>
            tpu.wait_dma2 semaphore(%run_scoped3A : memref<!tpu.dma_semaphore, #tpu.memory_space<semaphore_mem>>) src(%dma_wait3A_445 : memref<4000xi32, #tpu.memory_space<hbm>>) dst(%arg7 : memref<4000xi32, #tpu.memory_space<vmem>>)
            tpu.yield
          }) : () -> ()
          "tpu.region"() ({
            %run_scoped3A = tpu.sem_alloc : memref<!tpu.dma_semaphore, #tpu.memory_space<semaphore_mem>>
            %dma_start3A_442 = tpu.memref_slice %arg3[%add3A_441] : memref<320000xi32, #tpu.memory_space<hbm>> -> memref<4000xi32, #tpu.memory_space<hbm>>
            %dma_start3A_443 = tpu.memref_slice %arg3[%add3A_441] : memref<320000xi32, #tpu.memory_space<hbm>> -> memref<4000xi32, #tpu.memory_space<hbm>>
            tpu.enqueue_dma source(%dma_start3A_443 : memref<4000xi32, #tpu.memory_space<hbm>>) target(%arg8 : memref<4000xi32, #tpu.memory_space<vmem>>) target_semaphore(%run_scoped3A : memref<!tpu.dma_semaphore, #tpu.memory_space<semaphore_mem>>)
            %dma_wait3A_444 = tpu.memref_slice %arg3[%add3A_441] : memref<320000xi32, #tpu.memory_space<hbm>> -> memref<4000xi32, #tpu.memory_space<hbm>>
            %dma_wait3A_445 = tpu.memref_slice %arg3[%add3A_441] : memref<320000xi32, #tpu.memory_space<hbm>> -> memref<4000xi32, #tpu.memory_space<hbm>>
            tpu.wait_dma2 semaphore(%run_scoped3A : memref<!tpu.dma_semaphore, #tpu.memory_space<semaphore_mem>>) src(%dma_wait3A_445 : memref<4000xi32, #tpu.memory_space<hbm>>) dst(%arg8 : memref<4000xi32, #tpu.memory_space<vmem>>)
            tpu.yield
          }) : () -> ()
        } else {
        }
        %jit3A_298 = arith.constant 50 : i32
        %eq3A_299 = arith.constant 0 : i32
        %eq3A_300 = arith.cmpi eq, %jit3A_298, %eq3A_299 : i32
        %jit3A_301 = arith.constant 1 : i32
        %select_n3A_302 = arith.select %eq3A_300, %jit3A_301, %jit3A_298 : i32
        %rem3A_303 = arith.remsi %add3A_253, %select_n3A_302 : i32
        %ne3A_304 = arith.constant 0 : i32
        %ne3A_305 = arith.cmpi ne, %rem3A_303, %ne3A_304 : i32
        %lt3A_306 = arith.constant 0 : i32
        %lt3A_307 = arith.cmpi slt, %rem3A_303, %lt3A_306 : i32
        %lt3A_308 = arith.constant 0 : i32
        %lt3A_309 = arith.cmpi slt, %select_n3A_302, %lt3A_308 : i32
        %ne3A_310 = arith.xori %lt3A_307, %lt3A_309 : i1
        %and3A_311 = arith.andi %ne3A_310, %ne3A_305 : i1
        %add3A_312 = arith.addi %rem3A_303, %select_n3A_302 : i32
        %select_n3A_313 = arith.select %and3A_311, %add3A_312, %rem3A_303 : i32
        %mul3A_314 = arith.constant 80 : i32
        %mul3A_315 = arith.muli %select_n3A_313, %mul3A_314 : i32
        %add3A_316 = arith.constant 0 : i32
        %add3A_317 = arith.addi %mul3A_315, %add3A_316 : i32
        %get3A_318 = arith.index_cast %add3A_317 : i32 to index
        %get3A_319 = tpu.vector_load %arg7[%get3A_318] {strides = array<i32>} : memref<4000xi32, #tpu.memory_space<vmem>>, vector<16xi32>,
        %get3A_320 = vector.shape_cast %get3A_319 : vector<16xi32> to vector<16xi32>
        %swap3A_321 = arith.constant 0 : index
        %swap3A_322 = tpu.vector_load %arg9[%swap3A_321] {strides = array<i32>} : memref<80xi32, #tpu.memory_space<vmem>>, vector<16xi32>,
        %swap3A_323 = vector.shape_cast %swap3A_322 : vector<16xi32> to vector<16xi32>
        %swap3A_324 = vector.shape_cast %get3A_320 : vector<16xi32> to vector<16xi32>
        tpu.vector_store %arg9[%swap3A_321], %swap3A_324 {strides = array<i32>} : memref<80xi32, #tpu.memory_space<vmem>>, vector<16xi32>,
        %add3A_325 = arith.constant 16 : i32
        %add3A_326 = arith.addi %mul3A_315, %add3A_325 : i32
        %get3A_327 = arith.index_cast %add3A_326 : i32 to index
        %get3A_328 = tpu.vector_load %arg7[%get3A_327] {strides = array<i32>} : memref<4000xi32, #tpu.memory_space<vmem>>, vector<16xi32>,
        %get3A_329 = vector.shape_cast %get3A_328 : vector<16xi32> to vector<16xi32>
        %swap3A_330 = arith.constant 16 : index
        %swap3A_331 = tpu.vector_load %arg9[%swap3A_330] {strides = array<i32>} : memref<80xi32, #tpu.memory_space<vmem>>, vector<16xi32>,
        %swap3A_332 = vector.shape_cast %swap3A_331 : vector<16xi32> to vector<16xi32>
        %swap3A_333 = vector.shape_cast %get3A_329 : vector<16xi32> to vector<16xi32>
        tpu.vector_store %arg9[%swap3A_330], %swap3A_333 {strides = array<i32>} : memref<80xi32, #tpu.memory_space<vmem>>, vector<16xi32>,
        %add3A_334 = arith.constant 32 : i32
        %add3A_335 = arith.addi %mul3A_315, %add3A_334 : i32
        %get3A_336 = arith.index_cast %add3A_335 : i32 to index
        %get3A_337 = tpu.vector_load %arg7[%get3A_336] {strides = array<i32>} : memref<4000xi32, #tpu.memory_space<vmem>>, vector<16xi32>,
        %get3A_338 = vector.shape_cast %get3A_337 : vector<16xi32> to vector<16xi32>
        %swap3A_339 = arith.constant 32 : index
        %swap3A_340 = tpu.vector_load %arg9[%swap3A_339] {strides = array<i32>} : memref<80xi32, #tpu.memory_space<vmem>>, vector<16xi32>,
        %swap3A_341 = vector.shape_cast %swap3A_340 : vector<16xi32> to vector<16xi32>
        %swap3A_342 = vector.shape_cast %get3A_338 : vector<16xi32> to vector<16xi32>
        tpu.vector_store %arg9[%swap3A_339], %swap3A_342 {strides = array<i32>} : memref<80xi32, #tpu.memory_space<vmem>>, vector<16xi32>,
        %add3A_343 = arith.constant 48 : i32
        %add3A_344 = arith.addi %mul3A_315, %add3A_343 : i32
        %get3A_345 = arith.index_cast %add3A_344 : i32 to index
        %get3A_346 = tpu.vector_load %arg7[%get3A_345] {strides = array<i32>} : memref<4000xi32, #tpu.memory_space<vmem>>, vector<16xi32>,
        %get3A_347 = vector.shape_cast %get3A_346 : vector<16xi32> to vector<16xi32>
        %swap3A_348 = arith.constant 48 : index
        %swap3A_349 = tpu.vector_load %arg9[%swap3A_348] {strides = array<i32>} : memref<80xi32, #tpu.memory_space<vmem>>, vector<16xi32>,
        %swap3A_350 = vector.shape_cast %swap3A_349 : vector<16xi32> to vector<16xi32>
        %swap3A_351 = vector.shape_cast %get3A_347 : vector<16xi32> to vector<16xi32>
        tpu.vector_store %arg9[%swap3A_348], %swap3A_351 {strides = array<i32>} : memref<80xi32, #tpu.memory_space<vmem>>, vector<16xi32>,
        %add3A_352 = arith.constant 64 : i32
        %add3A_353 = arith.addi %mul3A_315, %add3A_352 : i32
        %get3A_354 = arith.index_cast %add3A_353 : i32 to index
        %get3A_355 = tpu.vector_load %arg7[%get3A_354] {strides = array<i32>} : memref<4000xi32, #tpu.memory_space<vmem>>, vector<16xi32>,
        %get3A_356 = vector.shape_cast %get3A_355 : vector<16xi32> to vector<16xi32>
        %swap3A_357 = arith.constant 64 : index
        %swap3A_358 = tpu.vector_load %arg9[%swap3A_357] {strides = array<i32>} : memref<80xi32, #tpu.memory_space<vmem>>, vector<16xi32>,
        %swap3A_359 = vector.shape_cast %swap3A_358 : vector<16xi32> to vector<16xi32>
        %swap3A_360 = vector.shape_cast %get3A_356 : vector<16xi32> to vector<16xi32>
        tpu.vector_store %arg9[%swap3A_357], %swap3A_360 {strides = array<i32>} : memref<80xi32, #tpu.memory_space<vmem>>, vector<16xi32>,
        %add3A_361 = arith.constant 0 : i32
        %add3A_362 = arith.addi %mul3A_315, %add3A_361 : i32
        %get3A_363 = arith.index_cast %add3A_362 : i32 to index
        %get3A_364 = tpu.vector_load %arg8[%get3A_363] {strides = array<i32>} : memref<4000xi32, #tpu.memory_space<vmem>>, vector<16xi32>,
        %get3A_365 = vector.shape_cast %get3A_364 : vector<16xi32> to vector<16xi32>
        %swap3A_366 = arith.constant 0 : index
        %swap3A_367 = tpu.vector_load %arg12[%swap3A_366] {strides = array<i32>} : memref<80xi32, #tpu.memory_space<vmem>>, vector<16xi32>,
        %swap3A_368 = vector.shape_cast %swap3A_367 : vector<16xi32> to vector<16xi32>
        %swap3A_369 = vector.shape_cast %get3A_365 : vector<16xi32> to vector<16xi32>
        tpu.vector_store %arg12[%swap3A_366], %swap3A_369 {strides = array<i32>} : memref<80xi32, #tpu.memory_space<vmem>>, vector<16xi32>,
        %add3A_370 = arith.constant 16 : i32
        %add3A_371 = arith.addi %mul3A_315, %add3A_370 : i32
        %get3A_372 = arith.index_cast %add3A_371 : i32 to index
        %get3A_373 = tpu.vector_load %arg8[%get3A_372] {strides = array<i32>} : memref<4000xi32, #tpu.memory_space<vmem>>, vector<16xi32>,
        %get3A_374 = vector.shape_cast %get3A_373 : vector<16xi32> to vector<16xi32>
        %swap3A_375 = arith.constant 16 : index
        %swap3A_376 = tpu.vector_load %arg12[%swap3A_375] {strides = array<i32>} : memref<80xi32, #tpu.memory_space<vmem>>, vector<16xi32>,
        %swap3A_377 = vector.shape_cast %swap3A_376 : vector<16xi32> to vector<16xi32>
        %swap3A_378 = vector.shape_cast %get3A_374 : vector<16xi32> to vector<16xi32>
        tpu.vector_store %arg12[%swap3A_375], %swap3A_378 {strides = array<i32>} : memref<80xi32, #tpu.memory_space<vmem>>, vector<16xi32>,
        %add3A_379 = arith.constant 32 : i32
        %add3A_380 = arith.addi %mul3A_315, %add3A_379 : i32
        %get3A_381 = arith.index_cast %add3A_380 : i32 to index
        %get3A_382 = tpu.vector_load %arg8[%get3A_381] {strides = array<i32>} : memref<4000xi32, #tpu.memory_space<vmem>>, vector<16xi32>,
        %get3A_383 = vector.shape_cast %get3A_382 : vector<16xi32> to vector<16xi32>
        %swap3A_384 = arith.constant 32 : index
        %swap3A_385 = tpu.vector_load %arg12[%swap3A_384] {strides = array<i32>} : memref<80xi32, #tpu.memory_space<vmem>>, vector<16xi32>,
        %swap3A_386 = vector.shape_cast %swap3A_385 : vector<16xi32> to vector<16xi32>
        %swap3A_387 = vector.shape_cast %get3A_383 : vector<16xi32> to vector<16xi32>
        tpu.vector_store %arg12[%swap3A_384], %swap3A_387 {strides = array<i32>} : memref<80xi32, #tpu.memory_space<vmem>>, vector<16xi32>,
        %add3A_388 = arith.constant 48 : i32
        %add3A_389 = arith.addi %mul3A_315, %add3A_388 : i32
        %get3A_390 = arith.index_cast %add3A_389 : i32 to index
        %get3A_391 = tpu.vector_load %arg8[%get3A_390] {strides = array<i32>} : memref<4000xi32, #tpu.memory_space<vmem>>, vector<16xi32>,
        %get3A_392 = vector.shape_cast %get3A_391 : vector<16xi32> to vector<16xi32>
        %swap3A_393 = arith.constant 48 : index
        %swap3A_394 = tpu.vector_load %arg12[%swap3A_393] {strides = array<i32>} : memref<80xi32, #tpu.memory_space<vmem>>, vector<16xi32>,
        %swap3A_395 = vector.shape_cast %swap3A_394 : vector<16xi32> to vector<16xi32>
        %swap3A_396 = vector.shape_cast %get3A_392 : vector<16xi32> to vector<16xi32>
        tpu.vector_store %arg12[%swap3A_393], %swap3A_396 {strides = array<i32>} : memref<80xi32, #tpu.memory_space<vmem>>, vector<16xi32>,
        %add3A_397 = arith.constant 64 : i32
        %add3A_398 = arith.addi %mul3A_315, %add3A_397 : i32
        %get3A_399 = arith.index_cast %add3A_398 : i32 to index
        %get3A_400 = tpu.vector_load %arg8[%get3A_399] {strides = array<i32>} : memref<4000xi32, #tpu.memory_space<vmem>>, vector<16xi32>,
        %get3A_401 = vector.shape_cast %get3A_400 : vector<16xi32> to vector<16xi32>
        %swap3A_402 = arith.constant 64 : index
        %swap3A_403 = tpu.vector_load %arg12[%swap3A_402] {strides = array<i32>} : memref<80xi32, #tpu.memory_space<vmem>>, vector<16xi32>,
        %swap3A_404 = vector.shape_cast %swap3A_403 : vector<16xi32> to vector<16xi32>
        %swap3A_405 = vector.shape_cast %get3A_401 : vector<16xi32> to vector<16xi32>
        tpu.vector_store %arg12[%swap3A_402], %swap3A_405 {strides = array<i32>} : memref<80xi32, #tpu.memory_space<vmem>>, vector<16xi32>,
        %eq3A_406 = arith.constant 0 : i32
        %eq3A_407 = arith.cmpi eq, %arg0, %eq3A_406 : i32
        %convert_element_type3A_408 = arith.extui %eq3A_407 : i1 to i32
        %cond3A_409 = arith.constant 0 : i32
        %cond3A_410 = arith.cmpi ne, %convert_element_type3A_408, %cond3A_409 : i32
        scf.if %cond3A_410 {
          %dma_start3A_416 = arith.constant 0 : i32
          %dma_start3A_417 = arith.constant 0 : i32
          %dma_start3A_418 = tpu.memref_slice %arg4[%dma_start3A_416, %dma_start3A_417] : memref<10000x128xf32, #tpu.memory_space<hbm>> -> memref<10000x128xf32, #tpu.memory_space<hbm>>
          tpu.enqueue_indirect_dma source(%dma_start3A_418 : memref<10000x128xf32, #tpu.memory_space<hbm>>) target(%arg15 : memref<80x128xf32, #tpu.memory_space<vmem>>) offsets(%arg9 : memref<80xi32, #tpu.memory_space<vmem>>) semaphore(%arg19 : memref<!tpu.dma_semaphore, #tpu.memory_space<semaphore_mem>>)
        } else {
        }
        %eq3A_411 = arith.constant 1 : i32
        %eq3A_412 = arith.cmpi eq, %arg0, %eq3A_411 : i32
        %convert_element_type3A_413 = arith.extui %eq3A_412 : i1 to i32
        %cond3A_414 = arith.constant 0 : i32
        %cond3A_415 = arith.cmpi ne, %convert_element_type3A_413, %cond3A_414 : i32
        scf.if %cond3A_415 {
          %dma_start3A_416 = arith.constant 0 : i32
          %dma_start3A_417 = arith.constant 0 : i32
          %dma_start3A_418 = tpu.memref_slice %arg5[%dma_start3A_416, %dma_start3A_417] : memref<10000x128xf32, #tpu.memory_space<hbm>> -> memref<10000x128xf32, #tpu.memory_space<hbm>>
          tpu.enqueue_indirect_dma source(%dma_start3A_418 : memref<10000x128xf32, #tpu.memory_space<hbm>>) target(%arg15 : memref<80x128xf32, #tpu.memory_space<vmem>>) offsets(%arg9 : memref<80xi32, #tpu.memory_space<vmem>>) semaphore(%arg19 : memref<!tpu.dma_semaphore, #tpu.memory_space<semaphore_mem>>)
        } else {
        }
      } else {
      }
      %mul3A_259 = arith.constant 3 : i32
      %mul3A_260 = arith.muli %scan3A_215, %mul3A_259 : i32
      %add3A_261 = arith.constant 2 : i32
      %add3A_262 = arith.addi %mul3A_260, %add3A_261 : i32
      %dma_wait3A_263 = arith.constant 0 : i32
      %dma_wait3A_264 = arith.constant 0 : i32
      %dma_wait3A_265 = tpu.memref_slice %arg4[%dma_wait3A_263, %dma_wait3A_264] : memref<10000x128xf32, #tpu.memory_space<hbm>> -> memref<10000x128xf32, #tpu.memory_space<hbm>>
      tpu.wait_indirect_dma semaphore(%arg21 : memref<!tpu.dma_semaphore, #tpu.memory_space<semaphore_mem>>) src(%dma_wait3A_265 : memref<10000x128xf32, #tpu.memory_space<hbm>>) dst(%arg17 : memref<80x128xf32, #tpu.memory_space<vmem>>)
      %ge3A_266 = arith.constant 1 : i32
      %ge3A_267 = arith.cmpi sge, %add3A_262, %ge3A_266 : i32
      %convert_element_type3A_268 = arith.extui %ge3A_267 : i1 to i32
      %cond3A_269 = arith.constant 0 : i32
      %cond3A_270 = arith.cmpi ne, %convert_element_type3A_268, %cond3A_269 : i32
      scf.if %cond3A_270 {
        %dma_wait3A_281 = arith.constant 0 : i32
        %dma_wait3A_282 = arith.constant 0 : i32
        %dma_wait3A_283 = tpu.memref_slice %arg18[%dma_wait3A_281, %dma_wait3A_282] : memref<10000x128xf32, #tpu.memory_space<vmem_shared>> -> memref<10000x128xf32, #tpu.memory_space<vmem_shared>>
        tpu.wait_indirect_dma semaphore(%arg23 : memref<!tpu.dma_semaphore, #tpu.memory_space<semaphore_mem>>) src(%arg16 : memref<80x128xf32, #tpu.memory_space<vmem>>) dst(%dma_wait3A_283 : memref<10000x128xf32, #tpu.memory_space<vmem_shared>>)
      } else {
      }
      %dma_start3A_271 = arith.constant 0 : i32
      %dma_start3A_272 = arith.constant 0 : i32
      %dma_start3A_273 = tpu.memref_slice %arg18[%dma_start3A_271, %dma_start3A_272] : memref<10000x128xf32, #tpu.memory_space<vmem_shared>> -> memref<10000x128xf32, #tpu.memory_space<vmem_shared>>
      tpu.enqueue_indirect_dma source(%arg17 : memref<80x128xf32, #tpu.memory_space<vmem>>) target(%dma_start3A_273 : memref<10000x128xf32, #tpu.memory_space<vmem_shared>>) offsets(%arg14 : memref<80xi32, #tpu.memory_space<vmem>>) semaphore(%arg24 : memref<!tpu.dma_semaphore, #tpu.memory_space<semaphore_mem>>) {add = true}
      %add3A_274 = arith.constant 2 : i32
      %add3A_275 = arith.addi %add3A_262, %add3A_274 : i32
      %lt3A_276 = arith.constant 250 : i32
      %lt3A_277 = arith.cmpi slt, %add3A_275, %lt3A_276 : i32
      %convert_element_type3A_278 = arith.extui %lt3A_277 : i1 to i32
      %cond3A_279 = arith.constant 0 : i32
      %cond3A_280 = arith.cmpi ne, %convert_element_type3A_278, %cond3A_279 : i32
      scf.if %cond3A_280 {
        %jit3A = arith.constant 50 : i32
        %eq3A_281 = arith.constant 0 : i32
        %eq3A_282 = arith.cmpi eq, %jit3A, %eq3A_281 : i32
        %jit3A_283 = arith.constant 1 : i32
        %select_n3A = arith.select %eq3A_282, %jit3A_283, %jit3A : i32
        %rem3A = arith.remsi %add3A_275, %select_n3A : i32
        %ne3A = arith.constant 0 : i32
        %ne3A_284 = arith.cmpi ne, %rem3A, %ne3A : i32
        %lt3A_285 = arith.constant 0 : i32
        %lt3A_286 = arith.cmpi slt, %rem3A, %lt3A_285 : i32
        %lt3A_287 = arith.constant 0 : i32
        %lt3A_288 = arith.cmpi slt, %select_n3A, %lt3A_287 : i32
        %ne3A_289 = arith.xori %lt3A_286, %lt3A_288 : i1
        %and3A_290 = arith.andi %ne3A_289, %ne3A_284 : i1
        %add3A_291 = arith.addi %rem3A, %select_n3A : i32
        %select_n3A_292 = arith.select %and3A_290, %add3A_291, %rem3A : i32
        %eq3A_293 = arith.constant 0 : i32
        %eq3A_294 = arith.cmpi eq, %select_n3A_292, %eq3A_293 : i32
        %convert_element_type3A_295 = arith.extui %eq3A_294 : i1 to i32
        %cond3A_296 = arith.constant 0 : i32
        %cond3A_297 = arith.cmpi ne, %convert_element_type3A_295, %cond3A_296 : i32
        scf.if %cond3A_297 {
          %jit3A_416 = arith.constant 50 : i32
          %div3A = arith.divsi %add3A_275, %jit3A_416 : i32
          %sign3A = arith.constant 0 : i32
          %sign3A_417 = arith.cmpi sgt, %add3A_275, %sign3A : i32
          %sign3A_418 = arith.extui %sign3A_417 : i1 to i32
          %sign3A_419 = arith.constant 0 : i32
          %sign3A_420 = arith.cmpi slt, %add3A_275, %sign3A_419 : i32
          %sign3A_421 = arith.extui %sign3A_420 : i1 to i32
          %sign3A_422 = arith.subi %sign3A_418, %sign3A_421 : i32
          %sign3A_423 = arith.constant 0 : i32
          %sign3A_424 = arith.cmpi sgt, %jit3A_416, %sign3A_423 : i32
          %sign3A_425 = arith.extui %sign3A_424 : i1 to i32
          %sign3A_426 = arith.constant 0 : i32
          %sign3A_427 = arith.cmpi slt, %jit3A_416, %sign3A_426 : i32
          %sign3A_428 = arith.extui %sign3A_427 : i1 to i32
          %sign3A_429 = arith.subi %sign3A_425, %sign3A_428 : i32
          %ne3A_430 = arith.cmpi ne, %sign3A_422, %sign3A_429 : i32
          %rem3A_431 = arith.remsi %add3A_275, %jit3A_416 : i32
          %ne3A_432 = arith.constant 0 : i32
          %ne3A_433 = arith.cmpi ne, %rem3A_431, %ne3A_432 : i32
          %and3A_434 = arith.andi %ne3A_430, %ne3A_433 : i1
          %sub3A = arith.constant 1 : i32
          %sub3A_435 = arith.subi %div3A, %sub3A : i32
          %select_n3A_436 = arith.select %and3A_434, %sub3A_435, %div3A : i32
          %mul3A_437 = arith.constant 20000 : i32
          %mul3A_438 = arith.muli %arg1, %mul3A_437 : i32
          %mul3A_439 = arith.constant 4000 : i32
          %mul3A_440 = arith.muli %select_n3A_436, %mul3A_439 : i32
          %add3A_441 = arith.addi %mul3A_438, %mul3A_440 : i32
          "tpu.region"() ({
            %run_scoped3A = tpu.sem_alloc : memref<!tpu.dma_semaphore, #tpu.memory_space<semaphore_mem>>
            %dma_start3A_442 = tpu.memref_slice %arg2[%add3A_441] : memref<320000xi32, #tpu.memory_space<hbm>> -> memref<4000xi32, #tpu.memory_space<hbm>>
            %dma_start3A_443 = tpu.memref_slice %arg2[%add3A_441] : memref<320000xi32, #tpu.memory_space<hbm>> -> memref<4000xi32, #tpu.memory_space<hbm>>
            tpu.enqueue_dma source(%dma_start3A_443 : memref<4000xi32, #tpu.memory_space<hbm>>) target(%arg7 : memref<4000xi32, #tpu.memory_space<vmem>>) target_semaphore(%run_scoped3A : memref<!tpu.dma_semaphore, #tpu.memory_space<semaphore_mem>>)
            %dma_wait3A_444 = tpu.memref_slice %arg2[%add3A_441] : memref<320000xi32, #tpu.memory_space<hbm>> -> memref<4000xi32, #tpu.memory_space<hbm>>
            %dma_wait3A_445 = tpu.memref_slice %arg2[%add3A_441] : memref<320000xi32, #tpu.memory_space<hbm>> -> memref<4000xi32, #tpu.memory_space<hbm>>
            tpu.wait_dma2 semaphore(%run_scoped3A : memref<!tpu.dma_semaphore, #tpu.memory_space<semaphore_mem>>) src(%dma_wait3A_445 : memref<4000xi32, #tpu.memory_space<hbm>>) dst(%arg7 : memref<4000xi32, #tpu.memory_space<vmem>>)
            tpu.yield
          }) : () -> ()
          "tpu.region"() ({
            %run_scoped3A = tpu.sem_alloc : memref<!tpu.dma_semaphore, #tpu.memory_space<semaphore_mem>>
            %dma_start3A_442 = tpu.memref_slice %arg3[%add3A_441] : memref<320000xi32, #tpu.memory_space<hbm>> -> memref<4000xi32, #tpu.memory_space<hbm>>
            %dma_start3A_443 = tpu.memref_slice %arg3[%add3A_441] : memref<320000xi32, #tpu.memory_space<hbm>> -> memref<4000xi32, #tpu.memory_space<hbm>>
            tpu.enqueue_dma source(%dma_start3A_443 : memref<4000xi32, #tpu.memory_space<hbm>>) target(%arg8 : memref<4000xi32, #tpu.memory_space<vmem>>) target_semaphore(%run_scoped3A : memref<!tpu.dma_semaphore, #tpu.memory_space<semaphore_mem>>)
            %dma_wait3A_444 = tpu.memref_slice %arg3[%add3A_441] : memref<320000xi32, #tpu.memory_space<hbm>> -> memref<4000xi32, #tpu.memory_space<hbm>>
            %dma_wait3A_445 = tpu.memref_slice %arg3[%add3A_441] : memref<320000xi32, #tpu.memory_space<hbm>> -> memref<4000xi32, #tpu.memory_space<hbm>>
            tpu.wait_dma2 semaphore(%run_scoped3A : memref<!tpu.dma_semaphore, #tpu.memory_space<semaphore_mem>>) src(%dma_wait3A_445 : memref<4000xi32, #tpu.memory_space<hbm>>) dst(%arg8 : memref<4000xi32, #tpu.memory_space<vmem>>)
            tpu.yield
          }) : () -> ()
        } else {
        }
        %jit3A_298 = arith.constant 50 : i32
        %eq3A_299 = arith.constant 0 : i32
        %eq3A_300 = arith.cmpi eq, %jit3A_298, %eq3A_299 : i32
        %jit3A_301 = arith.constant 1 : i32
        %select_n3A_302 = arith.select %eq3A_300, %jit3A_301, %jit3A_298 : i32
        %rem3A_303 = arith.remsi %add3A_275, %select_n3A_302 : i32
        %ne3A_304 = arith.constant 0 : i32
        %ne3A_305 = arith.cmpi ne, %rem3A_303, %ne3A_304 : i32
        %lt3A_306 = arith.constant 0 : i32
        %lt3A_307 = arith.cmpi slt, %rem3A_303, %lt3A_306 : i32
        %lt3A_308 = arith.constant 0 : i32
        %lt3A_309 = arith.cmpi slt, %select_n3A_302, %lt3A_308 : i32
        %ne3A_310 = arith.xori %lt3A_307, %lt3A_309 : i1
        %and3A_311 = arith.andi %ne3A_310, %ne3A_305 : i1
        %add3A_312 = arith.addi %rem3A_303, %select_n3A_302 : i32
        %select_n3A_313 = arith.select %and3A_311, %add3A_312, %rem3A_303 : i32
        %mul3A_314 = arith.constant 80 : i32
        %mul3A_315 = arith.muli %select_n3A_313, %mul3A_314 : i32
        %add3A_316 = arith.constant 0 : i32
        %add3A_317 = arith.addi %mul3A_315, %add3A_316 : i32
        %get3A_318 = arith.index_cast %add3A_317 : i32 to index
        %get3A_319 = tpu.vector_load %arg7[%get3A_318] {strides = array<i32>} : memref<4000xi32, #tpu.memory_space<vmem>>, vector<16xi32>,
        %get3A_320 = vector.shape_cast %get3A_319 : vector<16xi32> to vector<16xi32>
        %swap3A_321 = arith.constant 0 : index
        %swap3A_322 = tpu.vector_load %arg10[%swap3A_321] {strides = array<i32>} : memref<80xi32, #tpu.memory_space<vmem>>, vector<16xi32>,
        %swap3A_323 = vector.shape_cast %swap3A_322 : vector<16xi32> to vector<16xi32>
        %swap3A_324 = vector.shape_cast %get3A_320 : vector<16xi32> to vector<16xi32>
        tpu.vector_store %arg10[%swap3A_321], %swap3A_324 {strides = array<i32>} : memref<80xi32, #tpu.memory_space<vmem>>, vector<16xi32>,
        %add3A_325 = arith.constant 16 : i32
        %add3A_326 = arith.addi %mul3A_315, %add3A_325 : i32
        %get3A_327 = arith.index_cast %add3A_326 : i32 to index
        %get3A_328 = tpu.vector_load %arg7[%get3A_327] {strides = array<i32>} : memref<4000xi32, #tpu.memory_space<vmem>>, vector<16xi32>,
        %get3A_329 = vector.shape_cast %get3A_328 : vector<16xi32> to vector<16xi32>
        %swap3A_330 = arith.constant 16 : index
        %swap3A_331 = tpu.vector_load %arg10[%swap3A_330] {strides = array<i32>} : memref<80xi32, #tpu.memory_space<vmem>>, vector<16xi32>,
        %swap3A_332 = vector.shape_cast %swap3A_331 : vector<16xi32> to vector<16xi32>
        %swap3A_333 = vector.shape_cast %get3A_329 : vector<16xi32> to vector<16xi32>
        tpu.vector_store %arg10[%swap3A_330], %swap3A_333 {strides = array<i32>} : memref<80xi32, #tpu.memory_space<vmem>>, vector<16xi32>,
        %add3A_334 = arith.constant 32 : i32
        %add3A_335 = arith.addi %mul3A_315, %add3A_334 : i32
        %get3A_336 = arith.index_cast %add3A_335 : i32 to index
        %get3A_337 = tpu.vector_load %arg7[%get3A_336] {strides = array<i32>} : memref<4000xi32, #tpu.memory_space<vmem>>, vector<16xi32>,
        %get3A_338 = vector.shape_cast %get3A_337 : vector<16xi32> to vector<16xi32>
        %swap3A_339 = arith.constant 32 : index
        %swap3A_340 = tpu.vector_load %arg10[%swap3A_339] {strides = array<i32>} : memref<80xi32, #tpu.memory_space<vmem>>, vector<16xi32>,
        %swap3A_341 = vector.shape_cast %swap3A_340 : vector<16xi32> to vector<16xi32>
        %swap3A_342 = vector.shape_cast %get3A_338 : vector<16xi32> to vector<16xi32>
        tpu.vector_store %arg10[%swap3A_339], %swap3A_342 {strides = array<i32>} : memref<80xi32, #tpu.memory_space<vmem>>, vector<16xi32>,
        %add3A_343 = arith.constant 48 : i32
        %add3A_344 = arith.addi %mul3A_315, %add3A_343 : i32
        %get3A_345 = arith.index_cast %add3A_344 : i32 to index
        %get3A_346 = tpu.vector_load %arg7[%get3A_345] {strides = array<i32>} : memref<4000xi32, #tpu.memory_space<vmem>>, vector<16xi32>,
        %get3A_347 = vector.shape_cast %get3A_346 : vector<16xi32> to vector<16xi32>
        %swap3A_348 = arith.constant 48 : index
        %swap3A_349 = tpu.vector_load %arg10[%swap3A_348] {strides = array<i32>} : memref<80xi32, #tpu.memory_space<vmem>>, vector<16xi32>,
        %swap3A_350 = vector.shape_cast %swap3A_349 : vector<16xi32> to vector<16xi32>
        %swap3A_351 = vector.shape_cast %get3A_347 : vector<16xi32> to vector<16xi32>
        tpu.vector_store %arg10[%swap3A_348], %swap3A_351 {strides = array<i32>} : memref<80xi32, #tpu.memory_space<vmem>>, vector<16xi32>,
        %add3A_352 = arith.constant 64 : i32
        %add3A_353 = arith.addi %mul3A_315, %add3A_352 : i32
        %get3A_354 = arith.index_cast %add3A_353 : i32 to index
        %get3A_355 = tpu.vector_load %arg7[%get3A_354] {strides = array<i32>} : memref<4000xi32, #tpu.memory_space<vmem>>, vector<16xi32>,
        %get3A_356 = vector.shape_cast %get3A_355 : vector<16xi32> to vector<16xi32>
        %swap3A_357 = arith.constant 64 : index
        %swap3A_358 = tpu.vector_load %arg10[%swap3A_357] {strides = array<i32>} : memref<80xi32, #tpu.memory_space<vmem>>, vector<16xi32>,
        %swap3A_359 = vector.shape_cast %swap3A_358 : vector<16xi32> to vector<16xi32>
        %swap3A_360 = vector.shape_cast %get3A_356 : vector<16xi32> to vector<16xi32>
        tpu.vector_store %arg10[%swap3A_357], %swap3A_360 {strides = array<i32>} : memref<80xi32, #tpu.memory_space<vmem>>, vector<16xi32>,
        %add3A_361 = arith.constant 0 : i32
        %add3A_362 = arith.addi %mul3A_315, %add3A_361 : i32
        %get3A_363 = arith.index_cast %add3A_362 : i32 to index
        %get3A_364 = tpu.vector_load %arg8[%get3A_363] {strides = array<i32>} : memref<4000xi32, #tpu.memory_space<vmem>>, vector<16xi32>,
        %get3A_365 = vector.shape_cast %get3A_364 : vector<16xi32> to vector<16xi32>
        %swap3A_366 = arith.constant 0 : index
        %swap3A_367 = tpu.vector_load %arg13[%swap3A_366] {strides = array<i32>} : memref<80xi32, #tpu.memory_space<vmem>>, vector<16xi32>,
        %swap3A_368 = vector.shape_cast %swap3A_367 : vector<16xi32> to vector<16xi32>
        %swap3A_369 = vector.shape_cast %get3A_365 : vector<16xi32> to vector<16xi32>
        tpu.vector_store %arg13[%swap3A_366], %swap3A_369 {strides = array<i32>} : memref<80xi32, #tpu.memory_space<vmem>>, vector<16xi32>,
        %add3A_370 = arith.constant 16 : i32
        %add3A_371 = arith.addi %mul3A_315, %add3A_370 : i32
        %get3A_372 = arith.index_cast %add3A_371 : i32 to index
        %get3A_373 = tpu.vector_load %arg8[%get3A_372] {strides = array<i32>} : memref<4000xi32, #tpu.memory_space<vmem>>, vector<16xi32>,
        %get3A_374 = vector.shape_cast %get3A_373 : vector<16xi32> to vector<16xi32>
        %swap3A_375 = arith.constant 16 : index
        %swap3A_376 = tpu.vector_load %arg13[%swap3A_375] {strides = array<i32>} : memref<80xi32, #tpu.memory_space<vmem>>, vector<16xi32>,
        %swap3A_377 = vector.shape_cast %swap3A_376 : vector<16xi32> to vector<16xi32>
        %swap3A_378 = vector.shape_cast %get3A_374 : vector<16xi32> to vector<16xi32>
        tpu.vector_store %arg13[%swap3A_375], %swap3A_378 {strides = array<i32>} : memref<80xi32, #tpu.memory_space<vmem>>, vector<16xi32>,
        %add3A_379 = arith.constant 32 : i32
        %add3A_380 = arith.addi %mul3A_315, %add3A_379 : i32
        %get3A_381 = arith.index_cast %add3A_380 : i32 to index
        %get3A_382 = tpu.vector_load %arg8[%get3A_381] {strides = array<i32>} : memref<4000xi32, #tpu.memory_space<vmem>>, vector<16xi32>,
        %get3A_383 = vector.shape_cast %get3A_382 : vector<16xi32> to vector<16xi32>
        %swap3A_384 = arith.constant 32 : index
        %swap3A_385 = tpu.vector_load %arg13[%swap3A_384] {strides = array<i32>} : memref<80xi32, #tpu.memory_space<vmem>>, vector<16xi32>,
        %swap3A_386 = vector.shape_cast %swap3A_385 : vector<16xi32> to vector<16xi32>
        %swap3A_387 = vector.shape_cast %get3A_383 : vector<16xi32> to vector<16xi32>
        tpu.vector_store %arg13[%swap3A_384], %swap3A_387 {strides = array<i32>} : memref<80xi32, #tpu.memory_space<vmem>>, vector<16xi32>,
        %add3A_388 = arith.constant 48 : i32
        %add3A_389 = arith.addi %mul3A_315, %add3A_388 : i32
        %get3A_390 = arith.index_cast %add3A_389 : i32 to index
        %get3A_391 = tpu.vector_load %arg8[%get3A_390] {strides = array<i32>} : memref<4000xi32, #tpu.memory_space<vmem>>, vector<16xi32>,
        %get3A_392 = vector.shape_cast %get3A_391 : vector<16xi32> to vector<16xi32>
        %swap3A_393 = arith.constant 48 : index
        %swap3A_394 = tpu.vector_load %arg13[%swap3A_393] {strides = array<i32>} : memref<80xi32, #tpu.memory_space<vmem>>, vector<16xi32>,
        %swap3A_395 = vector.shape_cast %swap3A_394 : vector<16xi32> to vector<16xi32>
        %swap3A_396 = vector.shape_cast %get3A_392 : vector<16xi32> to vector<16xi32>
        tpu.vector_store %arg13[%swap3A_393], %swap3A_396 {strides = array<i32>} : memref<80xi32, #tpu.memory_space<vmem>>, vector<16xi32>,
        %add3A_397 = arith.constant 64 : i32
        %add3A_398 = arith.addi %mul3A_315, %add3A_397 : i32
        %get3A_399 = arith.index_cast %add3A_398 : i32 to index
        %get3A_400 = tpu.vector_load %arg8[%get3A_399] {strides = array<i32>} : memref<4000xi32, #tpu.memory_space<vmem>>, vector<16xi32>,
        %get3A_401 = vector.shape_cast %get3A_400 : vector<16xi32> to vector<16xi32>
        %swap3A_402 = arith.constant 64 : index
        %swap3A_403 = tpu.vector_load %arg13[%swap3A_402] {strides = array<i32>} : memref<80xi32, #tpu.memory_space<vmem>>, vector<16xi32>,
        %swap3A_404 = vector.shape_cast %swap3A_403 : vector<16xi32> to vector<16xi32>
        %swap3A_405 = vector.shape_cast %get3A_401 : vector<16xi32> to vector<16xi32>
        tpu.vector_store %arg13[%swap3A_402], %swap3A_405 {strides = array<i32>} : memref<80xi32, #tpu.memory_space<vmem>>, vector<16xi32>,
        %eq3A_406 = arith.constant 0 : i32
        %eq3A_407 = arith.cmpi eq, %arg0, %eq3A_406 : i32
        %convert_element_type3A_408 = arith.extui %eq3A_407 : i1 to i32
        %cond3A_409 = arith.constant 0 : i32
        %cond3A_410 = arith.cmpi ne, %convert_element_type3A_408, %cond3A_409 : i32
        scf.if %cond3A_410 {
          %dma_start3A_416 = arith.constant 0 : i32
          %dma_start3A_417 = arith.constant 0 : i32
          %dma_start3A_418 = tpu.memref_slice %arg4[%dma_start3A_416, %dma_start3A_417] : memref<10000x128xf32, #tpu.memory_space<hbm>> -> memref<10000x128xf32, #tpu.memory_space<hbm>>
          tpu.enqueue_indirect_dma source(%dma_start3A_418 : memref<10000x128xf32, #tpu.memory_space<hbm>>) target(%arg16 : memref<80x128xf32, #tpu.memory_space<vmem>>) offsets(%arg10 : memref<80xi32, #tpu.memory_space<vmem>>) semaphore(%arg20 : memref<!tpu.dma_semaphore, #tpu.memory_space<semaphore_mem>>)
        } else {
        }
        %eq3A_411 = arith.constant 1 : i32
        %eq3A_412 = arith.cmpi eq, %arg0, %eq3A_411 : i32
        %convert_element_type3A_413 = arith.extui %eq3A_412 : i1 to i32
        %cond3A_414 = arith.constant 0 : i32
        %cond3A_415 = arith.cmpi ne, %convert_element_type3A_413, %cond3A_414 : i32
        scf.if %cond3A_415 {
          %dma_start3A_416 = arith.constant 0 : i32
          %dma_start3A_417 = arith.constant 0 : i32
          %dma_start3A_418 = tpu.memref_slice %arg5[%dma_start3A_416, %dma_start3A_417] : memref<10000x128xf32, #tpu.memory_space<hbm>> -> memref<10000x128xf32, #tpu.memory_space<hbm>>
          tpu.enqueue_indirect_dma source(%dma_start3A_418 : memref<10000x128xf32, #tpu.memory_space<hbm>>) target(%arg16 : memref<80x128xf32, #tpu.memory_space<vmem>>) offsets(%arg10 : memref<80xi32, #tpu.memory_space<vmem>>) semaphore(%arg20 : memref<!tpu.dma_semaphore, #tpu.memory_space<semaphore_mem>>)
        } else {
        }
      } else {
      }
    }
    %scan3A_193 = arith.constant 83 : i32
    %dma_wait3A = arith.constant 0 : i32
    %dma_wait3A_194 = arith.constant 0 : i32
    %dma_wait3A_195 = tpu.memref_slice %arg4[%dma_wait3A, %dma_wait3A_194] : memref<10000x128xf32, #tpu.memory_space<hbm>> -> memref<10000x128xf32, #tpu.memory_space<hbm>>
    tpu.wait_indirect_dma semaphore(%arg19 : memref<!tpu.dma_semaphore, #tpu.memory_space<semaphore_mem>>) src(%dma_wait3A_195 : memref<10000x128xf32, #tpu.memory_space<hbm>>) dst(%arg15 : memref<80x128xf32, #tpu.memory_space<vmem>>)
    %dma_wait3A_196 = arith.constant 0 : i32
    %dma_wait3A_197 = arith.constant 0 : i32
    %dma_wait3A_198 = tpu.memref_slice %arg18[%dma_wait3A_196, %dma_wait3A_197] : memref<10000x128xf32, #tpu.memory_space<vmem_shared>> -> memref<10000x128xf32, #tpu.memory_space<vmem_shared>>
    tpu.wait_indirect_dma semaphore(%arg24 : memref<!tpu.dma_semaphore, #tpu.memory_space<semaphore_mem>>) src(%arg17 : memref<80x128xf32, #tpu.memory_space<vmem>>) dst(%dma_wait3A_198 : memref<10000x128xf32, #tpu.memory_space<vmem_shared>>)
    %dma_start3A = arith.constant 0 : i32
    %dma_start3A_199 = arith.constant 0 : i32
    %dma_start3A_200 = tpu.memref_slice %arg18[%dma_start3A, %dma_start3A_199] : memref<10000x128xf32, #tpu.memory_space<vmem_shared>> -> memref<10000x128xf32, #tpu.memory_space<vmem_shared>>
    tpu.enqueue_indirect_dma source(%arg15 : memref<80x128xf32, #tpu.memory_space<vmem>>) target(%dma_start3A_200 : memref<10000x128xf32, #tpu.memory_space<vmem_shared>>) offsets(%arg12 : memref<80xi32, #tpu.memory_space<vmem>>) semaphore(%arg22 : memref<!tpu.dma_semaphore, #tpu.memory_space<semaphore_mem>>) {add = true}
    %dma_wait3A_201 = arith.constant 0 : i32
    %dma_wait3A_202 = arith.constant 0 : i32
    %dma_wait3A_203 = tpu.memref_slice %arg18[%dma_wait3A_201, %dma_wait3A_202] : memref<10000x128xf32, #tpu.memory_space<vmem_shared>> -> memref<10000x128xf32, #tpu.memory_space<vmem_shared>>
    tpu.wait_indirect_dma semaphore(%arg22 : memref<!tpu.dma_semaphore, #tpu.memory_space<semaphore_mem>>) src(%arg15 : memref<80x128xf32, #tpu.memory_space<vmem>>) dst(%dma_wait3A_203 : memref<10000x128xf32, #tpu.memory_space<vmem_shared>>)
    %barrier3A_204 = arith.constant 0 : index
    tpu.barrier barrier_id(%barrier3A_204)
    %lt3A_205 = arith.constant 15 : i32
    %lt3A_206 = arith.cmpi slt, %arg1, %lt3A_205 : i32
    %convert_element_type3A_207 = arith.extui %lt3A_206 : i1 to i32
    %cond3A_208 = arith.constant 0 : i32
    %cond3A_209 = arith.cmpi ne, %convert_element_type3A_207, %cond3A_208 : i32
    scf.if %cond3A_209 {
      "tpu.region"() ({
        %run_scoped3A = tpu.sem_alloc : memref<!tpu.dma_semaphore, #tpu.memory_space<semaphore_mem>>
        %dma_start3A_215 = arith.constant 0 : i32
        %dma_start3A_216 = tpu.memref_slice %arg6[%arg0, %mul3A_0, %dma_start3A_215] : memref<2x10240x128xf32, #tpu.memory_space<hbm>> -> memref<1x640x128xf32, #tpu.memory_space<hbm>>
        %dma_start3A_217 = tpu.memref_squeeze %dma_start3A_216 : memref<1x640x128xf32, #tpu.memory_space<hbm>> -> memref<640x128xf32, #tpu.memory_space<hbm>>
        %dma_start3A_218 = arith.constant 0 : i32
        %dma_start3A_219 = tpu.memref_slice %arg18[%mul3A_0, %dma_start3A_218] : memref<10000x128xf32, #tpu.memory_space<vmem_shared>> -> memref<640x128xf32, #tpu.memory_space<vmem_shared>>
        tpu.enqueue_dma source(%dma_start3A_219 : memref<640x128xf32, #tpu.memory_space<vmem_shared>>) target(%dma_start3A_217 : memref<640x128xf32, #tpu.memory_space<hbm>>) target_semaphore(%run_scoped3A : memref<!tpu.dma_semaphore, #tpu.memory_space<semaphore_mem>>)
        %dma_wait3A_220 = arith.constant 0 : i32
        %dma_wait3A_221 = tpu.memref_slice %arg6[%arg0, %mul3A_0, %dma_wait3A_220] : memref<2x10240x128xf32, #tpu.memory_space<hbm>> -> memref<1x640x128xf32, #tpu.memory_space<hbm>>
        %dma_wait3A_222 = tpu.memref_squeeze %dma_wait3A_221 : memref<1x640x128xf32, #tpu.memory_space<hbm>> -> memref<640x128xf32, #tpu.memory_space<hbm>>
        %dma_wait3A_223 = arith.constant 0 : i32
        %dma_wait3A_224 = tpu.memref_slice %arg18[%mul3A_0, %dma_wait3A_223] : memref<10000x128xf32, #tpu.memory_space<vmem_shared>> -> memref<640x128xf32, #tpu.memory_space<vmem_shared>>
        tpu.wait_dma2 semaphore(%run_scoped3A : memref<!tpu.dma_semaphore, #tpu.memory_space<semaphore_mem>>) src(%dma_wait3A_224 : memref<640x128xf32, #tpu.memory_space<vmem_shared>>) dst(%dma_wait3A_222 : memref<640x128xf32, #tpu.memory_space<hbm>>)
        tpu.yield
      }) : () -> ()
    } else {
    }
    %eq3A_210 = arith.constant 15 : i32
    %eq3A_211 = arith.cmpi eq, %arg1, %eq3A_210 : i32
    %convert_element_type3A_212 = arith.extui %eq3A_211 : i1 to i32
    %cond3A_213 = arith.constant 0 : i32
    %cond3A_214 = arith.cmpi ne, %convert_element_type3A_212, %cond3A_213 : i32
    scf.if %cond3A_214 {
      "tpu.region"() ({
        %run_scoped3A = tpu.sem_alloc : memref<!tpu.dma_semaphore, #tpu.memory_space<semaphore_mem>>
        %dma_start3A_215 = arith.constant 9600 : i32
        %dma_start3A_216 = arith.constant 0 : i32
        %dma_start3A_217 = tpu.memref_slice %arg6[%arg0, %dma_start3A_215, %dma_start3A_216] : memref<2x10240x128xf32, #tpu.memory_space<hbm>> -> memref<1x400x128xf32, #tpu.memory_space<hbm>>
        %dma_start3A_218 = tpu.memref_squeeze %dma_start3A_217 : memref<1x400x128xf32, #tpu.memory_space<hbm>> -> memref<400x128xf32, #tpu.memory_space<hbm>>
        %dma_start3A_219 = arith.constant 9600 : i32
        %dma_start3A_220 = arith.constant 0 : i32
        %dma_start3A_221 = tpu.memref_slice %arg18[%dma_start3A_219, %dma_start3A_220] : memref<10000x128xf32, #tpu.memory_space<vmem_shared>> -> memref<400x128xf32, #tpu.memory_space<vmem_shared>>
        tpu.enqueue_dma source(%dma_start3A_221 : memref<400x128xf32, #tpu.memory_space<vmem_shared>>) target(%dma_start3A_218 : memref<400x128xf32, #tpu.memory_space<hbm>>) target_semaphore(%run_scoped3A : memref<!tpu.dma_semaphore, #tpu.memory_space<semaphore_mem>>)
        %dma_wait3A_222 = arith.constant 9600 : i32
        %dma_wait3A_223 = arith.constant 0 : i32
        %dma_wait3A_224 = tpu.memref_slice %arg6[%arg0, %dma_wait3A_222, %dma_wait3A_223] : memref<2x10240x128xf32, #tpu.memory_space<hbm>> -> memref<1x400x128xf32, #tpu.memory_space<hbm>>
        %dma_wait3A_225 = tpu.memref_squeeze %dma_wait3A_224 : memref<1x400x128xf32, #tpu.memory_space<hbm>> -> memref<400x128xf32, #tpu.memory_space<hbm>>
        %dma_wait3A_226 = arith.constant 9600 : i32
        %dma_wait3A_227 = arith.constant 0 : i32
        %dma_wait3A_228 = tpu.memref_slice %arg18[%dma_wait3A_226, %dma_wait3A_227] : memref<10000x128xf32, #tpu.memory_space<vmem_shared>> -> memref<400x128xf32, #tpu.memory_space<vmem_shared>>
        tpu.wait_dma2 semaphore(%run_scoped3A : memref<!tpu.dma_semaphore, #tpu.memory_space<semaphore_mem>>) src(%dma_wait3A_228 : memref<400x128xf32, #tpu.memory_space<vmem_shared>>) dst(%dma_wait3A_225 : memref<400x128xf32, #tpu.memory_space<hbm>>)
        tpu.yield
      }) : () -> ()
    } else {
    }
    return
  }
}

module attributes {stable_mosaic.version = 14 : i64} {
  func.func @_final_body(%arg0: i32, %arg1: memref<2x2048x128xf32, #tpu.memory_space<vmem>>, %arg2: memref<1x16x128xf32, #tpu.memory_space<vmem>>, %arg3: memref<2048x128xf32, #tpu.memory_space<vmem>>, %arg4: memref<2048x128xf32, #tpu.memory_space<vmem>>) attributes {dimension_semantics = [#tpu.dimension_semantics<arbitrary>], iteration_bounds = array<i64: 5>, scalar_prefetch = 0 : i64, scratch_operands = 0 : i64, tpu.core_type = #tpu.core_type<tc>, window_params = [{transform_indices = @transform_0, window_bounds = array<i64: 2, 2048, 128>}, {transform_indices = @transform_1, window_bounds = array<i64: 1, 16, 128>}, {transform_indices = @transform_2, window_bounds = array<i64: 2048, 128>}, {transform_indices = @transform_3, window_bounds = array<i64: 2048, 128>}]} {
    %get3A = arith.constant 0 : index
    %get3A_0 = arith.constant 0 : index
    %get3A_1 = arith.constant 0 : index
    %get3A_2 = vector.load %arg2[%get3A, %get3A_0, %get3A_1] : memref<1x16x128xf32, #tpu.memory_space<vmem>>, vector<1x16x128xf32>
    %get3A_3 = vector.shape_cast %get3A_2 : vector<1x16x128xf32> to vector<16x128xf32>
    %add3A = arith.constant 1.000000e+00 : f32
    %add3A_4 = vector.broadcast %add3A : f32 to vector<16x128xf32>
    %add3A_5 = arith.addf %get3A_3, %add3A_4 : vector<16x128xf32>
    %rsqrt3A = math.rsqrt %add3A_5 : vector<16x128xf32>
    %broadcast_in_dim3A = vector.shape_cast %rsqrt3A : vector<16x128xf32> to vector<16x128x1xf32>
    %broadcast_in_dim3A_6 = vector.broadcast %broadcast_in_dim3A : vector<16x128x1xf32> to vector<16x128x128xf32>
    %get3A_7 = arith.constant 0 : index
    %get3A_8 = arith.constant 0 : index
    %get3A_9 = arith.constant 0 : index
    %get3A_10 = vector.load %arg1[%get3A_7, %get3A_8, %get3A_9] : memref<2x2048x128xf32, #tpu.memory_space<vmem>>, vector<1x2048x128xf32>
    %get3A_11 = vector.shape_cast %get3A_10 : vector<1x2048x128xf32> to vector<2048x128xf32>
    %reshape3A = vector.shape_cast %get3A_11 : vector<2048x128xf32> to vector<16x128x128xf32>
    %mul3A = arith.mulf %broadcast_in_dim3A_6, %reshape3A : vector<16x128x128xf32>
    %reshape3A_12 = vector.shape_cast %mul3A : vector<16x128x128xf32> to vector<2048x128xf32>
    %swap3A = arith.constant 0 : index
    %swap3A_13 = arith.constant 0 : index
    %swap3A_14 = vector.load %arg3[%swap3A, %swap3A_13] : memref<2048x128xf32, #tpu.memory_space<vmem>>, vector<2048x128xf32>
    tpu.vector_store %arg3[%swap3A, %swap3A_13], %reshape3A_12 {strides = array<i32>} : memref<2048x128xf32, #tpu.memory_space<vmem>>, vector<2048x128xf32>,
    %mul3A_15 = arith.mulf %broadcast_in_dim3A_6, %broadcast_in_dim3A_6 : vector<16x128x128xf32>
    %get3A_16 = arith.constant 1 : index
    %get3A_17 = arith.constant 0 : index
    %get3A_18 = arith.constant 0 : index
    %get3A_19 = vector.load %arg1[%get3A_16, %get3A_17, %get3A_18] : memref<2x2048x128xf32, #tpu.memory_space<vmem>>, vector<1x2048x128xf32>
    %get3A_20 = vector.shape_cast %get3A_19 : vector<1x2048x128xf32> to vector<2048x128xf32>
    %reshape3A_21 = vector.shape_cast %get3A_20 : vector<2048x128xf32> to vector<16x128x128xf32>
    %mul3A_22 = arith.mulf %mul3A_15, %reshape3A_21 : vector<16x128x128xf32>
    %reshape3A_23 = vector.shape_cast %mul3A_22 : vector<16x128x128xf32> to vector<2048x128xf32>
    %swap3A_24 = arith.constant 0 : index
    %swap3A_25 = arith.constant 0 : index
    %swap3A_26 = vector.load %arg4[%swap3A_24, %swap3A_25] : memref<2048x128xf32, #tpu.memory_space<vmem>>, vector<2048x128xf32>
    tpu.vector_store %arg4[%swap3A_24, %swap3A_25], %reshape3A_23 {strides = array<i32>} : memref<2048x128xf32, #tpu.memory_space<vmem>>, vector<2048x128xf32>,
    return
  }
  func.func @transform_0(%arg0: i32) -> (i32, i32, i32) {
    %c0_i32 = arith.constant 0 : i32
    %c0_i32_0 = arith.constant 0 : i32
    %c0_i32_1 = arith.constant 0 : i32
    return %c0_i32, %arg0, %c0_i32_0 : i32, i32, i32
  }
  func.func @transform_1(%arg0: i32) -> (i32, i32, i32) {
    %c1_i32 = arith.constant 1 : i32
    %c0_i32 = arith.constant 0 : i32
    %c0_i32_0 = arith.constant 0 : i32
    return %c1_i32, %arg0, %c0_i32 : i32, i32, i32
  }
  func.func @transform_2(%arg0: i32) -> (i32, i32) {
    %c0_i32 = arith.constant 0 : i32
    %c0_i32_0 = arith.constant 0 : i32
    return %arg0, %c0_i32 : i32, i32
  }
  func.func @transform_3(%arg0: i32) -> (i32, i32) {
    %c0_i32 = arith.constant 0 : i32
    %c0_i32_0 = arith.constant 0 : i32
    return %arg0, %c0_i32 : i32, i32
  }
}

module attributes {stable_mosaic.version = 14 : i64} {
  func.func @_dense_body(%arg0: i32, %arg1: memref<2048x128xf32, #tpu.memory_space<vmem>>, %arg2: memref<128x128xf32, #tpu.memory_space<vmem>>, %arg3: memref<128x128xf32, #tpu.memory_space<vmem>>, %arg4: memref<1x16x128xf32, #tpu.memory_space<vmem>>, %arg5: memref<2048x128xf32, #tpu.memory_space<vmem>>, %arg6: memref<2048x128xf32, #tpu.memory_space<vmem>>) attributes {dimension_semantics = [#tpu.dimension_semantics<arbitrary>], iteration_bounds = array<i64: 5>, scalar_prefetch = 0 : i64, scratch_operands = 0 : i64, tpu.core_type = #tpu.core_type<tc>, window_params = [{transform_indices = @transform_0, window_bounds = array<i64: 2048, 128>}, {pipeline_mode = #tpu.pipeline_mode<synchronous>, transform_indices = @transform_1, window_bounds = array<i64: 128, 128>}, {pipeline_mode = #tpu.pipeline_mode<synchronous>, transform_indices = @transform_2, window_bounds = array<i64: 128, 128>}, {transform_indices = @transform_3, window_bounds = array<i64: 1, 16, 128>}, {transform_indices = @transform_4, window_bounds = array<i64: 2048, 128>}, {transform_indices = @transform_5, window_bounds = array<i64: 2048, 128>}]} {
    %get3A = arith.constant 0 : index
    %get3A_0 = arith.constant 0 : index
    %get3A_1 = vector.load %arg1[%get3A, %get3A_0] : memref<2048x128xf32, #tpu.memory_space<vmem>>, vector<2048x128xf32>
    %get3A_2 = arith.constant 0 : index
    %get3A_3 = arith.constant 0 : index
    %get3A_4 = vector.load %arg2[%get3A_2, %get3A_3] : memref<128x128xf32, #tpu.memory_space<vmem>>, vector<128x128xf32>
    %dot_general3A = arith.constant dense<0.000000e+00> : vector<2048x128xf32>
    %dot_general3A_5 = tpu.matmul %get3A_1, %get3A_4, %dot_general3A {dimension_numbers = #tpu.dot_dimension_numbers<[1], [0], [0], [1], [0, 0, 1, 1], [], []>, transpose_lhs_hint = false} : vector<2048x128xf32>, vector<128x128xf32>, vector<2048x128xf32> -> vector<2048x128xf32>
    %max3A = arith.constant 0.000000e+00 : f32
    %max3A_6 = vector.broadcast %max3A : f32 to vector<2048x128xf32>
    %max3A_7 = arith.maximumf %dot_general3A_5, %max3A_6 : vector<2048x128xf32>
    %get3A_8 = arith.constant 0 : index
    %get3A_9 = arith.constant 0 : index
    %get3A_10 = vector.load %arg3[%get3A_8, %get3A_9] : memref<128x128xf32, #tpu.memory_space<vmem>>, vector<128x128xf32>
    %dot_general3A_11 = arith.constant dense<0.000000e+00> : vector<2048x128xf32>
    %dot_general3A_12 = tpu.matmul %get3A_1, %get3A_10, %dot_general3A_11 {dimension_numbers = #tpu.dot_dimension_numbers<[1], [0], [0], [1], [0, 0, 1, 1], [], []>, transpose_lhs_hint = false} : vector<2048x128xf32>, vector<128x128xf32>, vector<2048x128xf32> -> vector<2048x128xf32>
    %max3A_13 = arith.constant 0.000000e+00 : f32
    %max3A_14 = vector.broadcast %max3A_13 : f32 to vector<2048x128xf32>
    %max3A_15 = arith.maximumf %dot_general3A_12, %max3A_14 : vector<2048x128xf32>
    %mul3A = arith.constant -1.000000e+00 : f32
    %mul3A_16 = vector.broadcast %mul3A : f32 to vector<2048x128xf32>
    %mul3A_17 = arith.mulf %mul3A_16, %max3A_15 : vector<2048x128xf32>
    %exp3A = math.exp %mul3A_17 : vector<2048x128xf32>
    %get3A_18 = arith.constant 0 : index
    %get3A_19 = arith.constant 0 : index
    %get3A_20 = arith.constant 0 : index
    %get3A_21 = vector.load %arg4[%get3A_18, %get3A_19, %get3A_20] : memref<1x16x128xf32, #tpu.memory_space<vmem>>, vector<1x16x128xf32>
    %get3A_22 = vector.shape_cast %get3A_21 : vector<1x16x128xf32> to vector<16x128xf32>
    %add3A = arith.constant 1.000000e+00 : f32
    %add3A_23 = vector.broadcast %add3A : f32 to vector<16x128xf32>
    %add3A_24 = arith.addf %get3A_22, %add3A_23 : vector<16x128xf32>
    %rsqrt3A = math.rsqrt %add3A_24 : vector<16x128xf32>
    %broadcast_in_dim3A = vector.shape_cast %rsqrt3A : vector<16x128xf32> to vector<16x128x1xf32>
    %broadcast_in_dim3A_25 = vector.broadcast %broadcast_in_dim3A : vector<16x128x1xf32> to vector<16x128x128xf32>
    %mul3A_26 = arith.mulf %max3A_7, %exp3A : vector<2048x128xf32>
    %reshape3A = vector.shape_cast %mul3A_26 : vector<2048x128xf32> to vector<16x128x128xf32>
    %mul3A_27 = arith.mulf %broadcast_in_dim3A_25, %reshape3A : vector<16x128x128xf32>
    %mul3A_28 = arith.mulf %broadcast_in_dim3A_25, %broadcast_in_dim3A_25 : vector<16x128x128xf32>
    %mul3A_29 = arith.mulf %max3A_15, %exp3A : vector<2048x128xf32>
    %mul3A_30 = arith.mulf %mul3A_29, %exp3A : vector<2048x128xf32>
    %reshape3A_31 = vector.shape_cast %mul3A_30 : vector<2048x128xf32> to vector<16x128x128xf32>
    %mul3A_32 = arith.mulf %mul3A_28, %reshape3A_31 : vector<16x128x128xf32>
    %reshape3A_33 = vector.shape_cast %mul3A_27 : vector<16x128x128xf32> to vector<2048x128xf32>
    %swap3A = arith.constant 0 : index
    %swap3A_34 = arith.constant 0 : index
    %swap3A_35 = vector.load %arg5[%swap3A, %swap3A_34] : memref<2048x128xf32, #tpu.memory_space<vmem>>, vector<2048x128xf32>
    tpu.vector_store %arg5[%swap3A, %swap3A_34], %reshape3A_33 {strides = array<i32>} : memref<2048x128xf32, #tpu.memory_space<vmem>>, vector<2048x128xf32>,
    %reshape3A_36 = vector.shape_cast %mul3A_32 : vector<16x128x128xf32> to vector<2048x128xf32>
    %swap3A_37 = arith.constant 0 : index
    %swap3A_38 = arith.constant 0 : index
    %swap3A_39 = vector.load %arg6[%swap3A_37, %swap3A_38] : memref<2048x128xf32, #tpu.memory_space<vmem>>, vector<2048x128xf32>
    tpu.vector_store %arg6[%swap3A_37, %swap3A_38], %reshape3A_36 {strides = array<i32>} : memref<2048x128xf32, #tpu.memory_space<vmem>>, vector<2048x128xf32>,
    return
  }
  func.func @transform_0(%arg0: i32) -> (i32, i32) {
    %c0_i32 = arith.constant 0 : i32
    %c0_i32_0 = arith.constant 0 : i32
    return %arg0, %c0_i32 : i32, i32
  }
  func.func @transform_1(%arg0: i32) -> (i32, i32) {
    %c0_i32 = arith.constant 0 : i32
    %c0_i32_0 = arith.constant 0 : i32
    %c0_i32_1 = arith.constant 0 : i32
    return %c0_i32, %c0_i32_0 : i32, i32
  }
  func.func @transform_2(%arg0: i32) -> (i32, i32) {
    %c0_i32 = arith.constant 0 : i32
    %c0_i32_0 = arith.constant 0 : i32
    %c0_i32_1 = arith.constant 0 : i32
    return %c0_i32, %c0_i32_0 : i32, i32
  }
  func.func @transform_3(%arg0: i32) -> (i32, i32, i32) {
    %c0_i32 = arith.constant 0 : i32
    %c0_i32_0 = arith.constant 0 : i32
    %c0_i32_1 = arith.constant 0 : i32
    return %c0_i32, %arg0, %c0_i32_0 : i32, i32, i32
  }
  func.func @transform_4(%arg0: i32) -> (i32, i32) {
    %c0_i32 = arith.constant 0 : i32
    %c0_i32_0 = arith.constant 0 : i32
    return %arg0, %c0_i32 : i32, i32
  }
  func.func @transform_5(%arg0: i32) -> (i32, i32) {
    %c0_i32 = arith.constant 0 : i32
    %c0_i32_0 = arith.constant 0 : i32
    return %arg0, %c0_i32 : i32, i32
  }
}

</mosaic_0001>

<sc_bundles>
// kernel: kernel.6.cloned.1.call-start
scs
__scs_entry_jumppad:
0x0: {  	(pc) =	sbr.rel $0x88, $3  }
0x1: {  	(tag) =	ssettag $0x0;
	lr =	simm.s32 $0x1  }
0x2: {  	[smem:$0x3F9D] =	sst lr;
	_ =	strace $0xD0000000  }
0x3: {  	_ = 	snop  }
0x4: {  	_ = 	snop  }
0x5: {  	_ = 	snop  }
0x6: {  	_ = 	snop  }
0x7: {  	_ = 	snop  }
__scs_overlays_trampoline_lowered:
0x8: {  	[smem:$0x3FAC] =	sst s0  }
0x9: {  	[smem:$0x3FAD] =	sst s1  }
0xa: {  	[smem:$0x3FAE] =	sst s2  }
0xb: {  	[smem:$0x3FAF] =	sst s3  }
0xc: {  	[smem:$0x3FB0] =	sst s4  }
0xd: {  	[smem:$0x3FB1] =	sst s5  }
0xe: {  	[smem:$0x3FB2] =	sst s6  }
0xf: {  	[smem:$0x3FB3] =	sst s7  }
0x10: {  	[smem:$0x3FB4] =	sst s8  }
0x11: {  	[smem:$0x3FB5] =	sst s9;
	s0 =	simm.s32 @!p0 $0x0  }
0x12: {  	s1 =	sld [smem:$0x3F9B];
	s0 =	simm.s32 @p0 $0x1  }
0x13: {  	[smem:$0x3FB6] =	sst s0;
	s0 =	simm.s32 @!p1 $0x0  }
0x14: {  	s2 =	sld [smem:$0x3F9A];
	s0 =	simm.s32 @p1 $0x1  }
0x15: {  	[smem:$0x3FB7] =	sst s0;
	s0 =	simm.s32 @!p2 $0x0  }
0x16: {  	s3 =	sld [smem:$0x3FDB];
	s0 =	simm.s32 @p2 $0x1  }
0x17: {  	s4 =	simm.s32 $0x1BF5;
	[smem:$0x3FB9] =	sst s0  }
0x18: {  	s0 =	sld [smem:$0x3F9C];
	_ =	swait.ge [sflag:s4], $0x0  }
0x19: {  	s7 =	sld [smem:$0x3F9D]  }
0x1a: {  	s8 =	sadd.s32 $0xFFFFE003, lr  }
0x1b: {  	s9 =	sadd.s32 $0xFFFFFEF7, lr;
	s5 =	simm.s32 $0xFFFFFFFF;
	p2 =	slt.u32 s8, $0xFFFFF086  }
0x1c: {  	p1 =	slt.u32 s9, $0xF7A;
	s5 =	simm.s32 @!p2 $0x0  }
0x1d: {  	s5 =	simm.s32 @p1 $0x1;
	p0 =	seq.s32 s7, s2  }
0x1e: {  	s7 =	smul.u32 @!p0 $0xF7A, s2;
	p2 =	seq.s32 @!p0 s5, $0x0  }
0x1f: {  	s9 =	smul.u32 $0xF7A, s1;
	s8 =	simm.s32 @!p0 $0x1BF5;
	p2 =	por !p2, p0  }
0x20: {  	[sflag:s8] =	ssyncset.s32 @!p0 $0xFFFFF086;
	s6 =	sadd.s32 @!p0 s3, s7;
	s7 =	simm.s32 @!p0 $0x108  }
0x21: {  	s3 =	sadd.s32 s3, s9;
	s6 =	sadd.s32 @!p0 $0x88, s6;
	s7 =	simm.s32 @p2 $0x1082  }
0x22: {  	[simem:s7], [sflag:s8] =	dma.local @!p0 [hbm:s6], $0xF7A  }
0x23: {  	s9 =	sor.u32 $0xD0000000, s2;
	s6 =	simm.s32 $0x108;
	_ =	swait.ge @!p0 [sflag:s8], $0x0  }
0x24: {  	s3 =	sadd.s32 $0x88, s3;
	s6 =	simm.s32 @!p1 $0x1082;
	[sflag:s4] =	ssyncset.s32 $0xFFFFF086  }
0x25: {  	[simem:s6], [sflag:s4] =	dma.local [hbm:s3], $0xF7A  }
0x26: {  	[smem:$0x3F9D] =	sst s1;
	(tag) =	ssettag s2;
	_ =	strace s9  }
0x27: {  	s1 =	sld [smem:$0x3FAD]  }
0x28: {  	s2 =	sld [smem:$0x3FAE]  }
0x29: {  	s4 =	sld [smem:$0x3FB0]  }
0x2a: {  	p0 =	seq.s32 s5, $0x0;
	s5 =	sld [smem:$0x3FB1]  }
0x2b: {  	s6 =	sld [smem:$0x3FB2]  }
0x2c: {  	s7 =	sld [smem:$0x3FB3]  }
0x2d: {  	s3 =	simm.s32 $0x108;
	s8 =	sld [smem:$0x3FB4]  }
0x2e: {  	s3 =	simm.s32 @!p0 $0x1082;
	s9 =	sld [smem:$0x3FB5]  }
0x2f: {  	lr =	sadd.s32 s0, s3;
	s0 =	sld [smem:$0x3FAC]  }
0x30: {  	s3 =	sld [smem:$0x3FAF]  }
0x31: {  	[smem:$0x3FB8] =	sst s10  }
0x32: {  	s10 =	sld [smem:$0x3FB6];
	_ =	sdelay $0x3  }
0x33: {  	p0 =	seq.s32 s10, $0x1;
	s10 =	sld [smem:$0x3FB8];
	_ =	sdelay $0x3  }
0x34: {  	[smem:$0x3FB8] =	sst s10  }
0x35: {  	s10 =	sld [smem:$0x3FB7];
	_ =	sdelay $0x3  }
0x36: {  	p1 =	seq.s32 s10, $0x1;
	s10 =	sld [smem:$0x3FB8];
	_ =	sdelay $0x3  }
0x37: {  	[smem:$0x3FB8] =	sst s10  }
0x38: {  	s10 =	sld [smem:$0x3FB9]  }
0x39: {  	_ = 	snop;
	(pc) =	sbr.ind lr, $3  }
0x3a: {  	_ = 	snop  }
0x3b: {  	_ = 	snop  }
0x3c: {  	p2 =	seq.s32 s10, $0x1;
	s10 =	sld [smem:$0x3FB8]  }
0x3d: {  	_ =	shalt  }
0x3e: {  	_ =	shalt  }
0x3f: {  	_ =	shalt  }
0x40: {  	_ =	shalt  }
0x41: {  	_ =	shalt  }
0x42: {  	_ =	shalt  }
0x43: {  	_ =	shalt  }
0x44: {  	_ =	shalt  }
0x45: {  	_ =	shalt  }
0x46: {  	_ =	shalt  }
0x47: {  	_ =	shalt  }
0x48: {  	_ =	shalt  }
0x49: {  	_ =	shalt  }
0x4a: {  	_ =	shalt  }
0x4b: {  	_ =	shalt  }
0x4c: {  	_ =	shalt  }
0x4d: {  	_ =	shalt  }
0x4e: {  	_ =	shalt  }
0x4f: {  	_ =	shalt  }
0x50: {  	_ =	shalt  }
0x51: {  	_ =	shalt  }
0x52: {  	_ =	shalt  }
0x53: {  	_ =	shalt  }
0x54: {  	_ =	shalt  }
0x55: {  	_ =	shalt  }
0x56: {  	_ =	shalt  }
0x57: {  	_ =	shalt  }
0x58: {  	_ =	shalt  }
0x59: {  	_ =	shalt  }
0x5a: {  	_ =	shalt  }
0x5b: {  	_ =	shalt  }
0x5c: {  	_ =	shalt  }
0x5d: {  	_ =	shalt  }
0x5e: {  	_ =	shalt  }
0x5f: {  	_ =	shalt  }
0x60: {  	_ =	shalt  }
0x61: {  	_ =	shalt  }
0x62: {  	_ =	shalt  }
0x63: {  	_ =	shalt  }
0x64: {  	_ =	shalt  }
0x65: {  	_ =	shalt  }
0x66: {  	_ =	shalt  }
0x67: {  	_ =	shalt  }
0x68: {  	_ =	shalt  }
0x69: {  	_ =	shalt  }
0x6a: {  	_ =	shalt  }
0x6b: {  	_ =	shalt  }
0x6c: {  	_ =	shalt  }
0x6d: {  	_ =	shalt  }
0x6e: {  	_ =	shalt  }
0x6f: {  	_ =	shalt  }
0x70: {  	_ =	shalt  }
0x71: {  	_ =	shalt  }
0x72: {  	_ =	shalt  }
0x73: {  	_ =	shalt  }
0x74: {  	_ =	shalt  }
0x75: {  	_ =	shalt  }
0x76: {  	_ =	shalt  }
0x77: {  	_ =	shalt  }
0x78: {  	_ =	shalt  }
0x79: {  	_ =	shalt  }
0x7a: {  	_ =	shalt  }
0x7b: {  	_ =	shalt  }
0x7c: {  	_ =	shalt  }
0x7d: {  	_ =	shalt  }
0x7e: {  	_ =	shalt  }
0x7f: {  	_ =	shalt  }
0x80: {  	_ =	shalt  }
0x81: {  	_ =	shalt  }
0x82: {  	_ =	shalt  }
0x83: {  	_ =	shalt  }
0x84: {  	_ =	shalt  }
0x85: {  	_ =	shalt  }
0x86: {  	_ =	shalt  }
0x87: {  	_ =	shalt  }
.Lfunc_end0:
.L_simem_size_0:
called_computation_lowered:
.L_overlay_start_0:
0x88: {  	s2 =	sld [smem:$0x3FD9]  }
0x89: {  	s3 =	sld [smem:$0x3FFE];
	_ =	sdelay $0x1  }
0x8a: {  	s1 =	srdreg.scid  }
0x8b: {  	s0 =	sand.u32 $0x1, s1  }
0x8c: {  	s15 =	sshll.u32 s0, $0xA;
	s2 =	sadd.s32 s3, s2  }
0x8d: {  	s2 =	sadd.s32 s2, s15  }
0x8e: {  	[smem:$0x3FC4] =	sst s2  }
0x8f: {  	_ = 	snop  }
0x90: {  	s2 =	sld [smem:$0x3FD0];
	_ =	sdelay $0x2  }
0x91: {  	s16 =	simm.s32 $0xA;
	s4 =	simm.s32 $0x10  }
0x92: {  	[smem:s4], [sflag:s16] =	dma.local [hbm:s2], $0x1  }
0x93: {  	_ =	swait.eq [sflag:s16], $0x1  }
0x94: {  	[sflag:s16] =	ssyncset.done $0x0  }
0x95: {  	s17 =	sld [smem:$0x10];
	[sflag:s16] =	ssyncadd.s32 $0xFFFFFFFF  }
0x96: {  	s18 =	sld [smem:$0x11];
	(tm) =	ssettm $0x1  }
0x97: {  	s19 =	sld [smem:$0x3FFB];
	_ =	sdelay $0x3  }
0x98: {  	_ =	strace s19  }
0x99: {  	s4 =	sld [smem:$0x3FFC];
	_ =	sdelay $0x3  }
0x9a: {  	_ =	strace s4  }
0x9b: {  	s4 =	sld [smem:$0x3FFD];
	_ =	sdelay $0x3  }
0x9c: {  	_ =	strace s4  }
0x9d: {  	_ =	strace $0x8FFFFFFF  }
0x9e: {  	s20 =	sld [smem:$0x3FDB];
	_ =	sdelay $0x1  }
0x9f: {  	s5 =	simm.s32 $_scs_section_size  }
0xa0: {  	s6 =	simm.s32 $_size__tile_overlayer_lowered;
	s7 =	simm.s32 $_tile_overlayer_lowered  }
0xa1: {  	s23 =	simm.s32 $0x1BFF;
	s22 =	sshll.u32 s7, $0x1;
	s4 =	sadd.s32 s5, s20  }
0xa2: {  	s8 =	simm.s32 $0x0;
	s21 =	sshll.u32 s6, $0x1;
	s6 =	sadd.s32 s22, s4  }
0xa3: {  	[timem:s8], [sflag:s23] =	dma.local [hbm:s6], s21  }
0xa4: {  	_ =	swait.ge [sflag:s23], s21  }
0xa5: {  	s5 =	ssub.s32 $0x0, s21;
	[sflag:s23] =	ssyncset.done $0x0  }
0xa6: {  	[sflag:s23] =	ssyncadd.s32 s5;
	_ =	sdelay $0x1  }
0xa7: {  	s24 =	simm.s32 $0x1B8B  }
0xa8: {  	_ =	swait.ge [sflag:s24], $0x1  }
0xa9: {  	[sflag:s24] =	ssyncset.done $0x0  }
0xaa: {  	s25 =	simm.s32 $0x1B8E;
	[sflag:s24] =	ssyncadd.s32 $0xFFFFFFFF  }
0xab: {  	s26 =	simm.s32 $execute0_lowered;
	[smem:$0x3FD2] =	sst s25  }
0xac: {  	s5 =	sshll.u32 s26, $0x1;
	_ =	strace $0x80000046;
	[dreg:$0x1] =	wrdreg $0xFFFFFFFF  }
0xad: {  	s28 =	simm.s32 $_size_execute0_lowered;
	s4 =	sadd.s32 s4, s5;
	[dreg:$0x0] =	wrdreg $0x0  }
0xae: {  	s5 =	sshll.u32 s28, $0x1;
	[dreg:$0x2] =	wrdreg s4  }
0xaf: {  	[dreg:$0x3] =	wrdreg s5  }
0xb0: {  	[dreg:$0x4] =	wrdreg $0xC0  }
0xb1: {  	_ =	task [dreg:s8], $0x5FFFF  }
0xb2: {  	[dreg:$0x1] =	wrdreg $0xFFFFFFFF  }
0xb3: {  	[dreg:$0x0] =	wrdreg $0x60  }
0xb4: {  	[dreg:$0x2] =	wrdreg s18  }
0xb5: {  	[dreg:$0x3] =	wrdreg s17  }
0xb6: {  	[dreg:$0x4] =	wrdreg $0x53800  }
0xb7: {  	[dreg:$0x5] =	wrdreg $0x9  }
0xb8: {  	_ =	task.clear_ibuf [dreg:s8], $0x6FFFF;
	_ =	strace $0x90000046  }
0xb9: {  	s29 =	simm.s32 $0x9;
	_ =	strace $0x80000048  }
0xba: {  	_ =	swait.ge [sflag:s29], $0x1  }
0xbb: {  	[sflag:s29] =	ssyncadd.s32 $0xFFFFFFFF  }
0xbc: {  	_ =	strace $0x90000048  }
0xbd: {  	_ =	sfence  }
0xbe: {  	s30 =	sld [smem:$0x0];
	_ =	sdelay $0x2  }
0xbf: {  	s31 =	sshll.u32 s1, $0xD;
	s1 =	sshrl.u32 s1, $0x2  }
0xc0: {  	s3 =	sand.u32 $0x4000, s31;
	s1 =	sadd.s32 s1, s30  }
0xc1: {  	s0 =	sor.u32 s3, s0;
	s1 =	sshll.u32 s1, $0x11  }
0xc2: {  	s0 =	sor.u32 s1, s0  }
0xc3: {  	s0 =	sadd.s32 $0x8F2B, s0  }
0xc4: {  	[sflag:s0] =	ssyncadd.remote.s32 $0x1  }
0xc5: {  	_ =	sfence.sel $0xFFFF  }
0xc6: {  	[dreg:$0x0] =	wrdreg $0xFFFFFFFF;
	(pc) =	sbr.abs _section_cstart, $3  }
0xc7: {  	[dreg:$0x1] =	wrdreg $0xFFFFFFFF  }
0xc8: {  	_ =	task.clear_ibuf [dreg:s8], $0x2FFFF;
	_ =	strace $0x9FFFFFFF  }
0xc9: {  	(tm) =	ssettm $0x7FFFFFFF  }
tec
execute0_lowered:
.L_overlay_start_1:
0x0: {  	(tag) =	ssettag $0x1  }
0x1: {  	s5 =	rddreg [dreg:$0x0]  }
0x2: {  	s1 =	srdreg.scid;
	s6 =	rddreg [dreg:$0x1]  }
0x3: {  	s0 =	stileid.u32;
	s2 =	rddreg [dreg:$0x2]  }
0x4: {  	s3 =	simm.s32 $0x0;
	s12 =	simm.s32 $0x5080;
	s13 =	simm.s32 $0x4F00  }
0x5: {  	s14 =	simm.s32 $0x4F80;
	s15 =	simm.s32 $0x1;
	s16 =	simm.s32 $0x2  }
0x6: {  	s17 =	simm.s32 $0x3;
	s18 =	simm.s32 $0x20;
	s19 =	simm.s32 $0x5000  }
0x7: {  	s4 =	sand.u32 $0x1, s1;
	s7 =	smul.u32 $0x280, s0;
	s1 =	rddreg [dreg:$0x3]  }
0x8: {  	s22 =	simm.s32 $0x0;
	s9 =	smul.u32 $0x4E20, s0;
	[smem:$0x7FF] =	sst s3  }
0x9: {  	s20 =	sshll.u32 s0, $0x6;
	s8 =	smul.u32 $0x4E200, s4;
	s10 =	ssub.s32 $0x2, s4  }
0xa: {  	s4 =	smul.u32 $0x2800, s4;
	_ =	strace $0x80000047;
	s11 =	sshrl.u32 s10, $0x1  }
0xb: {  	s20 =	sor.u32 $0x1C04, s20;
	s8 =	sadd.s32 s9, s8;
	s29 =	ssub.s32 s10, s11  }
0xc: {  	s30 =	sadd.s32 s7, s4;
	s4 =	sadd.s32 s7, s2;
	s9 =	simm.s32 $0x4  }
0xd: {  	s10 =	simm.s32 $0x80;
	s11 =	simm.s32 $0x4E80;
	s8 =	sshrl.u32 s8, $0x3  }
0xe: {  	s31 =	sshrl.u32 s30, $0x3;
	s7 =	smax.u32 s29, $0x1;
	s21 =	sshrl.u32 s4, $0x3  }
0xf: {  	v0 =	vimm.f32 $1.000000000e+00;
	v1 =	vimm.f32 $0.0e+00;
	s5 =	sadd.s32 s5, s8;
	s6 =	sadd.s32 s6, s31;
	s8 =	simm.s32 $0x5100  }
.LBB2_1:
0x10: {  	[tilespmem:$0x5080] =	vst v0  }
0x11: {  	[tilespmem:$0x5090] =	vst v0  }
0x12: {  	[tilespmem:$0x50A0] =	vst v0  }
0x13: {  	[tilespmem:$0x50B0] =	vst v0  }
0x14: {  	[tilespmem:$0x50C0] =	vst v0  }
0x15: {  	[tilespmem:$0x50D0] =	vst v0  }
0x16: {  	[tilespmem:$0x50E0] =	vst v0  }
0x17: {  	[tilespmem:$0x50F0] =	vst v0  }
0x18: {  	[tilespmem:$0x5100] =	vst v1  }
0x19: {  	[tilespmem:$0x5110] =	vst v1  }
0x1a: {  	[tilespmem:$0x5120] =	vst v1  }
0x1b: {  	[tilespmem:$0x5130] =	vst v1  }
0x1c: {  	[tilespmem:$0x5140] =	vst v1  }
0x1d: {  	[tilespmem:$0x5150] =	vst v1  }
0x1e: {  	[tilespmem:$0x5160] =	vst v1  }
0x1f: {  	[tilespmem:$0x5170] =	vst v1  }
0x20: {  	[tilespmem:$0x5180] =	vst v1  }
0x21: {  	[tilespmem:$0x5190] =	vst v1  }
0x22: {  	[tilespmem:$0x51A0] =	vst v1  }
0x23: {  	[tilespmem:$0x51B0] =	vst v1  }
0x24: {  	[tilespmem:$0x51C0] =	vst v1  }
0x25: {  	[tilespmem:$0x51D0] =	vst v1  }
0x26: {  	[tilespmem:$0x51E0] =	vst v1  }
0x27: {  	[tilespmem:$0x51F0] =	vst v1  }
0x28: {  	[tilespmem:$0x5200] =	vst v1  }
0x29: {  	[tilespmem:$0x5210] =	vst v1  }
0x2a: {  	[tilespmem:$0x5220] =	vst v1  }
0x2b: {  	[tilespmem:$0x5230] =	vst v1  }
0x2c: {  	[tilespmem:$0x5240] =	vst v1  }
0x2d: {  	[tilespmem:$0x5250] =	vst v1  }
0x2e: {  	[tilespmem:$0x5260] =	vst v1  }
0x2f: {  	[tilespmem:$0x5270] =	vst v1  }
0x30: {  	[tilespmem:$0x5280] =	vst v1  }
0x31: {  	[tilespmem:$0x5290] =	vst v1  }
0x32: {  	[tilespmem:$0x52A0] =	vst v1  }
0x33: {  	[tilespmem:$0x52B0] =	vst v1  }
0x34: {  	[tilespmem:$0x52C0] =	vst v1  }
0x35: {  	[tilespmem:$0x52D0] =	vst v1  }
0x36: {  	[tilespmem:$0x52E0] =	vst v1  }
0x37: {  	[tilespmem:$0x52F0] =	vst v1  }
0x38: {  	[tilespmem:$0x5300] =	vst v1  }
0x39: {  	[tilespmem:$0x5310] =	vst v1  }
0x3a: {  	[tilespmem:$0x5320] =	vst v1  }
0x3b: {  	[tilespmem:$0x5330] =	vst v1  }
0x3c: {  	[tilespmem:$0x5340] =	vst v1  }
0x3d: {  	[tilespmem:$0x5350] =	vst v1  }
0x3e: {  	[tilespmem:$0x5360] =	vst v1  }
0x3f: {  	[tilespmem:$0x5370] =	vst v1  }
0x40: {  	[spmem:s4] =	stream.linear.scatter [tilespmem:s8], [sflag:$0x4], $0x280, $0x38;
	[tilespmem:$0x5600] =	vst v63  }
0x41: {  	_ =	swait.ge [sflag:s9], $0x280  }
0x42: {  	[sflag:s9] =	ssyncset.done $0x0  }
0x43: {  	[sflag:s9] =	ssyncadd.s32 $0xFFFFFD80  }
0x44: {  	[tilespmem:s3], [sflag:$0x4] =	stream.linear.gather [hbm4b:s5+s3], $0x4E20, $0x38;
	[tilespmem:$0x5600] =	vst v63  }
0x45: {  	_ =	swait.ge [sflag:s9], $0x4E20  }
0x46: {  	[sflag:s9] =	ssyncset.done $0x0  }
0x47: {  	[sflag:s9] =	ssyncadd.s32 $0xFFFFB1E0  }
0x48: {  	[bflag:$0x0] =	sbarrier.arrive $0xFFFF  }
0x49: {  	v2 =	vld [tilespmem:$0x0]  }
0x4a: {  	v3 =	vld [tilespmem:$0x10]  }
0x4b: {  	v4 =	vld [tilespmem:$0x20]  }
0x4c: {  	v5 =	vld [tilespmem:$0x30]  }
0x4d: {  	v6 =	vld [tilespmem:$0x40]  }
0x4e: {  	v55 =	vld [tilespmem:$0x70];
	[tilespmem:$0x4E80] =	vst v2  }
0x4f: {  	v2 =	vld [tilespmem:$0x50];
	[tilespmem:$0x4E90] =	vst v3  }
0x50: {  	v3 =	vld [tilespmem:$0x60];
	[tilespmem:$0x4EA0] =	vst v4  }
0x51: {  	[tilespmem:$0x4EB0] =	vst v5  }
0x52: {  	[tilespmem:$0x4EC0] =	vst v6  }
0x53: {  	[tilespmem:$0x4EF0] =	vst v55  }
0x54: {  	[tilespmem:$0x4ED0] =	vst v2  }
0x55: {  	[tilespmem:$0x4EE0] =	vst v3  }
0x56: {  	[spmem:s2] =	stream.indirect.scatter.add.f32 [tilespmem:s12], [sflag:$0x1], $0x1, s11, s10, $0xb8;
	[tilespmem:$0x5600] =	vst v63  }
0x57: {  	v2 =	vld [tilespmem:$0x80]  }
0x58: {  	v3 =	vld [tilespmem:$0x90]  }
0x59: {  	v56 =	vld [tilespmem:$0xA0]  }
0x5a: {  	v57 =	vld [tilespmem:$0xB0]  }
0x5b: {  	v58 =	vld [tilespmem:$0xC0]  }
0x5c: {  	v59 =	vld [tilespmem:$0xF0];
	[tilespmem:$0x4F00] =	vst v2  }
0x5d: {  	v2 =	vld [tilespmem:$0xD0];
	[tilespmem:$0x4F10] =	vst v3  }
0x5e: {  	v3 =	vld [tilespmem:$0xE0];
	[tilespmem:$0x4F20] =	vst v56  }
0x5f: {  	[tilespmem:$0x4F30] =	vst v57  }
0x60: {  	[tilespmem:$0x4F40] =	vst v58  }
0x61: {  	[tilespmem:$0x4F70] =	vst v59  }
0x62: {  	[tilespmem:$0x4F50] =	vst v2  }
0x63: {  	[tilespmem:$0x4F60] =	vst v3  }
0x64: {  	[spmem:s2] =	stream.indirect.scatter.add.f32 [tilespmem:s12], [sflag:$0x2], $0x1, s13, s10, $0xb8;
	[tilespmem:$0x5600] =	vst v63  }
0x65: {  	v2 =	vld [tilespmem:$0x100]  }
0x66: {  	v3 =	vld [tilespmem:$0x110]  }
0x67: {  	v60 =	vld [tilespmem:$0x120]  }
0x68: {  	v61 =	vld [tilespmem:$0x130]  }
0x69: {  	v62 =	vld [tilespmem:$0x140]  }
0x6a: {  	v63 =	vld [tilespmem:$0x170];
	[tilespmem:$0x4F80] =	vst v2  }
0x6b: {  	v2 =	vld [tilespmem:$0x150];
	[tilespmem:$0x4F90] =	vst v3  }
0x6c: {  	v3 =	vld [tilespmem:$0x160];
	[tilespmem:$0x4FA0] =	vst v60  }
0x6d: {  	[tilespmem:$0x4FB0] =	vst v61  }
0x6e: {  	[tilespmem:$0x4FC0] =	vst v62  }
0x6f: {  	[tilespmem:$0x4FF0] =	vst v63  }
0x70: {  	[tilespmem:$0x4FD0] =	vst v2  }
0x71: {  	[tilespmem:$0x4FE0] =	vst v3  }
0x72: {  	[spmem:s2] =	stream.indirect.scatter.add.f32 [tilespmem:s12], [sflag:$0x3], $0x1, s14, s10, $0xb8;
	[tilespmem:$0x5600] =	vst v63  }
0x73: {  	_ =	swait.ge [sflag:s15], $0x80  }
0x74: {  	[sflag:s15] =	ssyncset.done $0x0  }
0x75: {  	s23 =	simm.s32 $0x2F0;
	[sflag:s15] =	ssyncadd.s32 $0xFFFFFF80  }
0x76: {  	v2 =	vld [tilespmem:s23+$0xFFFFFE90];
	_ =	sdelay $0x4  }
0x77: {  	[tilespmem:$0x4E80] =	vst v2  }
0x78: {  	v2 =	vld [tilespmem:s23+$0xFFFFFEA0];
	_ =	sdelay $0x4  }
0x79: {  	[tilespmem:$0x4E90] =	vst v2  }
0x7a: {  	v2 =	vld [tilespmem:s23+$0xFFFFFEB0];
	_ =	sdelay $0x4  }
0x7b: {  	[tilespmem:$0x4EA0] =	vst v2  }
0x7c: {  	v2 =	vld [tilespmem:s23+$0xFFFFFEC0];
	_ =	sdelay $0x4  }
0x7d: {  	[tilespmem:$0x4EB0] =	vst v2  }
0x7e: {  	v2 =	vld [tilespmem:s23+$0xFFFFFED0];
	_ =	sdelay $0x4  }
0x7f: {  	[tilespmem:$0x4EC0] =	vst v2  }
0x80: {  	v2 =	vld [tilespmem:s23+$0xFFFFFEE0];
	_ =	sdelay $0x4  }
0x81: {  	[tilespmem:$0x4ED0] =	vst v2  }
0x82: {  	v2 =	vld [tilespmem:s23+$0xFFFFFEF0];
	_ =	sdelay $0x4  }
0x83: {  	[tilespmem:$0x4EE0] =	vst v2  }
0x84: {  	v2 =	vld [tilespmem:s23+$0xFFFFFF00];
	_ =	sdelay $0x4  }
0x85: {  	[tilespmem:$0x4EF0] =	vst v2  }
0x86: {  	[spmem:s2] =	stream.indirect.scatter.add.f32 [tilespmem:s12], [sflag:$0x1], $0x1, s11, s10, $0xb8;
	[tilespmem:$0x5600] =	vst v63  }
0x87: {  	_ =	swait.ge [sflag:s16], $0x80  }
0x88: {  	[sflag:s16] =	ssyncset.done $0x0  }
0x89: {  	[sflag:s16] =	ssyncadd.s32 $0xFFFFFF80  }
0x8a: {  	v2 =	vld [tilespmem:s23+$0xFFFFFF10];
	_ =	sdelay $0x4  }
0x8b: {  	[tilespmem:$0x4F00] =	vst v2  }
0x8c: {  	v2 =	vld [tilespmem:s23+$0xFFFFFF20];
	_ =	sdelay $0x4  }
0x8d: {  	[tilespmem:$0x4F10] =	vst v2  }
0x8e: {  	v2 =	vld [tilespmem:s23+$0xFFFFFF30];
	_ =	sdelay $0x4  }
0x8f: {  	[tilespmem:$0x4F20] =	vst v2  }
0x90: {  	v2 =	vld [tilespmem:s23+$0xFFFFFF40];
	_ =	sdelay $0x4  }
0x91: {  	[tilespmem:$0x4F30] =	vst v2  }
0x92: {  	v2 =	vld [tilespmem:s23+$0xFFFFFF50];
	_ =	sdelay $0x4  }
0x93: {  	[tilespmem:$0x4F40] =	vst v2  }
0x94: {  	v2 =	vld [tilespmem:s23+$0xFFFFFF60];
	_ =	sdelay $0x4  }
0x95: {  	[tilespmem:$0x4F50] =	vst v2  }
0x96: {  	v2 =	vld [tilespmem:s23+$0xFFFFFF70];
	_ =	sdelay $0x4  }
0x97: {  	[tilespmem:$0x4F60] =	vst v2  }
0x98: {  	v2 =	vld [tilespmem:s23+$0xFFFFFF80];
	_ =	sdelay $0x4  }
0x99: {  	[tilespmem:$0x4F70] =	vst v2  }
0x9a: {  	[spmem:s2] =	stream.indirect.scatter.add.f32 [tilespmem:s12], [sflag:$0x2], $0x1, s13, s10, $0xb8;
	[tilespmem:$0x5600] =	vst v63  }
0x9b: {  	_ =	swait.ge [sflag:s17], $0x80  }
0x9c: {  	[sflag:s17] =	ssyncset.done $0x0  }
0x9d: {  	[sflag:s17] =	ssyncadd.s32 $0xFFFFFF80  }
0x9e: {  	v2 =	vld [tilespmem:s23+$0xFFFFFF90];
	_ =	sdelay $0x4  }
0x9f: {  	[tilespmem:$0x4F80] =	vst v2  }
0xa0: {  	v2 =	vld [tilespmem:s23+$0xFFFFFFA0];
	_ =	sdelay $0x4  }
0xa1: {  	[tilespmem:$0x4F90] =	vst v2  }
0xa2: {  	v2 =	vld [tilespmem:s23+$0xFFFFFFB0];
	_ =	sdelay $0x4  }
0xa3: {  	[tilespmem:$0x4FA0] =	vst v2  }
0xa4: {  	v2 =	vld [tilespmem:s23+$0xFFFFFFC0];
	_ =	sdelay $0x4  }
0xa5: {  	[tilespmem:$0x4FB0] =	vst v2  }
0xa6: {  	v2 =	vld [tilespmem:s23+$0xFFFFFFD0];
	_ =	sdelay $0x4  }
0xa7: {  	[tilespmem:$0x4FC0] =	vst v2  }
0xa8: {  	v2 =	vld [tilespmem:s23+$0xFFFFFFE0];
	_ =	sdelay $0x4  }
0xa9: {  	[tilespmem:$0x4FD0] =	vst v2  }
0xaa: {  	v2 =	vld [tilespmem:s23+$0xFFFFFFF0];
	_ =	sdelay $0x4  }
0xab: {  	[tilespmem:$0x4FE0] =	vst v2  }
0xac: {  	v2 =	vld [tilespmem:s23+$0x0];
	_ =	sdelay $0x4  }
0xad: {  	[tilespmem:$0x4FF0] =	vst v2  }
0xae: {  	[spmem:s2] =	stream.indirect.scatter.add.f32 [tilespmem:s12], [sflag:$0x3], $0x1, s14, s10, $0xb8;
	[tilespmem:$0x5600] =	vst v63  }
0xaf: {  	_ =	swait.ge [sflag:s15], $0x80  }
0xb0: {  	s26 =	simm.s32 $0x17C0;
	s23 =	simm.s32 $0x11C0;
	[sflag:s15] =	ssyncset.done $0x0  }
.LBB2_2:
0xb1: {  	s25 =	sshra.s32 s23, $0x2  }
0xb2: {  	[sflag:s15] =	ssyncadd.s32 $0xFFFFFF80;
	s23 =	smov.u32 s26;
	s24 =	sadd.s32 $0x600, s26  }
0xb3: {  	p0 =	sne.s32 s26, $0x137C0;
	v2 =	vld [tilespmem:s25+$0xFFFFFE90];
	_ =	sdelay $0x4  }
0xb4: {  	[tilespmem:$0x4E80] =	vst v2  }
0xb5: {  	v2 =	vld [tilespmem:s25+$0xFFFFFEA0];
	_ =	sdelay $0x4  }
0xb6: {  	[tilespmem:$0x4E90] =	vst v2  }
0xb7: {  	v2 =	vld [tilespmem:s25+$0xFFFFFEB0];
	_ =	sdelay $0x4  }
0xb8: {  	[tilespmem:$0x4EA0] =	vst v2  }
0xb9: {  	v2 =	vld [tilespmem:s25+$0xFFFFFEC0];
	_ =	sdelay $0x4  }
0xba: {  	[tilespmem:$0x4EB0] =	vst v2  }
0xbb: {  	v2 =	vld [tilespmem:s25+$0xFFFFFED0];
	_ =	sdelay $0x4  }
0xbc: {  	[tilespmem:$0x4EC0] =	vst v2  }
0xbd: {  	v2 =	vld [tilespmem:s25+$0xFFFFFEE0];
	_ =	sdelay $0x4  }
0xbe: {  	[tilespmem:$0x4ED0] =	vst v2  }
0xbf: {  	v2 =	vld [tilespmem:s25+$0xFFFFFEF0];
	_ =	sdelay $0x4  }
0xc0: {  	[tilespmem:$0x4EE0] =	vst v2  }
0xc1: {  	v2 =	vld [tilespmem:s25+$0xFFFFFF00];
	_ =	sdelay $0x4  }
0xc2: {  	[tilespmem:$0x4EF0] =	vst v2  }
0xc3: {  	[spmem:s2] =	stream.indirect.scatter.add.f32 [tilespmem:s12], [sflag:$0x1], $0x1, s11, s10, $0xb8;
	[tilespmem:$0x5600] =	vst v63  }
0xc4: {  	_ =	swait.ge [sflag:s16], $0x80  }
0xc5: {  	[sflag:s16] =	ssyncset.done $0x0  }
0xc6: {  	[sflag:s16] =	ssyncadd.s32 $0xFFFFFF80  }
0xc7: {  	v2 =	vld [tilespmem:s25+$0xFFFFFF10];
	_ =	sdelay $0x4  }
0xc8: {  	[tilespmem:$0x4F00] =	vst v2  }
0xc9: {  	v2 =	vld [tilespmem:s25+$0xFFFFFF20];
	_ =	sdelay $0x4  }
0xca: {  	[tilespmem:$0x4F10] =	vst v2  }
0xcb: {  	v2 =	vld [tilespmem:s25+$0xFFFFFF30];
	_ =	sdelay $0x4  }
0xcc: {  	[tilespmem:$0x4F20] =	vst v2  }
0xcd: {  	v2 =	vld [tilespmem:s25+$0xFFFFFF40];
	_ =	sdelay $0x4  }
0xce: {  	[tilespmem:$0x4F30] =	vst v2  }
0xcf: {  	v2 =	vld [tilespmem:s25+$0xFFFFFF50];
	_ =	sdelay $0x4  }
0xd0: {  	[tilespmem:$0x4F40] =	vst v2  }
0xd1: {  	v2 =	vld [tilespmem:s25+$0xFFFFFF60];
	_ =	sdelay $0x4  }
0xd2: {  	[tilespmem:$0x4F50] =	vst v2  }
0xd3: {  	v2 =	vld [tilespmem:s25+$0xFFFFFF70];
	_ =	sdelay $0x4  }
0xd4: {  	[tilespmem:$0x4F60] =	vst v2  }
0xd5: {  	v2 =	vld [tilespmem:s25+$0xFFFFFF80];
	_ =	sdelay $0x4  }
0xd6: {  	[tilespmem:$0x4F70] =	vst v2  }
0xd7: {  	[spmem:s2] =	stream.indirect.scatter.add.f32 [tilespmem:s12], [sflag:$0x2], $0x1, s13, s10, $0xb8;
	[tilespmem:$0x5600] =	vst v63  }
0xd8: {  	_ =	swait.ge [sflag:s17], $0x80  }
0xd9: {  	[sflag:s17] =	ssyncset.done $0x0  }
0xda: {  	[sflag:s17] =	ssyncadd.s32 $0xFFFFFF80  }
0xdb: {  	v2 =	vld [tilespmem:s25+$0xFFFFFF90];
	_ =	sdelay $0x4  }
0xdc: {  	[tilespmem:$0x4F80] =	vst v2  }
0xdd: {  	v2 =	vld [tilespmem:s25+$0xFFFFFFA0];
	_ =	sdelay $0x4  }
0xde: {  	[tilespmem:$0x4F90] =	vst v2  }
0xdf: {  	v2 =	vld [tilespmem:s25+$0xFFFFFFB0];
	_ =	sdelay $0x4  }
0xe0: {  	[tilespmem:$0x4FA0] =	vst v2  }
0xe1: {  	v2 =	vld [tilespmem:s25+$0xFFFFFFC0];
	_ =	sdelay $0x4  }
0xe2: {  	[tilespmem:$0x4FB0] =	vst v2  }
0xe3: {  	v2 =	vld [tilespmem:s25+$0xFFFFFFD0];
	_ =	sdelay $0x4  }
0xe4: {  	[tilespmem:$0x4FC0] =	vst v2  }
0xe5: {  	v2 =	vld [tilespmem:s25+$0xFFFFFFE0];
	_ =	sdelay $0x4  }
0xe6: {  	[tilespmem:$0x4FD0] =	vst v2  }
0xe7: {  	v2 =	vld [tilespmem:s25+$0xFFFFFFF0];
	_ =	sdelay $0x4  }
0xe8: {  	[tilespmem:$0x4FE0] =	vst v2  }
0xe9: {  	v2 =	vld [tilespmem:s25+$0x0];
	_ =	sdelay $0x3  }
.Ltmp0:
0xea: {  	(pc) =	sbr.rel @p0 .LBB2_2-.Ltmp0, $4  }
0xeb: {  	[tilespmem:$0x4FF0] =	vst v2  }
0xec: {  	[spmem:s2] =	stream.indirect.scatter.add.f32 [tilespmem:s12], [sflag:$0x3], $0x1, s14, s10, $0xb8;
	[tilespmem:$0x5600] =	vst v63  }
0xed: {  	_ =	swait.ge [sflag:s15], $0x80  }
0xee: {  	s26 =	smov.u32 s24;
	[sflag:s15] =	ssyncset.done $0x0  }
0xef: {  	s23 =	sshra.s32 s23, $0x2;
	[sflag:s15] =	ssyncadd.s32 $0xFFFFFF80  }
0xf0: {  	v2 =	vld [tilespmem:s23+$0xFFFFFE90];
	_ =	sdelay $0x4  }
0xf1: {  	[tilespmem:$0x4E80] =	vst v2  }
0xf2: {  	v2 =	vld [tilespmem:s23+$0xFFFFFEA0];
	_ =	sdelay $0x4  }
0xf3: {  	[tilespmem:$0x4E90] =	vst v2  }
0xf4: {  	v2 =	vld [tilespmem:s23+$0xFFFFFEB0];
	_ =	sdelay $0x4  }
0xf5: {  	[tilespmem:$0x4EA0] =	vst v2  }
0xf6: {  	v2 =	vld [tilespmem:s23+$0xFFFFFEC0];
	_ =	sdelay $0x4  }
0xf7: {  	[tilespmem:$0x4EB0] =	vst v2  }
0xf8: {  	v2 =	vld [tilespmem:s23+$0xFFFFFED0];
	_ =	sdelay $0x4  }
0xf9: {  	[tilespmem:$0x4EC0] =	vst v2  }
0xfa: {  	v2 =	vld [tilespmem:s23+$0xFFFFFEE0];
	_ =	sdelay $0x4  }
0xfb: {  	[tilespmem:$0x4ED0] =	vst v2  }
0xfc: {  	v2 =	vld [tilespmem:s23+$0xFFFFFEF0];
	_ =	sdelay $0x4  }
0xfd: {  	[tilespmem:$0x4EE0] =	vst v2  }
0xfe: {  	v2 =	vld [tilespmem:s23+$0xFFFFFF00];
	_ =	sdelay $0x4  }
0xff: {  	[tilespmem:$0x4EF0] =	vst v2  }
0x100: {  	[spmem:s2] =	stream.indirect.scatter.add.f32 [tilespmem:s12], [sflag:$0x1], $0x1, s11, s10, $0xb8;
	[tilespmem:$0x5600] =	vst v63  }
0x101: {  	_ =	swait.ge [sflag:s16], $0x80  }
0x102: {  	[sflag:s16] =	ssyncset.done $0x0  }
0x103: {  	[sflag:s16] =	ssyncadd.s32 $0xFFFFFF80  }
0x104: {  	v2 =	vld [tilespmem:s23+$0xFFFFFF10];
	_ =	sdelay $0x4  }
0x105: {  	[tilespmem:$0x4F00] =	vst v2  }
0x106: {  	v2 =	vld [tilespmem:s23+$0xFFFFFF20];
	_ =	sdelay $0x4  }
0x107: {  	[tilespmem:$0x4F10] =	vst v2  }
0x108: {  	v2 =	vld [tilespmem:s23+$0xFFFFFF30];
	_ =	sdelay $0x4  }
0x109: {  	[tilespmem:$0x4F20] =	vst v2  }
0x10a: {  	v2 =	vld [tilespmem:s23+$0xFFFFFF40];
	_ =	sdelay $0x4  }
0x10b: {  	[tilespmem:$0x4F30] =	vst v2  }
0x10c: {  	v2 =	vld [tilespmem:s23+$0xFFFFFF50];
	_ =	sdelay $0x4  }
0x10d: {  	[tilespmem:$0x4F40] =	vst v2  }
0x10e: {  	v2 =	vld [tilespmem:s23+$0xFFFFFF60];
	_ =	sdelay $0x4  }
0x10f: {  	[tilespmem:$0x4F50] =	vst v2  }
0x110: {  	v2 =	vld [tilespmem:s23+$0xFFFFFF70];
	_ =	sdelay $0x4  }
0x111: {  	[tilespmem:$0x4F60] =	vst v2  }
0x112: {  	v2 =	vld [tilespmem:s23+$0xFFFFFF80];
	_ =	sdelay $0x4  }
0x113: {  	[tilespmem:$0x4F70] =	vst v2  }
0x114: {  	[spmem:s2] =	stream.indirect.scatter.add.f32 [tilespmem:s12], [sflag:$0x2], $0x1, s13, s10, $0xb8;
	[tilespmem:$0x5600] =	vst v63  }
0x115: {  	_ =	swait.ge [sflag:s17], $0x80  }
0x116: {  	[sflag:s17] =	ssyncset.done $0x0  }
0x117: {  	[sflag:s17] =	ssyncadd.s32 $0xFFFFFF80  }
0x118: {  	v2 =	vld [tilespmem:s23+$0xFFFFFF90];
	_ =	sdelay $0x4  }
0x119: {  	[tilespmem:$0x4F80] =	vst v2  }
0x11a: {  	v2 =	vld [tilespmem:s23+$0xFFFFFFA0];
	_ =	sdelay $0x4  }
0x11b: {  	[tilespmem:$0x4F90] =	vst v2  }
0x11c: {  	v2 =	vld [tilespmem:s23+$0xFFFFFFB0];
	_ =	sdelay $0x4  }
0x11d: {  	[tilespmem:$0x4FA0] =	vst v2  }
0x11e: {  	v2 =	vld [tilespmem:s23+$0xFFFFFFC0];
	_ =	sdelay $0x4  }
0x11f: {  	[tilespmem:$0x4FB0] =	vst v2  }
0x120: {  	v2 =	vld [tilespmem:s23+$0xFFFFFFD0];
	_ =	sdelay $0x4  }
0x121: {  	[tilespmem:$0x4FC0] =	vst v2  }
0x122: {  	v2 =	vld [tilespmem:s23+$0xFFFFFFE0];
	_ =	sdelay $0x4  }
0x123: {  	[tilespmem:$0x4FD0] =	vst v2  }
0x124: {  	v2 =	vld [tilespmem:s23+$0xFFFFFFF0];
	_ =	sdelay $0x4  }
0x125: {  	[tilespmem:$0x4FE0] =	vst v2  }
0x126: {  	v2 =	vld [tilespmem:s23+$0x0];
	_ =	sdelay $0x4  }
0x127: {  	[tilespmem:$0x4FF0] =	vst v2  }
0x128: {  	[spmem:s2] =	stream.indirect.scatter.add.f32 [tilespmem:s12], [sflag:$0x3], $0x1, s14, s10, $0xb8;
	[tilespmem:$0x5600] =	vst v63  }
0x129: {  	_ =	swait.ge [sflag:s15], $0x80  }
0x12a: {  	[sflag:s15] =	ssyncset.done $0x0  }
0x12b: {  	[sflag:s15] =	ssyncadd.s32 $0xFFFFFF80  }
0x12c: {  	_ =	swait.ge [sflag:s16], $0x80  }
0x12d: {  	[sflag:s16] =	ssyncset.done $0x0  }
0x12e: {  	[sflag:s16] =	ssyncadd.s32 $0xFFFFFF80  }
0x12f: {  	_ =	swait.ge [sflag:s17], $0x80  }
0x130: {  	[sflag:s17] =	ssyncset.done $0x0  }
0x131: {  	[sflag:s17] =	ssyncadd.s32 $0xFFFFFF80  }
0x132: {  	v2 =	vld [tilespmem:$0x4E00]  }
0x133: {  	v3 =	vld [tilespmem:$0x4E10];
	_ =	sdelay $0x3  }
0x134: {  	[tilespmem:$0x5000] =	vst v2  }
0x135: {  	[tilespmem:$0x5010] =	vst v3  }
0x136: {  	[spmem:s2] =	stream.indirect.scatter.add.f32 [tilespmem:s12], [sflag:$0x4], $0x1, s19, s18, $0xb8;
	[tilespmem:$0x5600] =	vst v63  }
0x137: {  	_ =	swait.ge [sflag:s9], $0x20  }
0x138: {  	s22 =	sadd.s32 $0x1, s22;
	[sflag:s9] =	ssyncset.done $0x0  }
0x139: {  	p0 =	sne.s32 s22, s7;
	[sflag:s9] =	ssyncadd.s32 $0xFFFFFFE0  }
.Ltmp1:
0x13a: {  	[bflag:$0x0] =	sbarrier.arrive $0xFFFF;
	(pc) =	sbr.rel @p0 .LBB2_1-.Ltmp1, $4  }
0x13b: {  	[hbm:s6], [sflag:s20] =	dma.local [spmem:s21], $0x50  }
0x13c: {  	_ =	swait.ge [sflag:s9], $0x50  }
0x13d: {  	[sflag:s9] =	ssyncset.done $0x0  }
0x13e: {  	[sflag:s9] =	ssyncadd.s32 $0xFFFFFFB0  }
0x13f: {  	_ =	sfence.sel $0x180000  }
0x140: {  	[bflag:$0x0] =	sbarrier.arrive $0xFFFF  }
0x141: {  	p0 =	sne.s32 s0, $0x0;
	_ =	strace $0x90000047  }
0x142: {  	s0 =	sadd.s32 @!p0 $0x100000, s1;
	[bflag:$0x2] =	sbarrier.arrive $0xFFFF  }
0x143: {  	[sflag:s0] =	ssyncadd.tile.s32 @!p0 $0x1;
	_ =	shalt  }
.Lfunc_end2:
_tile_overlayer_lowered:
.L_overlay_start_2:
0x144: {  	(tag) =	ssettag $0x2  }
0x145: {  	s0 =	rddreg [dreg:$0x0];
	s2 =	stileid.u32  }
0x146: {  	s1 =	rddreg [dreg:$0x1];
	p0 =	sne.s32 s2, $0x0  }
0x147: {  	s3 =	rddreg [dreg:$0x2];
	[bflag:$0x3] =	sbarrier.arrive $0xFFFF;
	s2 =	simm.s32 @!p0 $0x1C04  }
0x148: {  	[timem:s3], [sflag:s2] =	dma.local @!p0 [hbm:s0], s1  }
0x149: {  	s0 =	simm.s32 @!p0 $0x4  }
0x14a: {  	_ =	swait.ge @!p0 [sflag:s0], s1  }
0x14b: {  	s1 =	ssub.s32 @!p0 $0x0, s1;
	[sflag:s0] =	ssyncset.done @!p0 $0x0  }
0x14c: {  	[sflag:s0] =	ssyncadd.s32 @!p0 s1  }
0x14d: {  	[bflag:$0x3] =	sbarrier.arrive $0xFFFF  }
0x14e: {  	_ =	shalt  }

// kernel: kernel.9.cloned.1.call-start
scs
__scs_entry_jumppad:
0x0: {  	(pc) =	sbr.rel $0x88, $3  }
0x1: {  	(tag) =	ssettag $0x0;
	lr =	simm.s32 $0x1  }
0x2: {  	[smem:$0x3F9D] =	sst lr;
	_ =	strace $0xD0000000  }
0x3: {  	_ = 	snop  }
0x4: {  	_ = 	snop  }
0x5: {  	_ = 	snop  }
0x6: {  	_ = 	snop  }
0x7: {  	_ = 	snop  }
__scs_overlays_trampoline_lowered:
0x8: {  	[smem:$0x3FAC] =	sst s0  }
0x9: {  	[smem:$0x3FAD] =	sst s1  }
0xa: {  	[smem:$0x3FAE] =	sst s2  }
0xb: {  	[smem:$0x3FAF] =	sst s3  }
0xc: {  	[smem:$0x3FB0] =	sst s4  }
0xd: {  	[smem:$0x3FB1] =	sst s5  }
0xe: {  	[smem:$0x3FB2] =	sst s6  }
0xf: {  	[smem:$0x3FB3] =	sst s7  }
0x10: {  	[smem:$0x3FB4] =	sst s8  }
0x11: {  	[smem:$0x3FB5] =	sst s9;
	s0 =	simm.s32 @!p0 $0x0  }
0x12: {  	s1 =	sld [smem:$0x3F9B];
	s0 =	simm.s32 @p0 $0x1  }
0x13: {  	[smem:$0x3FB6] =	sst s0;
	s0 =	simm.s32 @!p1 $0x0  }
0x14: {  	s2 =	sld [smem:$0x3F9A];
	s0 =	simm.s32 @p1 $0x1  }
0x15: {  	[smem:$0x3FB7] =	sst s0;
	s0 =	simm.s32 @!p2 $0x0  }
0x16: {  	s3 =	sld [smem:$0x3FDB];
	s0 =	simm.s32 @p2 $0x1  }
0x17: {  	s4 =	simm.s32 $0x1BF5;
	[smem:$0x3FB9] =	sst s0  }
0x18: {  	s0 =	sld [smem:$0x3F9C];
	_ =	swait.ge [sflag:s4], $0x0  }
0x19: {  	s7 =	sld [smem:$0x3F9D]  }
0x1a: {  	s8 =	sadd.s32 $0xFFFFE003, lr  }
0x1b: {  	s9 =	sadd.s32 $0xFFFFFEF7, lr;
	s5 =	simm.s32 $0xFFFFFFFF;
	p2 =	slt.u32 s8, $0xFFFFF086  }
0x1c: {  	p1 =	slt.u32 s9, $0xF7A;
	s5 =	simm.s32 @!p2 $0x0  }
0x1d: {  	s5 =	simm.s32 @p1 $0x1;
	p0 =	seq.s32 s7, s2  }
0x1e: {  	s7 =	smul.u32 @!p0 $0xF7A, s2;
	p2 =	seq.s32 @!p0 s5, $0x0  }
0x1f: {  	s9 =	smul.u32 $0xF7A, s1;
	s8 =	simm.s32 @!p0 $0x1BF5;
	p2 =	por !p2, p0  }
0x20: {  	[sflag:s8] =	ssyncset.s32 @!p0 $0xFFFFF086;
	s6 =	sadd.s32 @!p0 s3, s7;
	s7 =	simm.s32 @!p0 $0x108  }
0x21: {  	s3 =	sadd.s32 s3, s9;
	s6 =	sadd.s32 @!p0 $0x88, s6;
	s7 =	simm.s32 @p2 $0x1082  }
0x22: {  	[simem:s7], [sflag:s8] =	dma.local @!p0 [hbm:s6], $0xF7A  }
0x23: {  	s9 =	sor.u32 $0xD0000000, s2;
	s6 =	simm.s32 $0x108;
	_ =	swait.ge @!p0 [sflag:s8], $0x0  }
0x24: {  	s3 =	sadd.s32 $0x88, s3;
	s6 =	simm.s32 @!p1 $0x1082;
	[sflag:s4] =	ssyncset.s32 $0xFFFFF086  }
0x25: {  	[simem:s6], [sflag:s4] =	dma.local [hbm:s3], $0xF7A  }
0x26: {  	[smem:$0x3F9D] =	sst s1;
	(tag) =	ssettag s2;
	_ =	strace s9  }
0x27: {  	s1 =	sld [smem:$0x3FAD]  }
0x28: {  	s2 =	sld [smem:$0x3FAE]  }
0x29: {  	s4 =	sld [smem:$0x3FB0]  }
0x2a: {  	p0 =	seq.s32 s5, $0x0;
	s5 =	sld [smem:$0x3FB1]  }
0x2b: {  	s6 =	sld [smem:$0x3FB2]  }
0x2c: {  	s7 =	sld [smem:$0x3FB3]  }
0x2d: {  	s3 =	simm.s32 $0x108;
	s8 =	sld [smem:$0x3FB4]  }
0x2e: {  	s3 =	simm.s32 @!p0 $0x1082;
	s9 =	sld [smem:$0x3FB5]  }
0x2f: {  	lr =	sadd.s32 s0, s3;
	s0 =	sld [smem:$0x3FAC]  }
0x30: {  	s3 =	sld [smem:$0x3FAF]  }
0x31: {  	[smem:$0x3FB8] =	sst s10  }
0x32: {  	s10 =	sld [smem:$0x3FB6];
	_ =	sdelay $0x3  }
0x33: {  	p0 =	seq.s32 s10, $0x1;
	s10 =	sld [smem:$0x3FB8];
	_ =	sdelay $0x3  }
0x34: {  	[smem:$0x3FB8] =	sst s10  }
0x35: {  	s10 =	sld [smem:$0x3FB7];
	_ =	sdelay $0x3  }
0x36: {  	p1 =	seq.s32 s10, $0x1;
	s10 =	sld [smem:$0x3FB8];
	_ =	sdelay $0x3  }
0x37: {  	[smem:$0x3FB8] =	sst s10  }
0x38: {  	s10 =	sld [smem:$0x3FB9]  }
0x39: {  	_ = 	snop;
	(pc) =	sbr.ind lr, $3  }
0x3a: {  	_ = 	snop  }
0x3b: {  	_ = 	snop  }
0x3c: {  	p2 =	seq.s32 s10, $0x1;
	s10 =	sld [smem:$0x3FB8]  }
0x3d: {  	_ =	shalt  }
0x3e: {  	_ =	shalt  }
0x3f: {  	_ =	shalt  }
0x40: {  	_ =	shalt  }
0x41: {  	_ =	shalt  }
0x42: {  	_ =	shalt  }
0x43: {  	_ =	shalt  }
0x44: {  	_ =	shalt  }
0x45: {  	_ =	shalt  }
0x46: {  	_ =	shalt  }
0x47: {  	_ =	shalt  }
0x48: {  	_ =	shalt  }
0x49: {  	_ =	shalt  }
0x4a: {  	_ =	shalt  }
0x4b: {  	_ =	shalt  }
0x4c: {  	_ =	shalt  }
0x4d: {  	_ =	shalt  }
0x4e: {  	_ =	shalt  }
0x4f: {  	_ =	shalt  }
0x50: {  	_ =	shalt  }
0x51: {  	_ =	shalt  }
0x52: {  	_ =	shalt  }
0x53: {  	_ =	shalt  }
0x54: {  	_ =	shalt  }
0x55: {  	_ =	shalt  }
0x56: {  	_ =	shalt  }
0x57: {  	_ =	shalt  }
0x58: {  	_ =	shalt  }
0x59: {  	_ =	shalt  }
0x5a: {  	_ =	shalt  }
0x5b: {  	_ =	shalt  }
0x5c: {  	_ =	shalt  }
0x5d: {  	_ =	shalt  }
0x5e: {  	_ =	shalt  }
0x5f: {  	_ =	shalt  }
0x60: {  	_ =	shalt  }
0x61: {  	_ =	shalt  }
0x62: {  	_ =	shalt  }
0x63: {  	_ =	shalt  }
0x64: {  	_ =	shalt  }
0x65: {  	_ =	shalt  }
0x66: {  	_ =	shalt  }
0x67: {  	_ =	shalt  }
0x68: {  	_ =	shalt  }
0x69: {  	_ =	shalt  }
0x6a: {  	_ =	shalt  }
0x6b: {  	_ =	shalt  }
0x6c: {  	_ =	shalt  }
0x6d: {  	_ =	shalt  }
0x6e: {  	_ =	shalt  }
0x6f: {  	_ =	shalt  }
0x70: {  	_ =	shalt  }
0x71: {  	_ =	shalt  }
0x72: {  	_ =	shalt  }
0x73: {  	_ =	shalt  }
0x74: {  	_ =	shalt  }
0x75: {  	_ =	shalt  }
0x76: {  	_ =	shalt  }
0x77: {  	_ =	shalt  }
0x78: {  	_ =	shalt  }
0x79: {  	_ =	shalt  }
0x7a: {  	_ =	shalt  }
0x7b: {  	_ =	shalt  }
0x7c: {  	_ =	shalt  }
0x7d: {  	_ =	shalt  }
0x7e: {  	_ =	shalt  }
0x7f: {  	_ =	shalt  }
0x80: {  	_ =	shalt  }
0x81: {  	_ =	shalt  }
0x82: {  	_ =	shalt  }
0x83: {  	_ =	shalt  }
0x84: {  	_ =	shalt  }
0x85: {  	_ =	shalt  }
0x86: {  	_ =	shalt  }
0x87: {  	_ =	shalt  }
.Lfunc_end0:
.L_simem_size_0:
called_computation.1_lowered:
.L_overlay_start_0:
0x88: {  	s2 =	sld [smem:$0x3FD9]  }
0x89: {  	s3 =	sld [smem:$0x3FFE];
	_ =	sdelay $0x1  }
0x8a: {  	s1 =	srdreg.scid  }
0x8b: {  	s0 =	sand.u32 $0x1, s1  }
0x8c: {  	s14 =	sshll.u32 s0, $0xA;
	s2 =	sadd.s32 s3, s2  }
0x8d: {  	s2 =	sadd.s32 s2, s14  }
0x8e: {  	[smem:$0x3FC4] =	sst s2  }
0x8f: {  	_ = 	snop  }
0x90: {  	s2 =	sld [smem:$0x3FD0];
	_ =	sdelay $0x2  }
0x91: {  	s15 =	simm.s32 $0xA;
	s4 =	simm.s32 $0x10  }
0x92: {  	[smem:s4], [sflag:s15] =	dma.local [hbm:s2], $0x1  }
0x93: {  	_ =	swait.eq [sflag:s15], $0x1  }
0x94: {  	[sflag:s15] =	ssyncset.done $0x0  }
0x95: {  	s16 =	sld [smem:$0x10];
	[sflag:s15] =	ssyncadd.s32 $0xFFFFFFFF  }
0x96: {  	s17 =	sld [smem:$0x11];
	(tm) =	ssettm $0x1  }
0x97: {  	s18 =	sld [smem:$0x3FFB];
	_ =	sdelay $0x3  }
0x98: {  	_ =	strace s18  }
0x99: {  	s4 =	sld [smem:$0x3FFC];
	_ =	sdelay $0x3  }
0x9a: {  	_ =	strace s4  }
0x9b: {  	s4 =	sld [smem:$0x3FFD];
	_ =	sdelay $0x3  }
0x9c: {  	_ =	strace s4  }
0x9d: {  	_ =	strace $0x8FFFFFFF  }
0x9e: {  	s19 =	sld [smem:$0x3FDB];
	_ =	sdelay $0x1  }
0x9f: {  	s5 =	simm.s32 $_scs_section_size  }
0xa0: {  	s6 =	simm.s32 $_size__tile_overlayer_lowered;
	s7 =	simm.s32 $_tile_overlayer_lowered  }
0xa1: {  	s22 =	simm.s32 $0x1BFF;
	s21 =	sshll.u32 s7, $0x1;
	s4 =	sadd.s32 s5, s19  }
0xa2: {  	s8 =	simm.s32 $0x0;
	s20 =	sshll.u32 s6, $0x1;
	s6 =	sadd.s32 s21, s4  }
0xa3: {  	[timem:s8], [sflag:s22] =	dma.local [hbm:s6], s20  }
0xa4: {  	_ =	swait.ge [sflag:s22], s20  }
0xa5: {  	s5 =	ssub.s32 $0x0, s20;
	[sflag:s22] =	ssyncset.done $0x0  }
0xa6: {  	[sflag:s22] =	ssyncadd.s32 s5;
	_ =	sdelay $0x1  }
0xa7: {  	s23 =	simm.s32 $0x1B8B  }
0xa8: {  	_ =	swait.ge [sflag:s23], $0x1  }
0xa9: {  	[sflag:s23] =	ssyncset.done $0x0  }
0xaa: {  	s25 =	simm.s32 $0x1B8E;
	s24 =	sld [smem:$0x3FFE];
	[sflag:s23] =	ssyncadd.s32 $0xFFFFFFFF  }
0xab: {  	s26 =	simm.s32 $execute0_lowered;
	[smem:$0x3FD2] =	sst s25  }
0xac: {  	s6 =	sshll.u32 s26, $0x1;
	_ =	strace $0x80000049;
	[dreg:$0x1] =	wrdreg $0xFFFFFFFF  }
0xad: {  	s28 =	simm.s32 $_size_execute0_lowered;
	s4 =	sadd.s32 s4, s6;
	[dreg:$0x0] =	wrdreg $0x0  }
0xae: {  	s6 =	sshll.u32 s28, $0x1;
	[dreg:$0x2] =	wrdreg s4  }
0xaf: {  	[dreg:$0x3] =	wrdreg s6  }
0xb0: {  	[dreg:$0x4] =	wrdreg $0xC0  }
0xb1: {  	_ =	task [dreg:s8], $0x5FFFF  }
0xb2: {  	[dreg:$0x1] =	wrdreg $0xFFFFFFFF  }
0xb3: {  	[dreg:$0x0] =	wrdreg $0x60  }
0xb4: {  	[dreg:$0x2] =	wrdreg s24  }
0xb5: {  	[dreg:$0x3] =	wrdreg s17  }
0xb6: {  	[dreg:$0x4] =	wrdreg s16  }
0xb7: {  	[dreg:$0x5] =	wrdreg $0x9B000  }
0xb8: {  	[dreg:$0x6] =	wrdreg $0x9  }
0xb9: {  	_ =	task.clear_ibuf [dreg:s8], $0x7FFFF;
	_ =	strace $0x90000049  }
0xba: {  	s29 =	simm.s32 $0x9;
	_ =	strace $0x8000004B  }
0xbb: {  	_ =	swait.ge [sflag:s29], $0x1  }
0xbc: {  	[sflag:s29] =	ssyncadd.s32 $0xFFFFFFFF  }
0xbd: {  	_ =	strace $0x9000004B  }
0xbe: {  	_ =	sfence  }
0xbf: {  	s30 =	sld [smem:$0x0];
	_ =	sdelay $0x2  }
0xc0: {  	s31 =	sshll.u32 s1, $0xD;
	s1 =	sshrl.u32 s1, $0x2  }
0xc1: {  	s3 =	sand.u32 $0x4000, s31;
	s1 =	sadd.s32 s1, s30  }
0xc2: {  	s0 =	sor.u32 s3, s0;
	s1 =	sshll.u32 s1, $0x11  }
0xc3: {  	s0 =	sor.u32 s1, s0  }
0xc4: {  	s0 =	sadd.s32 $0x8F2B, s0  }
0xc5: {  	[sflag:s0] =	ssyncadd.remote.s32 $0x1  }
0xc6: {  	_ =	sfence.sel $0xFFFF  }
0xc7: {  	[dreg:$0x0] =	wrdreg $0xFFFFFFFF;
	(pc) =	sbr.abs _section_cstart, $3  }
0xc8: {  	[dreg:$0x1] =	wrdreg $0xFFFFFFFF  }
0xc9: {  	_ =	task.clear_ibuf [dreg:s8], $0x2FFFF;
	_ =	strace $0x9FFFFFFF  }
0xca: {  	(tm) =	ssettm $0x7FFFFFFF  }
0xcb: {  	_ =	shalt  }
tec
execute0_lowered:
.L_overlay_start_1:
0x0: {  	(tag) =	ssettag $0x1  }
0x1: {  	s0 =	rddreg [dreg:$0x0]  }
0x2: {  	s1 =	rddreg [dreg:$0x1]  }
0x3: {  	s2 =	rddreg [dreg:$0x2]  }
0x4: {  	s3 =	rddreg [dreg:$0x3];
	s4 =	simm.s32 $0x0;
	s5 =	srdreg.scid  }
0x5: {  	s28 =	simm.s32 $0x2200;
	s29 =	simm.s32 $0x4B00;
	s30 =	simm.s32 $0x3  }
0x6: {  	s31 =	simm.s32 $0x5;
	[smem:$0x7FF] =	sst s4;
	s4 =	stileid.u32  }
0x7: {  	s5 =	sand.u32 $0x1, s5;
	s7 =	sadd.s32 $0xB600, s0;
	s8 =	sadd.s32 $0x1800, s0  }
0x8: {  	s0 =	sadd.s32 $0x15400, s0;
	s18 =	sadd.s32 $0x25800, s1;
	s23 =	sadd.s32 $0x25800, s2  }
0x9: {  	_ =	strace $0x8000004A;
	s6 =	smul.u32 $0x4E20, s4;
	s9 =	ssub.s32 $0x2, s5  }
0xa: {  	p3 =	seq.s32 s5, $0x0;
	p0 =	seq.s32 s5, $0x1;
	s12 =	smul.u32 $0x50000, s4  }
0xb: {  	p2 =	sne.s32 s4, $0xF;
	s14 =	smul.u32 $0x2800, s4;
	[dreg:$0x7] =	wrdreg s18  }
0xc: {  	p1 =	seq.s32 s4, $0xF;
	s15 =	smul.u32 $0x140000, s5;
	[dreg:$0xa] =	wrdreg s23  }
0xd: {  	p5 =	sne.s32 s5, $0x0;
	s26 =	sshll.u32 s4, $0x6;
	s23 =	simm.s32 $0x1  }
0xe: {  	s10 =	sshrl.u32 s9, $0x1;
	p4 =	por !p3, !p2;
	p3 =	por !p3, !p1  }
0xf: {  	p2 =	por !p2, !p0;
	s11 =	sshrl.u32 s6, $0x3;
	s9 =	ssub.s32 s9, s10  }
0x10: {  	p4 =	por !p4, !p4;
	p3 =	por !p3, !p3;
	s12 =	sshrl.u32 s12, $0x2  }
0x11: {  	s19 =	sadd.s32 s1, s14;
	p2 =	por !p2, !p2;
	s21 =	sadd.s32 s2, s14  }
0x12: {  	s14 =	simm.s32 $0x6;
	s16 =	sadd.s32 s7, s11;
	[dreg:$0x8] =	wrdreg s19  }
0x13: {  	s17 =	sadd.s32 s8, s11;
	s10 =	simm.s32 @!p4 $0x0;
	[dreg:$0x9] =	wrdreg s21  }
0x14: {  	s11 =	sadd.s32 $0x12C000, s3;
	s13 =	sadd.s32 s12, s3;
	[dreg:$0x5] =	wrdreg s16  }
0x15: {  	s25 =	smax.u32 s9, $0x1;
	s21 =	simm.s32 $0x0;
	[dreg:$0x6] =	wrdreg s17  }
0x16: {  	s10 =	simm.s32 @p4 $0x1;
	s16 =	smul.u32 $0x14000, s4;
	[dreg:$0xd] =	wrdreg s25  }
0x17: {  	s25 =	simm.s32 $0x4;
	[smem:$0x7FB] =	sst s10;
	s10 =	simm.s32 @!p3 $0x0  }
0x18: {  	s10 =	simm.s32 @p3 $0x1;
	s20 =	sadd.s32 s16, s15;
	s15 =	sshrl.u32 s15, $0x3  }
0x19: {  	[smem:$0x7FC] =	sst s10;
	s10 =	simm.s32 @!p2 $0x0;
	s12 =	sshrl.u32 s20, $0x3  }
.Ltmp0:
0x1a: {  	s22 =	sadd.s32 s0, s15;
	s10 =	simm.s32 @p2 $0x1;
	(pc) =	sbr.rel .LBB2_1-.Ltmp0, $4  }
0x1b: {  	s20 =	simm.s32 $0x7;
	s0 =	sadd.s32 s0, s12;
	[smem:$0x7FD] =	sst s10  }
0x1c: {  	s24 =	sadd.s32 $0x25800, s22;
	s12 =	simm.s32 $0x7300;
	[dreg:$0xb] =	wrdreg s0  }
0x1d: {  	[dreg:$0xc] =	wrdreg s24;
	s0 =	sor.u32 $0x1C07, s26;
	s24 =	simm.s32 $0x2  }
0x1e: {  	s26 =	simm.s32 $0x50;
	[dreg:$0xe] =	wrdreg s0;
	s0 =	simm.s32 $0x2280  }
.LBB2_9:
0x1f: {  	_ =	swait.ge [sflag:s23], $0x2800  }
0x20: {  	[sflag:s23] =	ssyncset.done $0x0  }
0x21: {  	[sflag:s23] =	ssyncadd.s32 $0xFFFFD800  }
0x22: {  	_ =	swait.ge [sflag:s14], $0x2800  }
0x23: {  	[sflag:s14] =	ssyncset.done $0x0  }
0x24: {  	s5 =	simm.s32 $0x2180;
	s9 =	simm.s32 $0x2300;
	[sflag:s14] =	ssyncadd.s32 $0xFFFFD800  }
0x25: {  	[spmem:s3] =	stream.indirect.scatter.add.f32 [tilespmem:s9], [sflag:$0x4], $0x80, s5, s26, $0xb8;
	[tilespmem:$0x1D380] =	vst v63  }
0x26: {  	_ =	swait.ge [sflag:s25], $0x2800  }
0x27: {  	[sflag:s25] =	ssyncset.done $0x0  }
0x28: {  	[sflag:s25] =	ssyncadd.s32 $0xFFFFD800  }
0x29: {  	s5 =	sshll.u32 @!p1 s4, $0x6;
	[bflag:$0x0] =	sbarrier.arrive $0xFFFF  }
0x2a: {  	s9 =	sshrl.u32 @!p1 s13, $0x3;
	s5 =	sor.u32 @!p1 $0x1C07, s5;
	s10 =	rddreg [dreg:$0xb]  }
0x2b: {  	[hbm:s10], [sflag:s5] =	dma.local @!p1 [spmem:s9], $0x2800  }
0x2c: {  	s5 =	simm.s32 @!p1 $0x7  }
0x2d: {  	_ =	swait.ge @!p1 [sflag:s5], $0x2800  }
0x2e: {  	s9 =	sshll.u32 @p6 s4, $0x6;
	[sflag:s5] =	ssyncset.done @!p1 $0x0;
	s10 =	rddreg [dreg:$0xc]  }
0x2f: {  	[sflag:s5] =	ssyncadd.s32 @!p1 $0xFFFFD800;
	s5 =	sor.u32 @p6 $0x1C07, s9;
	s9 =	sshrl.u32 @p6 s11, $0x3  }
0x30: {  	[hbm:s10], [sflag:s5] =	dma.local @p6 [spmem:s9], $0x1900  }
0x31: {  	s5 =	simm.s32 @p6 $0x7  }
0x32: {  	_ =	swait.ge @p6 [sflag:s5], $0x1900  }
0x33: {  	s21 =	sadd.s32 $0x1, s21;
	s22 =	rddreg [dreg:$0xd]  }
0x34: {  	p2 =	sne.s32 s21, s22  }
.Ltmp1:
0x35: {  	_ = 	snop;
	(pc) =	sbr.rel @!p2 .LBB2_10-.Ltmp1, $3  }
0x36: {  	_ =	sdelay $0x1  }
0x37: {  	[sflag:s5] =	ssyncset.done @p6 $0x0  }
0x38: {  	[sflag:s5] =	ssyncadd.s32 @p6 $0xFFFFE700  }
.LBB2_1:
0x39: {  	s5 =	simm.s32 $0x0;
	s9 =	rddreg [dreg:$0x5]  }
0x3a: {  	[tilespmem:s5], [sflag:$0x7] =	stream.linear.gather [hbm4b:s9+s5], $0xFA0, $0x38;
	[tilespmem:$0x1D380] =	vst v63  }
0x3b: {  	_ =	swait.ge [sflag:s20], $0xFA0  }
0x3c: {  	[sflag:s20] =	ssyncset.done $0x0  }
0x3d: {  	s10 =	simm.s32 $0x1000;
	s19 =	rddreg [dreg:$0x6];
	[sflag:s20] =	ssyncadd.s32 $0xFFFFF060  }
0x3e: {  	[tilespmem:s10], [sflag:$0x7] =	stream.linear.gather [hbm4b:s19+s5], $0xFA0, $0x38;
	[tilespmem:$0x1D380] =	vst v63  }
0x3f: {  	_ =	swait.ge [sflag:s20], $0xFA0  }
0x40: {  	[sflag:s20] =	ssyncset.done $0x0  }
0x41: {  	[sflag:s20] =	ssyncadd.s32 $0xFFFFF060  }
0x42: {  	v0 =	vld [tilespmem:$0x0]  }
0x43: {  	v1 =	vld [tilespmem:$0x10]  }
0x44: {  	v2 =	vld [tilespmem:$0x20]  }
0x45: {  	v3 =	vld [tilespmem:$0x30]  }
0x46: {  	v4 =	vld [tilespmem:$0x40]  }
0x47: {  	v49 =	vld [tilespmem:$0x1000];
	[tilespmem:$0x2000] =	vst v0  }
0x48: {  	v50 =	vld [tilespmem:$0x1010];
	[tilespmem:$0x2010] =	vst v1  }
0x49: {  	v51 =	vld [tilespmem:$0x1020];
	[tilespmem:$0x2020] =	vst v2  }
0x4a: {  	v52 =	vld [tilespmem:$0x1030];
	[tilespmem:$0x2030] =	vst v3  }
0x4b: {  	v53 =	vld [tilespmem:$0x1040];
	[tilespmem:$0x2040] =	vst v4  }
0x4c: {  	[tilespmem:$0x2180] =	vst v49  }
0x4d: {  	[tilespmem:$0x2190] =	vst v50  }
0x4e: {  	[tilespmem:$0x21A0] =	vst v51  }
0x4f: {  	[tilespmem:$0x21B0] =	vst v52  }
0x50: {  	s15 =	simm.s32 @!p5 $0x2300;
	s9 =	simm.s32 @!p5 $0x2000;
	s5 =	simm.s32 @!p5 $0x50;
	[tilespmem:$0x21C0] =	vst v53  }
0x51: {  	[tilespmem:s15], [sflag:$0x1] =	stream.indirect.gather @!p5 [hbm4b:s1+s5], $0x80, s9, s5, $0xb8;
	[tilespmem:$0x1D380] =	vst v63  }
0x52: {  	s22 =	simm.s32 @p0 $0x2300;
	s9 =	simm.s32 @p0 $0x50;
	s15 =	simm.s32 @p0 $0x2000  }
0x53: {  	[tilespmem:s22], [sflag:$0x1] =	stream.indirect.gather @p0 [hbm4b:s2+s9], $0x80, s15, s9, $0xb8;
	[tilespmem:$0x1D380] =	vst v63  }
0x54: {  	v54 =	vld [tilespmem:$0x50]  }
0x55: {  	v55 =	vld [tilespmem:$0x60]  }
0x56: {  	v56 =	vld [tilespmem:$0x70]  }
0x57: {  	v57 =	vld [tilespmem:$0x80]  }
0x58: {  	v58 =	vld [tilespmem:$0x90]  }
0x59: {  	v59 =	vld [tilespmem:$0x1050];
	[tilespmem:$0x2080] =	vst v54  }
0x5a: {  	v60 =	vld [tilespmem:$0x1060];
	[tilespmem:$0x2090] =	vst v55  }
0x5b: {  	v61 =	vld [tilespmem:$0x1070];
	[tilespmem:$0x20A0] =	vst v56  }
0x5c: {  	v62 =	vld [tilespmem:$0x1080];
	[tilespmem:$0x20B0] =	vst v57  }
0x5d: {  	v63 =	vld [tilespmem:$0x1090];
	[tilespmem:$0x20C0] =	vst v58  }
0x5e: {  	[tilespmem:$0x2200] =	vst v59  }
0x5f: {  	[tilespmem:$0x2210] =	vst v60  }
0x60: {  	[tilespmem:$0x2220] =	vst v61  }
0x61: {  	[tilespmem:$0x2230] =	vst v62  }
0x62: {  	s15 =	simm.s32 @!p5 $0x2080;
	s22 =	simm.s32 @!p5 $0x4B00;
	[tilespmem:$0x2240] =	vst v63  }
0x63: {  	[tilespmem:s22], [sflag:$0x2] =	stream.indirect.gather @!p5 [hbm4b:s1+s5], $0x80, s15, s5, $0xb8;
	[tilespmem:$0x1D380] =	vst v63  }
0x64: {  	s22 =	sld [smem:$0x7FB];
	_ =	sdelay $0x2  }
0x65: {  	p2 =	seq.s32 s22, $0x1  }
.Ltmp2:
0x66: {  	_ = 	snop;
	(pc) =	sbr.rel @!p2 .LBB2_4-.Ltmp2, $3  }
0x67: {  	_ =	sdelay $0x1  }
0x68: {  	s5 =	simm.s32 @p0 $0x2080;
	s15 =	simm.s32 @p0 $0x4B00  }
0x69: {  	[tilespmem:s15], [sflag:$0x2] =	stream.indirect.gather @p0 [hbm4b:s2+s9], $0x80, s5, s9, $0xb8;
	[tilespmem:$0x1D380] =	vst v63  }
0x6a: {  	s9 =	rddreg [dreg:$0x8]  }
.Ltmp3:
0x6b: {  	s5 =	sshrl.u32 s13, $0x3;
	s10 =	rddreg [dreg:$0xe];
	(pc) =	sbr.rel .LBB2_3-.Ltmp3, $4  }
0x6c: {  	[spmem:s5], [sflag:s10] =	dma.local [hbm:s9], $0x2800  }
0x6d: {  	_ =	swait.ge [sflag:s20], $0x2800  }
0x6e: {  	[sflag:s20] =	ssyncset.done $0x0  }
0x6f: {  	p6 =	por $0x0, $0x0;
	[sflag:s20] =	ssyncadd.s32 $0xFFFFD800  }
.LBB2_4:
0x70: {  	s5 =	sld [smem:$0x7FC];
	_ =	sdelay $0x2  }
0x71: {  	p2 =	seq.s32 s5, $0x1  }
.Ltmp4:
0x72: {  	_ = 	snop;
	(pc) =	sbr.rel @!p2 .LBB2_3-.Ltmp4, $2  }
0x73: {  	_ =	sdelay $0x2  }
0x74: {  	p6 =	por p1, p1  }
0x75: {  	s5 =	sshrl.u32 s11, $0x3  }
.Ltmp5:
0x76: {  	s9 =	rddreg [dreg:$0x7];
	s10 =	simm.s32 $0x1FC7;
	(pc) =	sbr.rel .LBB2_6-.Ltmp5, $4  }
0x77: {  	[spmem:s5], [sflag:s10] =	dma.local [hbm:s9], $0x1900  }
0x78: {  	_ =	swait.ge [sflag:s20], $0x1900  }
0x79: {  	[sflag:s20] =	ssyncset.done $0x0  }
0x7a: {  	p6 =	por $0x1, $0x1;
	[sflag:s20] =	ssyncadd.s32 $0xFFFFE700  }
.LBB2_3:
0x7b: {  	s5 =	sld [smem:$0x7FD];
	_ =	sdelay $0x2  }
0x7c: {  	p2 =	seq.s32 s5, $0x1  }
0x7d: {  	s5 =	sshll.u32 @p2 s4, $0x6  }
0x7e: {  	s10 =	rddreg [dreg:$0x9];
	s9 =	sshrl.u32 @p2 s13, $0x3;
	s5 =	sor.u32 @p2 $0x1C07, s5  }
0x7f: {  	[spmem:s9], [sflag:s5] =	dma.local @p2 [hbm:s10], $0x2800  }
0x80: {  	s5 =	simm.s32 @p2 $0x7  }
0x81: {  	_ =	swait.ge @p2 [sflag:s5], $0x2800  }
0x82: {  	[sflag:s5] =	ssyncset.done @p2 $0x0  }
0x83: {  	[sflag:s5] =	ssyncadd.s32 @p2 $0xFFFFD800  }
.LBB2_6:
0x84: {  	p2 =	por !p6, !p0  }
0x85: {  	p2 =	por !p2, !p2  }
0x86: {  	s5 =	sshll.u32 @p2 s4, $0x6  }
0x87: {  	s10 =	rddreg [dreg:$0xa];
	s9 =	sshrl.u32 @p2 s11, $0x3;
	s5 =	sor.u32 @p2 $0x1C07, s5  }
0x88: {  	[spmem:s9], [sflag:s5] =	dma.local @p2 [hbm:s10], $0x1900  }
0x89: {  	s5 =	simm.s32 @p2 $0x7  }
0x8a: {  	_ =	swait.ge @p2 [sflag:s5], $0x1900  }
0x8b: {  	[sflag:s5] =	ssyncset.done @p2 $0x0  }
0x8c: {  	[sflag:s5] =	ssyncadd.s32 @p2 $0xFFFFE700  }
0x8d: {  	s15 =	simm.s32 $0x0;
	[bflag:$0x0] =	sbarrier.arrive $0xFFFF  }
.LBB2_7:
0x8e: {  	p3 =	sne.s32 s15, $0x0  }
0x8f: {  	s5 =	sadd.s32 @p3 $0x2, s15  }
0x90: {  	s9 =	sand.u32 @p3 $0xFF, s5  }
0x91: {  	s9 =	smul.u32 @p3 $0x29, s9;
	_ =	sdelay $0x1  }
0x92: {  	s9 =	sshrl.u32 @p3 s9, $0xB  }
0x93: {  	s9 =	smul.u32 @p3 $0x32, s9;
	_ =	sdelay $0x1  }
0x94: {  	s9 =	ssub.s32 @p3 s5, s9  }
0x95: {  	s9 =	sand.u32 @p3 $0xFF, s9  }
0x96: {  	p4 =	sne.s32 @p3 s9, $0x0  }
0x97: {  	_ =	swait.ge [sflag:s23], $0x2800;
	p2 =	por p4, !p3  }
0x98: {  	[sflag:s23] =	ssyncset.done $0x0;
	s5 =	sand.u32 @!p2 $0xFF, s5  }
0x99: {  	s22 =	simm.s32 @p3 $0x6;
	[sflag:s23] =	ssyncadd.s32 $0xFFFFD800;
	s5 =	smul.u32 @!p2 $0x29, s5  }
0x9a: {  	s10 =	simm.s32 @p3 $0x2180;
	_ =	swait.ge @p3 [sflag:s22], $0x2800  }
0x9b: {  	s16 =	simm.s32 @p3 $0x2300;
	[sflag:s22] =	ssyncset.done @p3 $0x0;
	s5 =	sshrl.u32 @!p2 s5, $0xB  }
0x9c: {  	[sflag:s22] =	ssyncadd.s32 @p3 $0xFFFFD800;
	s22 =	simm.s32 @p3 $0x50;
	s5 =	smul.u32 @!p2 $0xFA0, s5  }
0x9d: {  	[spmem:s3] =	stream.indirect.scatter.add.f32 @p3 [tilespmem:s16], [sflag:$0x4], $0x80, s10, s22, $0xb8;
	[tilespmem:$0x1D380] =	vst v63  }
0x9e: {  	s5 =	sadd.s32 @!p2 s6, s5  }
0x9f: {  	s5 =	sshrl.u32 @!p2 s5, $0x3  }
0xa0: {  	s16 =	simm.s32 @!p2 $0x0;
	s10 =	sadd.s32 @!p2 s7, s5  }
0xa1: {  	[tilespmem:s16], [sflag:$0x7] =	stream.linear.gather @!p2 [hbm4b:s10+s16], $0xFA0, $0x38;
	[tilespmem:$0x1D380] =	vst v63  }
0xa2: {  	s10 =	simm.s32 @!p2 $0x7  }
0xa3: {  	_ =	swait.ge @!p2 [sflag:s10], $0xFA0  }
0xa4: {  	p4 =	por !p4, !p3;
	s22 =	simm.s32 @!p2 $0x1000;
	[sflag:s10] =	ssyncset.done @!p2 $0x0  }
0xa5: {  	s9 =	simm.s32 @p4 $0x0;
	s5 =	sadd.s32 @!p2 s8, s5;
	[sflag:s10] =	ssyncadd.s32 @!p2 $0xFFFFF060  }
0xa6: {  	[tilespmem:s22], [sflag:$0x7] =	stream.linear.gather @!p2 [hbm4b:s5+s16], $0xFA0, $0x38;
	[tilespmem:$0x1D380] =	vst v63  }
0xa7: {  	s9 =	simm.s32 @!p3 $0x2;
	_ =	swait.ge @!p2 [sflag:s10], $0xFA0  }
0xa8: {  	s9 =	smul.u32 $0x50, s9;
	s5 =	simm.s32 @!p3 $0x50;
	[sflag:s10] =	ssyncset.done @!p2 $0x0  }
0xa9: {  	s16 =	simm.s32 @!p3 $0x2300;
	[sflag:s10] =	ssyncadd.s32 @!p2 $0xFFFFF060;
	s10 =	simm.s32 @!p3 $0x2180  }
0xaa: {  	[spmem:s3] =	stream.indirect.scatter.add.f32 @!p3 [tilespmem:s16], [sflag:$0x4], $0x80, s10, s5, $0xb8;
	[tilespmem:$0x1D380] =	vst v63  }
0xab: {  	v0 =	vld [tilespmem:s9+$0x0];
	_ =	sdelay $0x4  }
0xac: {  	[tilespmem:$0x2100] =	vst v0  }
0xad: {  	v0 =	vld [tilespmem:s9+$0x10];
	_ =	sdelay $0x4  }
0xae: {  	[tilespmem:$0x2110] =	vst v0  }
0xaf: {  	v0 =	vld [tilespmem:s9+$0x20];
	_ =	sdelay $0x4  }
0xb0: {  	[tilespmem:$0x2120] =	vst v0  }
0xb1: {  	v0 =	vld [tilespmem:s9+$0x30];
	_ =	sdelay $0x4  }
0xb2: {  	[tilespmem:$0x2130] =	vst v0  }
0xb3: {  	v0 =	vld [tilespmem:s9+$0x40];
	_ =	sdelay $0x4  }
0xb4: {  	[tilespmem:$0x2140] =	vst v0  }
0xb5: {  	v0 =	vld [tilespmem:s9+$0x1000];
	_ =	sdelay $0x4  }
0xb6: {  	[tilespmem:$0x2280] =	vst v0  }
0xb7: {  	v0 =	vld [tilespmem:s9+$0x1010];
	_ =	sdelay $0x4  }
0xb8: {  	[tilespmem:$0x2290] =	vst v0  }
0xb9: {  	v0 =	vld [tilespmem:s9+$0x1020];
	_ =	sdelay $0x4  }
0xba: {  	[tilespmem:$0x22A0] =	vst v0  }
0xbb: {  	v0 =	vld [tilespmem:s9+$0x1030];
	_ =	sdelay $0x4  }
0xbc: {  	[tilespmem:$0x22B0] =	vst v0  }
0xbd: {  	v0 =	vld [tilespmem:s9+$0x1040]  }
0xbe: {  	s22 =	sadd.s32 $0x3, s15  }
0xbf: {  	s18 =	sand.u32 $0xFF, s22  }
0xc0: {  	s17 =	smul.u32 $0x29, s18  }
0xc1: {  	s5 =	simm.s32 @!p5 $0x50;
	s10 =	simm.s32 @!p5 $0x2100  }
0xc2: {  	s16 =	simm.s32 @!p5 $0x7300;
	s19 =	sshrl.u32 s17, $0xB;
	s17 =	simm.s32 @p0 $0x7300;
	[tilespmem:$0x22C0] =	vst v0  }
0xc3: {  	[tilespmem:s16], [sflag:$0x3] =	stream.indirect.gather @!p5 [hbm4b:s1+s5], $0x80, s10, s5, $0xb8;
	[tilespmem:$0x1D380] =	vst v63  }
0xc4: {  	s9 =	simm.s32 @p0 $0x50;
	s16 =	simm.s32 @p0 $0x2100;
	s10 =	smul.u32 $0x32, s19  }
0xc5: {  	[tilespmem:s17], [sflag:$0x3] =	stream.indirect.gather @p0 [hbm4b:s2+s9], $0x80, s16, s9, $0xb8;
	[tilespmem:$0x1D380] =	vst v63  }
0xc6: {  	s10 =	ssub.s32 s22, s10  }
0xc7: {  	s10 =	sand.u32 $0xFF, s10  }
0xc8: {  	_ =	swait.ge [sflag:s24], $0x2800;
	p2 =	sne.s32 s10, $0x0  }
0xc9: {  	[sflag:s24] =	ssyncset.done $0x0;
	s16 =	sand.u32 @!p2 $0xFF, s22  }
0xca: {  	[sflag:s24] =	ssyncadd.s32 $0xFFFFD800;
	s16 =	smul.u32 @!p2 $0x29, s16  }
0xcb: {  	_ =	swait.ge [sflag:s25], $0x2800  }
0xcc: {  	[sflag:s25] =	ssyncset.done $0x0;
	s16 =	sshrl.u32 @!p2 s16, $0xB  }
0xcd: {  	[sflag:s25] =	ssyncadd.s32 $0xFFFFD800;
	s16 =	smul.u32 @!p2 $0xFA0, s16  }
0xce: {  	[spmem:s3] =	stream.indirect.scatter.add.f32 [tilespmem:s29], [sflag:$0x5], $0x80, s28, s26, $0xb8;
	[tilespmem:$0x1D380] =	vst v63  }
0xcf: {  	s16 =	sadd.s32 @!p2 s6, s16  }
0xd0: {  	s16 =	sshrl.u32 @!p2 s16, $0x3  }
0xd1: {  	s18 =	simm.s32 @!p2 $0x0;
	s17 =	sadd.s32 @!p2 s7, s16  }
0xd2: {  	[tilespmem:s18], [sflag:$0x7] =	stream.linear.gather @!p2 [hbm4b:s17+s18], $0xFA0, $0x38;
	[tilespmem:$0x1D380] =	vst v63  }
0xd3: {  	s17 =	simm.s32 @!p2 $0x7  }
0xd4: {  	_ =	swait.ge @!p2 [sflag:s17], $0xFA0  }
0xd5: {  	[sflag:s17] =	ssyncset.done @!p2 $0x0  }
0xd6: {  	s19 =	simm.s32 @!p2 $0x1000;
	s16 =	sadd.s32 @!p2 s8, s16;
	[sflag:s17] =	ssyncadd.s32 @!p2 $0xFFFFF060  }
0xd7: {  	[tilespmem:s19], [sflag:$0x7] =	stream.linear.gather @!p2 [hbm4b:s16+s18], $0xFA0, $0x38;
	[tilespmem:$0x1D380] =	vst v63  }
0xd8: {  	_ =	swait.ge @!p2 [sflag:s17], $0xFA0  }
0xd9: {  	s10 =	smul.u32 $0x50, s10;
	[sflag:s17] =	ssyncset.done @!p2 $0x0  }
0xda: {  	[sflag:s17] =	ssyncadd.s32 @!p2 $0xFFFFF060  }
0xdb: {  	v63 =	vld [tilespmem:s10+$0x0];
	_ =	sdelay $0x4  }
0xdc: {  	[tilespmem:$0x2000] =	vst v63  }
0xdd: {  	v0 =	vld [tilespmem:s10+$0x10];
	_ =	sdelay $0x4  }
0xde: {  	[tilespmem:$0x2010] =	vst v0  }
0xdf: {  	v0 =	vld [tilespmem:s10+$0x20];
	_ =	sdelay $0x4  }
0xe0: {  	[tilespmem:$0x2020] =	vst v0  }
0xe1: {  	v0 =	vld [tilespmem:s10+$0x30];
	_ =	sdelay $0x4  }
0xe2: {  	[tilespmem:$0x2030] =	vst v0  }
0xe3: {  	v0 =	vld [tilespmem:s10+$0x40];
	_ =	sdelay $0x4  }
0xe4: {  	[tilespmem:$0x2040] =	vst v0  }
0xe5: {  	v0 =	vld [tilespmem:s10+$0x1000];
	_ =	sdelay $0x4  }
0xe6: {  	[tilespmem:$0x2180] =	vst v0  }
0xe7: {  	v0 =	vld [tilespmem:s10+$0x1010];
	_ =	sdelay $0x4  }
0xe8: {  	[tilespmem:$0x2190] =	vst v0  }
0xe9: {  	v0 =	vld [tilespmem:s10+$0x1020];
	_ =	sdelay $0x4  }
0xea: {  	[tilespmem:$0x21A0] =	vst v0  }
0xeb: {  	v0 =	vld [tilespmem:s10+$0x1030];
	_ =	sdelay $0x4  }
0xec: {  	[tilespmem:$0x21B0] =	vst v0  }
0xed: {  	v0 =	vld [tilespmem:s10+$0x1040];
	_ =	sdelay $0x4  }
0xee: {  	s16 =	simm.s32 @!p5 $0x2300;
	s10 =	simm.s32 @!p5 $0x2000;
	[tilespmem:$0x21C0] =	vst v0  }
0xef: {  	[tilespmem:s16], [sflag:$0x1] =	stream.indirect.gather @!p5 [hbm4b:s1+s5], $0x80, s10, s5, $0xb8;
	[tilespmem:$0x1D380] =	vst v63  }
0xf0: {  	s10 =	simm.s32 @p0 $0x2000;
	s16 =	simm.s32 @p0 $0x2300  }
0xf1: {  	[tilespmem:s16], [sflag:$0x1] =	stream.indirect.gather @p0 [hbm4b:s2+s9], $0x80, s10, s9, $0xb8;
	[tilespmem:$0x1D380] =	vst v63  }
0xf2: {  	_ =	swait.ge [sflag:s30], $0x2800  }
0xf3: {  	p2 =	seq.s32 s15, $0xF6;
	[sflag:s30] =	ssyncset.done $0x0  }
.Ltmp6:
0xf4: {  	[sflag:s30] =	ssyncadd.s32 $0xFFFFD800;
	(pc) =	sbr.rel @p2 .LBB2_9-.Ltmp6, $4  }
0xf5: {  	_ =	swait.ge [sflag:s31], $0x2800  }
0xf6: {  	[sflag:s31] =	ssyncset.done $0x0  }
0xf7: {  	[sflag:s31] =	ssyncadd.s32 $0xFFFFD800  }
0xf8: {  	[spmem:s3] =	stream.indirect.scatter.add.f32 [tilespmem:s12], [sflag:$0x6], $0x80, s0, s26, $0xb8;
	[tilespmem:$0x1D380] =	vst v63  }
0xf9: {  	s10 =	sadd.s32 $0x4, s15  }
0xfa: {  	s15 =	sand.u32 $0xFF, s10  }
0xfb: {  	s15 =	smul.u32 $0x29, s15;
	_ =	sdelay $0x1  }
0xfc: {  	s15 =	sshrl.u32 s15, $0xB  }
0xfd: {  	s15 =	smul.u32 $0x32, s15;
	_ =	sdelay $0x1  }
0xfe: {  	s15 =	ssub.s32 s10, s15  }
0xff: {  	s15 =	sand.u32 $0xFF, s15  }
0x100: {  	p2 =	sne.s32 s15, $0x0  }
0x101: {  	s10 =	sand.u32 @!p2 $0xFF, s10  }
0x102: {  	s10 =	smul.u32 @!p2 $0x29, s10;
	_ =	sdelay $0x1  }
0x103: {  	s10 =	sshrl.u32 @!p2 s10, $0xB  }
0x104: {  	s10 =	smul.u32 @!p2 $0xFA0, s10;
	_ =	sdelay $0x1  }
0x105: {  	s10 =	sadd.s32 @!p2 s6, s10  }
0x106: {  	s10 =	sshrl.u32 @!p2 s10, $0x3  }
0x107: {  	s17 =	simm.s32 @!p2 $0x0;
	s16 =	sadd.s32 @!p2 s7, s10  }
0x108: {  	[tilespmem:s17], [sflag:$0x7] =	stream.linear.gather @!p2 [hbm4b:s16+s17], $0xFA0, $0x38;
	[tilespmem:$0x1D380] =	vst v63  }
0x109: {  	s16 =	simm.s32 @!p2 $0x7  }
0x10a: {  	_ =	swait.ge @!p2 [sflag:s16], $0xFA0  }
0x10b: {  	[sflag:s16] =	ssyncset.done @!p2 $0x0  }
0x10c: {  	s18 =	simm.s32 @!p2 $0x1000;
	s10 =	sadd.s32 @!p2 s8, s10;
	[sflag:s16] =	ssyncadd.s32 @!p2 $0xFFFFF060  }
0x10d: {  	[tilespmem:s18], [sflag:$0x7] =	stream.linear.gather @!p2 [hbm4b:s10+s17], $0xFA0, $0x38;
	[tilespmem:$0x1D380] =	vst v63  }
0x10e: {  	_ =	swait.ge @!p2 [sflag:s16], $0xFA0  }
0x10f: {  	s19 =	smul.u32 $0x50, s15;
	[sflag:s16] =	ssyncset.done @!p2 $0x0  }
0x110: {  	[sflag:s16] =	ssyncadd.s32 @!p2 $0xFFFFF060  }
0x111: {  	v0 =	vld [tilespmem:s19+$0x0];
	_ =	sdelay $0x4  }
0x112: {  	[tilespmem:$0x2080] =	vst v0  }
0x113: {  	v0 =	vld [tilespmem:s19+$0x10];
	_ =	sdelay $0x4  }
0x114: {  	[tilespmem:$0x2090] =	vst v0  }
0x115: {  	v0 =	vld [tilespmem:s19+$0x20];
	_ =	sdelay $0x4  }
0x116: {  	[tilespmem:$0x20A0] =	vst v0  }
0x117: {  	v0 =	vld [tilespmem:s19+$0x30];
	_ =	sdelay $0x4  }
0x118: {  	[tilespmem:$0x20B0] =	vst v0  }
0x119: {  	v0 =	vld [tilespmem:s19+$0x40];
	_ =	sdelay $0x4  }
0x11a: {  	[tilespmem:$0x20C0] =	vst v0  }
0x11b: {  	v0 =	vld [tilespmem:s19+$0x1000];
	_ =	sdelay $0x4  }
0x11c: {  	[tilespmem:$0x2200] =	vst v0  }
0x11d: {  	v0 =	vld [tilespmem:s19+$0x1010];
	_ =	sdelay $0x4  }
0x11e: {  	[tilespmem:$0x2210] =	vst v0  }
0x11f: {  	v0 =	vld [tilespmem:s19+$0x1020];
	_ =	sdelay $0x4  }
0x120: {  	[tilespmem:$0x2220] =	vst v0  }
0x121: {  	v0 =	vld [tilespmem:s19+$0x1030];
	_ =	sdelay $0x4  }
0x122: {  	[tilespmem:$0x2230] =	vst v0  }
0x123: {  	v0 =	vld [tilespmem:s19+$0x1040];
	_ =	sdelay $0x3  }
.Ltmp7:
0x124: {  	_ = 	snop;
	(pc) =	sbr.rel .LBB2_7-.Ltmp7, $4  }
0x125: {  	s15 =	simm.s32 @!p5 $0x4B00;
	s10 =	simm.s32 @!p5 $0x2080;
	[tilespmem:$0x2240] =	vst v0  }
0x126: {  	[tilespmem:s15], [sflag:$0x2] =	stream.indirect.gather @!p5 [hbm4b:s1+s5], $0x80, s10, s5, $0xb8;
	[tilespmem:$0x1D380] =	vst v63  }
0x127: {  	s5 =	simm.s32 @p0 $0x2080;
	s10 =	simm.s32 @p0 $0x4B00;
	s15 =	smov.u32 s22  }
0x128: {  	[tilespmem:s10], [sflag:$0x2] =	stream.indirect.gather @p0 [hbm4b:s2+s9], $0x80, s5, s9, $0xb8;
	[tilespmem:$0x1D380] =	vst v63  }
.LBB2_10:
0x129: {  	_ =	sfence.sel $0x180000  }
0x12a: {  	[bflag:$0x0] =	sbarrier.arrive $0xFFFF  }
0x12b: {  	_ =	strace $0x9000004A  }
0x12c: {  	[bflag:$0x2] =	sbarrier.arrive $0xFFFF  }
0x12d: {  	p0 =	sne.s32 s4, $0x0;
	s0 =	rddreg [dreg:$0x4]  }
0x12e: {  	s0 =	sadd.s32 @!p0 $0x100000, s0  }
0x12f: {  	[sflag:s0] =	ssyncadd.tile.s32 @!p0 $0x1;
	_ =	shalt  }
.Lfunc_end2:
_tile_overlayer_lowered:
.L_overlay_start_2:
0x130: {  	(tag) =	ssettag $0x2  }
0x131: {  	s0 =	rddreg [dreg:$0x0];
	s2 =	stileid.u32  }
0x132: {  	s1 =	rddreg [dreg:$0x1];
	p0 =	sne.s32 s2, $0x0  }
0x133: {  	s3 =	rddreg [dreg:$0x2];
	[bflag:$0x3] =	sbarrier.arrive $0xFFFF;
	s2 =	simm.s32 @!p0 $0x1C07  }
0x134: {  	[timem:s3], [sflag:s2] =	dma.local @!p0 [hbm:s0], s1  }
0x135: {  	s0 =	simm.s32 @!p0 $0x7  }
0x136: {  	_ =	swait.ge @!p0 [sflag:s0], s1  }
0x137: {  	s1 =	ssub.s32 @!p0 $0x0, s1;
	[sflag:s0] =	ssyncset.done @!p0 $0x0  }
0x138: {  	[sflag:s0] =	ssyncadd.s32 @!p0 s1  }
0x139: {  	[bflag:$0x3] =	sbarrier.arrive $0xFFFF  }
0x13a: {  	_ =	shalt  }

</sc_bundles>
